<compile_context>
chip_gen: v7x
topology: tpu7x:2x2x1
jax: 0.10.2.dev20260603
libtpu: 0.0.44.dev20260713+nightly
codegen_flags: <defaults>
</compile_context>

<pallas_src>
import functools

import jax
import jax.numpy as jnp
from jax import lax
from jax.experimental import pallas as pl
from jax.experimental.pallas import tpu as pltpu
from jax.experimental.pallas import tpu_sc as plsc

HIDDEN_DIM = 512
N_EXPERTS = 16
TOP_K = 2
SEQ = 2048
IN_DIM = 1024

BLK = 512
ROWS = SEQ * TOP_K
NB = ROWS // BLK + N_EXPERTS
P = NB * BLK

_NW = 32
_TPW = SEQ // _NW


def _sc_scatter_tokens(inp, dt):
    mesh = plsc.VectorSubcoreMesh(core_axis_name="c", subcore_axis_name="s")
    info = plsc.get_sparse_core_info()

    @functools.partial(
        pl.kernel,
        mesh=mesh,
        out_type=jax.ShapeDtypeStruct((P, IN_DIM), jnp.float32),
        scratch_types=[
            pltpu.VMEM((_TPW,), jnp.int32),
            pltpu.VMEM((_TPW,), jnp.int32),
            pltpu.VMEM((_TPW, IN_DIM), jnp.float32),
            pltpu.SemaphoreType.DMA,
            pltpu.SemaphoreType.DMA,
        ],
    )
    def k(inp_hbm, dt_hbm, out_hbm, idx0_v, idx1_v, rows_v, s0, s1):
        wid = lax.axis_index("s") * info.num_cores + lax.axis_index("c")
        r = wid // 2
        c0 = (wid % 2) * _TPW
        pltpu.sync_copy(dt_hbm.at[r, pl.ds(c0, _TPW)], idx0_v)
        pltpu.sync_copy(dt_hbm.at[_SR + r, pl.ds(c0, _TPW)], idx1_v)
        pltpu.sync_copy(inp_hbm.at[pl.ds(wid * _TPW, _TPW)], rows_v)
        cp0 = pltpu.async_copy(rows_v, out_hbm.at[idx0_v], s0)
        cp1 = pltpu.async_copy(rows_v, out_hbm.at[idx1_v], s1)
        cp0.wait()
        cp1.wait()

    return k(inp, dt)


def _sc_gather_rows(src, dt, n_rows, d):
    info = plsc.get_sparse_core_info()
    per_w = 128
    chunk = 64
    n_chunks = per_w // chunk
    mesh = plsc.VectorSubcoreMesh(core_axis_name="c", subcore_axis_name="s")

    @functools.partial(
        pl.kernel,
        mesh=mesh,
        out_type=jax.ShapeDtypeStruct((n_rows, d), jnp.float32),
        scratch_types=[
            pltpu.VMEM((per_w,), jnp.int32),
            pltpu.VMEM((chunk, d), jnp.float32),
            pltpu.SemaphoreType.DMA,
        ],
    )
    def k(src_hbm, dt_hbm, out_hbm, idx_v, rows_v, sem):
        wid = lax.axis_index("s") * info.num_cores + lax.axis_index("c")
        base = wid * per_w
        pltpu.sync_copy(dt_hbm.at[wid], idx_v)
        for c in range(n_chunks):
            pltpu.async_copy(src_hbm.at[idx_v.at[pl.ds(c * chunk, chunk)]],
                             rows_v, sem).wait()
            pltpu.sync_copy(rows_v, out_hbm.at[pl.ds(base + c * chunk, chunk)])

    return k(src, dt)


def _ffn_body(meta_ref, x_ref, wu_ref, wg_ref, wd_ref, o_ref):
    b = pl.program_id(0)

    @pl.when(b < meta_ref[NB])
    def _():
        x = x_ref[...].astype(jnp.bfloat16)
        wu = wu_ref[0].astype(jnp.bfloat16)
        wg = wg_ref[0].astype(jnp.bfloat16)
        wd = wd_ref[0].astype(jnp.bfloat16)
        h = lax.dot_general(x, wu, (((1,), (1,)), ((), ())),
                            preferred_element_type=jnp.float32)
        g = lax.dot_general(x, wg, (((1,), (1,)), ((), ())),
                            preferred_element_type=jnp.float32)
        a = (jax.nn.gelu(g) * h).astype(jnp.bfloat16)
        o_ref[...] = lax.dot_general(a, wd, (((1,), (0,)), ((), ())),
                                     preferred_element_type=jnp.float32)


def _grouped_ffn(x_perm, meta, wu, wg, wd):
    xmap = lambda b, mt: (jnp.minimum(b, mt[NB] - 1), 0)
    wmap = lambda b, mt: (mt[b], 0, 0)
    grid_spec = pltpu.PrefetchScalarGridSpec(
        num_scalar_prefetch=1,
        grid=(NB,),
        in_specs=[
            pl.BlockSpec((BLK, IN_DIM), xmap),
            pl.BlockSpec((1, HIDDEN_DIM, IN_DIM), wmap),
            pl.BlockSpec((1, HIDDEN_DIM, IN_DIM), wmap),
            pl.BlockSpec((1, HIDDEN_DIM, IN_DIM), wmap),
        ],
        out_specs=pl.BlockSpec((BLK, IN_DIM), xmap),
    )
    return pl.pallas_call(
        _ffn_body,
        grid_spec=grid_spec,
        out_shape=jax.ShapeDtypeStruct((P, IN_DIM), jnp.float32),
    )(meta, x_perm, wu, wg, wd)


def _combine_body(y0_ref, y1_ref, w_ref, o_ref):
    o_ref[...] = (y0_ref[...] * w_ref[:, 0:1] + y1_ref[...] * w_ref[:, 1:2])


def _combine(y_unperm, weights):
    rows = 256
    nblk = SEQ // rows
    return pl.pallas_call(
        _combine_body,
        grid=(nblk,),
        in_specs=[
            pl.BlockSpec((rows, IN_DIM), lambda i: (i, 0)),
            pl.BlockSpec((rows, IN_DIM), lambda i: (i + nblk, 0)),
            pl.BlockSpec((rows, TOP_K), lambda i: (i, 0)),
        ],
        out_specs=pl.BlockSpec((rows, IN_DIM), lambda i: (i, 0)),
        out_shape=jax.ShapeDtypeStruct((SEQ, IN_DIM), jnp.float32),
    )(y_unperm, y_unperm, weights)


_SR = SEQ // 128


def _routing_body(s0_ref, s1_ref, dt_ref, meta_ref):
    s0 = s0_ref[...]
    s1 = s1_ref[...]
    lane = lax.broadcasted_iota(jnp.int32, (_SR, 128), 1)
    row = lax.broadcasted_iota(jnp.int32, (_SR, 128), 0)
    ucol = lax.broadcasted_iota(jnp.int32, (128, 128), 1)
    urow = lax.broadcasted_iota(jnp.int32, (128, 128), 0)
    upper = (urow < ucol).astype(jnp.bfloat16)
    lrow = lax.broadcasted_iota(jnp.int32, (_SR, _SR), 0)
    lcol = lax.broadcasted_iota(jnp.int32, (_SR, _SR), 1)
    lower = (lrow > lcol).astype(jnp.bfloat16)
    ones = jnp.ones((128, 128), jnp.bfloat16)

    def eprefix(m):
        mb = m.astype(jnp.bfloat16)
        pl_lane = lax.dot_general(mb, upper, (((1,), (0,)), ((), ())),
                                  preferred_element_type=jnp.float32)
        tot_rep = lax.dot_general(mb, ones, (((1,), (0,)), ((), ())),
                                  preferred_element_type=jnp.float32)
        carry = lax.dot_general(lower, tot_rep.astype(jnp.bfloat16),
                                (((1,), (0,)), ((), ())),
                                preferred_element_type=jnp.float32)
        return pl_lane + carry

    d0 = jnp.zeros((_SR, 128), jnp.float32)
    d1 = jnp.zeros((_SR, 128), jnp.float32)
    pad_end_prev = jnp.int32(0)
    pad_ends = []
    for e in range(N_EXPERTS):
        m0 = (s0 == e)
        m1 = (s1 == e)
        p0 = eprefix(m0)
        p1 = eprefix(m1)
        cnt = (jnp.sum(m0.astype(jnp.float32))
               + jnp.sum(m1.astype(jnp.float32))).astype(jnp.int32)
        padded = ((cnt + BLK - 1) // BLK) * BLK
        pad_start = pad_end_prev
        pad_end_prev = pad_end_prev + padded
        pad_ends.append(pad_end_prev)
        base = pad_start.astype(jnp.float32) + p0 + p1
        d0 = jnp.where(m0, base, d0)
        d1 = jnp.where(m1, base + m0.astype(jnp.float32), d1)
    dt_ref[0:_SR, :] = d0.astype(jnp.int32)
    dt_ref[_SR:2 * _SR, :] = d1.astype(jnp.int32)
    total = pad_end_prev
    bv = lax.broadcasted_iota(jnp.int32, (1, 128), 1) * BLK
    be = jnp.zeros((1, 128), jnp.int32)
    e_last = jnp.int32(0)
    for e in range(N_EXPERTS):
        be = be + jnp.where(pad_ends[e] <= bv, 1, 0)
        e_last = e_last + jnp.where(pad_ends[e] <= total - 1, 1, 0)
    be = jnp.minimum(be, e_last)
    n_live = total // BLK
    lane1 = lax.broadcasted_iota(jnp.int32, (1, 128), 1)
    meta_ref[...] = jnp.where(lane1 == NB, n_live, be)


def _routing(selections):
    s0 = selections[:, 0].reshape(_SR, 128)
    s1 = selections[:, 1].reshape(_SR, 128)
    dt, meta = pl.pallas_call(
        _routing_body,
        out_shape=(jax.ShapeDtypeStruct((2 * _SR, 128), jnp.int32),
                   jax.ShapeDtypeStruct((1, 128), jnp.int32)),
    )(s0, s1)
    return dt, meta


def kernel(inp, weights, selections, up_proj, gate_proj, down_proj):
    dt, meta = _routing(selections)
    wu = up_proj.reshape(N_EXPERTS, HIDDEN_DIM, IN_DIM)
    wg = gate_proj.reshape(N_EXPERTS, HIDDEN_DIM, IN_DIM)
    wd = down_proj.reshape(N_EXPERTS, HIDDEN_DIM, IN_DIM)
    x_perm = _sc_scatter_tokens(inp, dt)
    y = _grouped_ffn(x_perm, meta.reshape(128), wu, wg, wd)
    y_unperm = _sc_gather_rows(y, dt, ROWS, IN_DIM)
    return _combine(y_unperm, weights)

# --- scband reference (transcript-rebuilt; emitter-appended) ---
"""Pipeline reference for scband-moe-ffn-51273319580267 (READ-ONLY COPY).

The authoritative reference and input builder live on the scoring server;
editing this copy changes nothing except your own understanding.
"""

import jax, jax.numpy as jnp
import numpy as np

HIDDEN_DIM = 512
N_EXPERTS = 16
TOP_K = 2
SEQ = 2048
IN_DIM = 1024


def setup_inputs(seed: int = 0) -> dict:
    key = jax.random.key(seed)
    k1, k2, k3, k4, k5, k6 = jax.random.split(key, 6)
    inp = jax.random.normal(k1, (SEQ, IN_DIM), dtype=jnp.float32)
    weights = jax.random.uniform(k2, (SEQ, TOP_K), dtype=jnp.float32)
    selections = jax.random.randint(k3, (SEQ, TOP_K), 0, N_EXPERTS, dtype=jnp.int32)
    # learned parameters, xavier-ish scale, shapes per the flax module params
    scale = (2.0 / (IN_DIM + HIDDEN_DIM)) ** 0.5
    up_proj = jax.random.normal(k4, (HIDDEN_DIM * N_EXPERTS, IN_DIM), dtype=jnp.float32) * scale
    gate_proj = jax.random.normal(k5, (HIDDEN_DIM * N_EXPERTS, IN_DIM), dtype=jnp.float32) * scale
    down_proj = jax.random.normal(k6, (HIDDEN_DIM * N_EXPERTS, IN_DIM), dtype=jnp.float32) * scale
    return {
        "inp": inp,
        "weights": weights,
        "selections": selections,
        "up_proj": up_proj,
        "gate_proj": gate_proj,
        "down_proj": down_proj,
    }


def reference(inp, weights, selections, up_proj, gate_proj, down_proj):
    seq, in_dim = inp.shape
    topk = selections.shape[-1]
    # replicate each token top_k times (matches jnp.tile + reshape in the module)
    moe_inp = jnp.tile(inp.reshape(seq, 1, -1), (1, topk, 1)).reshape(-1, in_dim)
    flat_sel = selections.reshape(-1)
    Wu = up_proj.reshape(N_EXPERTS, HIDDEN_DIM, in_dim)
    Wg = gate_proj.reshape(N_EXPERTS, HIDDEN_DIM, in_dim)
    Wd = down_proj.reshape(N_EXPERTS, HIDDEN_DIM, in_dim)
    out = jnp.zeros((moe_inp.shape[0], in_dim), dtype=inp.dtype)
    # exact per-expert FFN: h = x Wu[e]^T, g = x Wg[e]^T, y = (gelu(g) * h) Wd[e]
    # (mathematically identical to the BlockCSR padded-gather / block_matmul path)
    for e in range(N_EXPERTS):
        h = moe_inp @ Wu[e].T
        g = moe_inp @ Wg[e].T
        y = (jax.nn.gelu(g) * h) @ Wd[e]
        out = jnp.where((flat_sel == e)[:, None], y, out)
    output = out[: seq * topk].reshape(seq, topk, in_dim)
    weighted = output * weights[:, :, None]
    return weighted.sum(axis=1)

if __name__ == "__main__":
    import jax
    _d = setup_inputs()
    print(jax.jit(kernel)(*tuple(_d.values())))

</pallas_src>

<mosaic_0001>
#map = affine_map<(d0, d1) -> (0, 0)>
module attributes {stable_mosaic.version = 14 : i64} {
  func.func @k(%arg0: i32, %arg1: i32, %arg2: memref<12288x1024xf32, #tpu.memory_space<hbm>>, %arg3: memref<32x128xi32, #tpu.memory_space<hbm>>, %arg4: memref<4096x1024xf32, #tpu.memory_space<hbm>>, %arg5: memref<128xi32, #tpu.memory_space<vmem>>, %arg6: memref<64x1024xf32, #tpu.memory_space<vmem>>, %arg7: memref<!tpu.dma_semaphore, #tpu.memory_space<semaphore_mem>>) attributes {dimension_semantics = [#tpu.dimension_semantics<core_parallel>, #tpu.dimension_semantics<subcore_parallel>], iteration_bounds = array<i64: 2, 16>, scalar_prefetch = 0 : i64, scratch_operands = 3 : i64, tpu.core_type = #tpu.core_type<sc_vector_subcore>, window_params = [{transform_indices = #map}, {transform_indices = #map}, {transform_indices = #map}]} {
    %mul3A = arith.constant 2 : i32
    %mul3A_0 = arith.muli %arg1, %mul3A : i32
    %add3A = arith.addi %mul3A_0, %arg0 : i32
    %mul3A_1 = arith.constant 128 : i32
    %mul3A_2 = arith.muli %add3A, %mul3A_1 : i32
    "tpu.region"() ({
      %run_scoped3A = tpu.sem_alloc : memref<!tpu.dma_semaphore, #tpu.memory_space<semaphore_mem>>
      %dma_start3A_25 = arith.constant 0 : i32
      %dma_start3A_26 = tpu.memref_slice %arg3[%add3A, %dma_start3A_25] : memref<32x128xi32, #tpu.memory_space<hbm>> -> memref<1x128xi32, #tpu.memory_space<hbm>>
      %dma_start3A_27 = tpu.memref_squeeze %dma_start3A_26 : memref<1x128xi32, #tpu.memory_space<hbm>> -> memref<128xi32, #tpu.memory_space<hbm>>
      %dma_start3A_28 = arith.constant 0 : i32
      %dma_start3A_29 = tpu.memref_slice %arg3[%add3A, %dma_start3A_28] : memref<32x128xi32, #tpu.memory_space<hbm>> -> memref<1x128xi32, #tpu.memory_space<hbm>>
      %dma_start3A_30 = tpu.memref_squeeze %dma_start3A_29 : memref<1x128xi32, #tpu.memory_space<hbm>> -> memref<128xi32, #tpu.memory_space<hbm>>
      tpu.enqueue_dma source(%dma_start3A_30 : memref<128xi32, #tpu.memory_space<hbm>>) target(%arg5 : memref<128xi32, #tpu.memory_space<vmem>>) target_semaphore(%run_scoped3A : memref<!tpu.dma_semaphore, #tpu.memory_space<semaphore_mem>>)
      %dma_wait3A_31 = arith.constant 0 : i32
      %dma_wait3A_32 = tpu.memref_slice %arg3[%add3A, %dma_wait3A_31] : memref<32x128xi32, #tpu.memory_space<hbm>> -> memref<1x128xi32, #tpu.memory_space<hbm>>
      %dma_wait3A_33 = tpu.memref_squeeze %dma_wait3A_32 : memref<1x128xi32, #tpu.memory_space<hbm>> -> memref<128xi32, #tpu.memory_space<hbm>>
      %dma_wait3A_34 = arith.constant 0 : i32
      %dma_wait3A_35 = tpu.memref_slice %arg3[%add3A, %dma_wait3A_34] : memref<32x128xi32, #tpu.memory_space<hbm>> -> memref<1x128xi32, #tpu.memory_space<hbm>>
      %dma_wait3A_36 = tpu.memref_squeeze %dma_wait3A_35 : memref<1x128xi32, #tpu.memory_space<hbm>> -> memref<128xi32, #tpu.memory_space<hbm>>
      tpu.wait_dma2 semaphore(%run_scoped3A : memref<!tpu.dma_semaphore, #tpu.memory_space<semaphore_mem>>) src(%dma_wait3A_36 : memref<128xi32, #tpu.memory_space<hbm>>) dst(%arg5 : memref<128xi32, #tpu.memory_space<vmem>>)
      tpu.yield
    }) : () -> ()
    %dma_start3A = arith.constant 0 : i32
    %dma_start3A_3 = tpu.memref_slice %arg5[%dma_start3A] : memref<128xi32, #tpu.memory_space<vmem>> -> memref<64xi32, #tpu.memory_space<vmem>>
    %dma_start3A_4 = arith.constant 0 : i32
    %dma_start3A_5 = arith.constant 0 : i32
    %dma_start3A_6 = tpu.memref_slice %arg2[%dma_start3A_4, %dma_start3A_5] : memref<12288x1024xf32, #tpu.memory_space<hbm>> -> memref<12288x1024xf32, #tpu.memory_space<hbm>>
    tpu.enqueue_indirect_dma source(%dma_start3A_6 : memref<12288x1024xf32, #tpu.memory_space<hbm>>) target(%arg6 : memref<64x1024xf32, #tpu.memory_space<vmem>>) offsets(%dma_start3A_3 : memref<64xi32, #tpu.memory_space<vmem>>) semaphore(%arg7 : memref<!tpu.dma_semaphore, #tpu.memory_space<semaphore_mem>>)
    %dma_wait3A = arith.constant 0 : i32
    %dma_wait3A_7 = tpu.memref_slice %arg5[%dma_wait3A] : memref<128xi32, #tpu.memory_space<vmem>> -> memref<64xi32, #tpu.memory_space<vmem>>
    %dma_wait3A_8 = arith.constant 0 : i32
    %dma_wait3A_9 = arith.constant 0 : i32
    %dma_wait3A_10 = tpu.memref_slice %arg2[%dma_wait3A_8, %dma_wait3A_9] : memref<12288x1024xf32, #tpu.memory_space<hbm>> -> memref<12288x1024xf32, #tpu.memory_space<hbm>>
    tpu.wait_indirect_dma semaphore(%arg7 : memref<!tpu.dma_semaphore, #tpu.memory_space<semaphore_mem>>) src(%dma_wait3A_10 : memref<12288x1024xf32, #tpu.memory_space<hbm>>) dst(%arg6 : memref<64x1024xf32, #tpu.memory_space<vmem>>)
    %add3A_11 = arith.constant 0 : i32
    %add3A_12 = arith.addi %mul3A_2, %add3A_11 : i32
    "tpu.region"() ({
      %run_scoped3A = tpu.sem_alloc : memref<!tpu.dma_semaphore, #tpu.memory_space<semaphore_mem>>
      %dma_start3A_25 = arith.constant 0 : i32
      %dma_start3A_26 = tpu.memref_slice %arg4[%add3A_12, %dma_start3A_25] : memref<4096x1024xf32, #tpu.memory_space<hbm>> -> memref<64x1024xf32, #tpu.memory_space<hbm>>
      %dma_start3A_27 = arith.constant 0 : i32
      %dma_start3A_28 = tpu.memref_slice %arg4[%add3A_12, %dma_start3A_27] : memref<4096x1024xf32, #tpu.memory_space<hbm>> -> memref<64x1024xf32, #tpu.memory_space<hbm>>
      tpu.enqueue_dma source(%arg6 : memref<64x1024xf32, #tpu.memory_space<vmem>>) target(%dma_start3A_28 : memref<64x1024xf32, #tpu.memory_space<hbm>>) target_semaphore(%run_scoped3A : memref<!tpu.dma_semaphore, #tpu.memory_space<semaphore_mem>>)
      %dma_wait3A_29 = arith.constant 0 : i32
      %dma_wait3A_30 = tpu.memref_slice %arg4[%add3A_12, %dma_wait3A_29] : memref<4096x1024xf32, #tpu.memory_space<hbm>> -> memref<64x1024xf32, #tpu.memory_space<hbm>>
      %dma_wait3A_31 = arith.constant 0 : i32
      %dma_wait3A_32 = tpu.memref_slice %arg4[%add3A_12, %dma_wait3A_31] : memref<4096x1024xf32, #tpu.memory_space<hbm>> -> memref<64x1024xf32, #tpu.memory_space<hbm>>
      tpu.wait_dma2 semaphore(%run_scoped3A : memref<!tpu.dma_semaphore, #tpu.memory_space<semaphore_mem>>) src(%arg6 : memref<64x1024xf32, #tpu.memory_space<vmem>>) dst(%dma_wait3A_32 : memref<64x1024xf32, #tpu.memory_space<hbm>>)
      tpu.yield
    }) : () -> ()
    %dma_start3A_13 = arith.constant 64 : i32
    %dma_start3A_14 = tpu.memref_slice %arg5[%dma_start3A_13] : memref<128xi32, #tpu.memory_space<vmem>> -> memref<64xi32, #tpu.memory_space<vmem>>
    %dma_start3A_15 = arith.constant 0 : i32
    %dma_start3A_16 = arith.constant 0 : i32
    %dma_start3A_17 = tpu.memref_slice %arg2[%dma_start3A_15, %dma_start3A_16] : memref<12288x1024xf32, #tpu.memory_space<hbm>> -> memref<12288x1024xf32, #tpu.memory_space<hbm>>
    tpu.enqueue_indirect_dma source(%dma_start3A_17 : memref<12288x1024xf32, #tpu.memory_space<hbm>>) target(%arg6 : memref<64x1024xf32, #tpu.memory_space<vmem>>) offsets(%dma_start3A_14 : memref<64xi32, #tpu.memory_space<vmem>>) semaphore(%arg7 : memref<!tpu.dma_semaphore, #tpu.memory_space<semaphore_mem>>)
    %dma_wait3A_18 = arith.constant 64 : i32
    %dma_wait3A_19 = tpu.memref_slice %arg5[%dma_wait3A_18] : memref<128xi32, #tpu.memory_space<vmem>> -> memref<64xi32, #tpu.memory_space<vmem>>
    %dma_wait3A_20 = arith.constant 0 : i32
    %dma_wait3A_21 = arith.constant 0 : i32
    %dma_wait3A_22 = tpu.memref_slice %arg2[%dma_wait3A_20, %dma_wait3A_21] : memref<12288x1024xf32, #tpu.memory_space<hbm>> -> memref<12288x1024xf32, #tpu.memory_space<hbm>>
    tpu.wait_indirect_dma semaphore(%arg7 : memref<!tpu.dma_semaphore, #tpu.memory_space<semaphore_mem>>) src(%dma_wait3A_22 : memref<12288x1024xf32, #tpu.memory_space<hbm>>) dst(%arg6 : memref<64x1024xf32, #tpu.memory_space<vmem>>)
    %add3A_23 = arith.constant 64 : i32
    %add3A_24 = arith.addi %mul3A_2, %add3A_23 : i32
    "tpu.region"() ({
      %run_scoped3A = tpu.sem_alloc : memref<!tpu.dma_semaphore, #tpu.memory_space<semaphore_mem>>
      %dma_start3A_25 = arith.constant 0 : i32
      %dma_start3A_26 = tpu.memref_slice %arg4[%add3A_24, %dma_start3A_25] : memref<4096x1024xf32, #tpu.memory_space<hbm>> -> memref<64x1024xf32, #tpu.memory_space<hbm>>
      %dma_start3A_27 = arith.constant 0 : i32
      %dma_start3A_28 = tpu.memref_slice %arg4[%add3A_24, %dma_start3A_27] : memref<4096x1024xf32, #tpu.memory_space<hbm>> -> memref<64x1024xf32, #tpu.memory_space<hbm>>
      tpu.enqueue_dma source(%arg6 : memref<64x1024xf32, #tpu.memory_space<vmem>>) target(%dma_start3A_28 : memref<64x1024xf32, #tpu.memory_space<hbm>>) target_semaphore(%run_scoped3A : memref<!tpu.dma_semaphore, #tpu.memory_space<semaphore_mem>>)
      %dma_wait3A_29 = arith.constant 0 : i32
      %dma_wait3A_30 = tpu.memref_slice %arg4[%add3A_24, %dma_wait3A_29] : memref<4096x1024xf32, #tpu.memory_space<hbm>> -> memref<64x1024xf32, #tpu.memory_space<hbm>>
      %dma_wait3A_31 = arith.constant 0 : i32
      %dma_wait3A_32 = tpu.memref_slice %arg4[%add3A_24, %dma_wait3A_31] : memref<4096x1024xf32, #tpu.memory_space<hbm>> -> memref<64x1024xf32, #tpu.memory_space<hbm>>
      tpu.wait_dma2 semaphore(%run_scoped3A : memref<!tpu.dma_semaphore, #tpu.memory_space<semaphore_mem>>) src(%arg6 : memref<64x1024xf32, #tpu.memory_space<vmem>>) dst(%dma_wait3A_32 : memref<64x1024xf32, #tpu.memory_space<hbm>>)
      tpu.yield
    }) : () -> ()
    return
  }
}

#map = affine_map<(d0, d1) -> (0, 0)>
module attributes {stable_mosaic.version = 14 : i64} {
  func.func @k(%arg0: i32, %arg1: i32, %arg2: memref<2048x1024xf32, #tpu.memory_space<hbm>>, %arg3: memref<32x128xi32, #tpu.memory_space<hbm>>, %arg4: memref<12288x1024xf32, #tpu.memory_space<hbm>>, %arg5: memref<64xi32, #tpu.memory_space<vmem>>, %arg6: memref<64xi32, #tpu.memory_space<vmem>>, %arg7: memref<64x1024xf32, #tpu.memory_space<vmem>>, %arg8: memref<!tpu.dma_semaphore, #tpu.memory_space<semaphore_mem>>, %arg9: memref<!tpu.dma_semaphore, #tpu.memory_space<semaphore_mem>>) attributes {dimension_semantics = [#tpu.dimension_semantics<core_parallel>, #tpu.dimension_semantics<subcore_parallel>], iteration_bounds = array<i64: 2, 16>, scalar_prefetch = 0 : i64, scratch_operands = 5 : i64, tpu.core_type = #tpu.core_type<sc_vector_subcore>, window_params = [{transform_indices = #map}, {transform_indices = #map}, {transform_indices = #map}]} {
    %mul3A = arith.constant 2 : i32
    %mul3A_0 = arith.muli %arg1, %mul3A : i32
    %add3A = arith.addi %mul3A_0, %arg0 : i32
    %jit3A = arith.constant 2 : i32
    %div3A = arith.divsi %add3A, %jit3A : i32
    %sign3A = arith.constant 0 : i32
    %sign3A_1 = arith.cmpi sgt, %add3A, %sign3A : i32
    %sign3A_2 = arith.extui %sign3A_1 : i1 to i32
    %sign3A_3 = arith.constant 0 : i32
    %sign3A_4 = arith.cmpi slt, %add3A, %sign3A_3 : i32
    %sign3A_5 = arith.extui %sign3A_4 : i1 to i32
    %sign3A_6 = arith.subi %sign3A_2, %sign3A_5 : i32
    %sign3A_7 = arith.constant 0 : i32
    %sign3A_8 = arith.cmpi sgt, %jit3A, %sign3A_7 : i32
    %sign3A_9 = arith.extui %sign3A_8 : i1 to i32
    %sign3A_10 = arith.constant 0 : i32
    %sign3A_11 = arith.cmpi slt, %jit3A, %sign3A_10 : i32
    %sign3A_12 = arith.extui %sign3A_11 : i1 to i32
    %sign3A_13 = arith.subi %sign3A_9, %sign3A_12 : i32
    %ne3A = arith.cmpi ne, %sign3A_6, %sign3A_13 : i32
    %rem3A = arith.remsi %add3A, %jit3A : i32
    %ne3A_14 = arith.constant 0 : i32
    %ne3A_15 = arith.cmpi ne, %rem3A, %ne3A_14 : i32
    %and3A = arith.andi %ne3A, %ne3A_15 : i1
    %sub3A = arith.constant 1 : i32
    %sub3A_16 = arith.subi %div3A, %sub3A : i32
    %select_n3A = arith.select %and3A, %sub3A_16, %div3A : i32
    %jit3A_17 = arith.constant 2 : i32
    %eq3A = arith.constant 0 : i32
    %eq3A_18 = arith.cmpi eq, %jit3A_17, %eq3A : i32
    %jit3A_19 = arith.constant 1 : i32
    %select_n3A_20 = arith.select %eq3A_18, %jit3A_19, %jit3A_17 : i32
    %rem3A_21 = arith.remsi %add3A, %select_n3A_20 : i32
    %ne3A_22 = arith.constant 0 : i32
    %ne3A_23 = arith.cmpi ne, %rem3A_21, %ne3A_22 : i32
    %lt3A = arith.constant 0 : i32
    %lt3A_24 = arith.cmpi slt, %rem3A_21, %lt3A : i32
    %lt3A_25 = arith.constant 0 : i32
    %lt3A_26 = arith.cmpi slt, %select_n3A_20, %lt3A_25 : i32
    %ne3A_27 = arith.xori %lt3A_24, %lt3A_26 : i1
    %and3A_28 = arith.andi %ne3A_27, %ne3A_23 : i1
    %add3A_29 = arith.addi %rem3A_21, %select_n3A_20 : i32
    %select_n3A_30 = arith.select %and3A_28, %add3A_29, %rem3A_21 : i32
    %mul3A_31 = arith.constant 64 : i32
    %mul3A_32 = arith.muli %select_n3A_30, %mul3A_31 : i32
    "tpu.region"() ({
      %run_scoped3A = tpu.sem_alloc : memref<!tpu.dma_semaphore, #tpu.memory_space<semaphore_mem>>
      %dma_start3A_47 = tpu.memref_slice %arg3[%select_n3A, %mul3A_32] : memref<32x128xi32, #tpu.memory_space<hbm>> -> memref<1x64xi32, #tpu.memory_space<hbm>>
      %dma_start3A_48 = tpu.memref_squeeze %dma_start3A_47 : memref<1x64xi32, #tpu.memory_space<hbm>> -> memref<64xi32, #tpu.memory_space<hbm>>
      %dma_start3A_49 = tpu.memref_slice %arg3[%select_n3A, %mul3A_32] : memref<32x128xi32, #tpu.memory_space<hbm>> -> memref<1x64xi32, #tpu.memory_space<hbm>>
      %dma_start3A_50 = tpu.memref_squeeze %dma_start3A_49 : memref<1x64xi32, #tpu.memory_space<hbm>> -> memref<64xi32, #tpu.memory_space<hbm>>
      tpu.enqueue_dma source(%dma_start3A_50 : memref<64xi32, #tpu.memory_space<hbm>>) target(%arg5 : memref<64xi32, #tpu.memory_space<vmem>>) target_semaphore(%run_scoped3A : memref<!tpu.dma_semaphore, #tpu.memory_space<semaphore_mem>>)
      %dma_wait3A_51 = tpu.memref_slice %arg3[%select_n3A, %mul3A_32] : memref<32x128xi32, #tpu.memory_space<hbm>> -> memref<1x64xi32, #tpu.memory_space<hbm>>
      %dma_wait3A_52 = tpu.memref_squeeze %dma_wait3A_51 : memref<1x64xi32, #tpu.memory_space<hbm>> -> memref<64xi32, #tpu.memory_space<hbm>>
      %dma_wait3A_53 = tpu.memref_slice %arg3[%select_n3A, %mul3A_32] : memref<32x128xi32, #tpu.memory_space<hbm>> -> memref<1x64xi32, #tpu.memory_space<hbm>>
      %dma_wait3A_54 = tpu.memref_squeeze %dma_wait3A_53 : memref<1x64xi32, #tpu.memory_space<hbm>> -> memref<64xi32, #tpu.memory_space<hbm>>
      tpu.wait_dma2 semaphore(%run_scoped3A : memref<!tpu.dma_semaphore, #tpu.memory_space<semaphore_mem>>) src(%dma_wait3A_54 : memref<64xi32, #tpu.memory_space<hbm>>) dst(%arg5 : memref<64xi32, #tpu.memory_space<vmem>>)
      tpu.yield
    }) : () -> ()
    %add3A_33 = arith.constant 16 : i32
    %add3A_34 = arith.addi %add3A_33, %select_n3A : i32
    "tpu.region"() ({
      %run_scoped3A = tpu.sem_alloc : memref<!tpu.dma_semaphore, #tpu.memory_space<semaphore_mem>>
      %dma_start3A_47 = tpu.memref_slice %arg3[%add3A_34, %mul3A_32] : memref<32x128xi32, #tpu.memory_space<hbm>> -> memref<1x64xi32, #tpu.memory_space<hbm>>
      %dma_start3A_48 = tpu.memref_squeeze %dma_start3A_47 : memref<1x64xi32, #tpu.memory_space<hbm>> -> memref<64xi32, #tpu.memory_space<hbm>>
      %dma_start3A_49 = tpu.memref_slice %arg3[%add3A_34, %mul3A_32] : memref<32x128xi32, #tpu.memory_space<hbm>> -> memref<1x64xi32, #tpu.memory_space<hbm>>
      %dma_start3A_50 = tpu.memref_squeeze %dma_start3A_49 : memref<1x64xi32, #tpu.memory_space<hbm>> -> memref<64xi32, #tpu.memory_space<hbm>>
      tpu.enqueue_dma source(%dma_start3A_50 : memref<64xi32, #tpu.memory_space<hbm>>) target(%arg6 : memref<64xi32, #tpu.memory_space<vmem>>) target_semaphore(%run_scoped3A : memref<!tpu.dma_semaphore, #tpu.memory_space<semaphore_mem>>)
      %dma_wait3A_51 = tpu.memref_slice %arg3[%add3A_34, %mul3A_32] : memref<32x128xi32, #tpu.memory_space<hbm>> -> memref<1x64xi32, #tpu.memory_space<hbm>>
      %dma_wait3A_52 = tpu.memref_squeeze %dma_wait3A_51 : memref<1x64xi32, #tpu.memory_space<hbm>> -> memref<64xi32, #tpu.memory_space<hbm>>
      %dma_wait3A_53 = tpu.memref_slice %arg3[%add3A_34, %mul3A_32] : memref<32x128xi32, #tpu.memory_space<hbm>> -> memref<1x64xi32, #tpu.memory_space<hbm>>
      %dma_wait3A_54 = tpu.memref_squeeze %dma_wait3A_53 : memref<1x64xi32, #tpu.memory_space<hbm>> -> memref<64xi32, #tpu.memory_space<hbm>>
      tpu.wait_dma2 semaphore(%run_scoped3A : memref<!tpu.dma_semaphore, #tpu.memory_space<semaphore_mem>>) src(%dma_wait3A_54 : memref<64xi32, #tpu.memory_space<hbm>>) dst(%arg6 : memref<64xi32, #tpu.memory_space<vmem>>)
      tpu.yield
    }) : () -> ()
    %mul3A_35 = arith.constant 64 : i32
    %mul3A_36 = arith.muli %add3A, %mul3A_35 : i32
    "tpu.region"() ({
      %run_scoped3A = tpu.sem_alloc : memref<!tpu.dma_semaphore, #tpu.memory_space<semaphore_mem>>
      %dma_start3A_47 = arith.constant 0 : i32
      %dma_start3A_48 = tpu.memref_slice %arg2[%mul3A_36, %dma_start3A_47] : memref<2048x1024xf32, #tpu.memory_space<hbm>> -> memref<64x1024xf32, #tpu.memory_space<hbm>>
      %dma_start3A_49 = arith.constant 0 : i32
      %dma_start3A_50 = tpu.memref_slice %arg2[%mul3A_36, %dma_start3A_49] : memref<2048x1024xf32, #tpu.memory_space<hbm>> -> memref<64x1024xf32, #tpu.memory_space<hbm>>
      tpu.enqueue_dma source(%dma_start3A_50 : memref<64x1024xf32, #tpu.memory_space<hbm>>) target(%arg7 : memref<64x1024xf32, #tpu.memory_space<vmem>>) target_semaphore(%run_scoped3A : memref<!tpu.dma_semaphore, #tpu.memory_space<semaphore_mem>>)
      %dma_wait3A_51 = arith.constant 0 : i32
      %dma_wait3A_52 = tpu.memref_slice %arg2[%mul3A_36, %dma_wait3A_51] : memref<2048x1024xf32, #tpu.memory_space<hbm>> -> memref<64x1024xf32, #tpu.memory_space<hbm>>
      %dma_wait3A_53 = arith.constant 0 : i32
      %dma_wait3A_54 = tpu.memref_slice %arg2[%mul3A_36, %dma_wait3A_53] : memref<2048x1024xf32, #tpu.memory_space<hbm>> -> memref<64x1024xf32, #tpu.memory_space<hbm>>
      tpu.wait_dma2 semaphore(%run_scoped3A : memref<!tpu.dma_semaphore, #tpu.memory_space<semaphore_mem>>) src(%dma_wait3A_54 : memref<64x1024xf32, #tpu.memory_space<hbm>>) dst(%arg7 : memref<64x1024xf32, #tpu.memory_space<vmem>>)
      tpu.yield
    }) : () -> ()
    %dma_start3A = arith.constant 0 : i32
    %dma_start3A_37 = arith.constant 0 : i32
    %dma_start3A_38 = tpu.memref_slice %arg4[%dma_start3A, %dma_start3A_37] : memref<12288x1024xf32, #tpu.memory_space<hbm>> -> memref<12288x1024xf32, #tpu.memory_space<hbm>>
    tpu.enqueue_indirect_dma source(%arg7 : memref<64x1024xf32, #tpu.memory_space<vmem>>) target(%dma_start3A_38 : memref<12288x1024xf32, #tpu.memory_space<hbm>>) offsets(%arg5 : memref<64xi32, #tpu.memory_space<vmem>>) semaphore(%arg8 : memref<!tpu.dma_semaphore, #tpu.memory_space<semaphore_mem>>)
    %dma_start3A_39 = arith.constant 0 : i32
    %dma_start3A_40 = arith.constant 0 : i32
    %dma_start3A_41 = tpu.memref_slice %arg4[%dma_start3A_39, %dma_start3A_40] : memref<12288x1024xf32, #tpu.memory_space<hbm>> -> memref<12288x1024xf32, #tpu.memory_space<hbm>>
    tpu.enqueue_indirect_dma source(%arg7 : memref<64x1024xf32, #tpu.memory_space<vmem>>) target(%dma_start3A_41 : memref<12288x1024xf32, #tpu.memory_space<hbm>>) offsets(%arg6 : memref<64xi32, #tpu.memory_space<vmem>>) semaphore(%arg9 : memref<!tpu.dma_semaphore, #tpu.memory_space<semaphore_mem>>)
    %dma_wait3A = arith.constant 0 : i32
    %dma_wait3A_42 = arith.constant 0 : i32
    %dma_wait3A_43 = tpu.memref_slice %arg4[%dma_wait3A, %dma_wait3A_42] : memref<12288x1024xf32, #tpu.memory_space<hbm>> -> memref<12288x1024xf32, #tpu.memory_space<hbm>>
    tpu.wait_indirect_dma semaphore(%arg8 : memref<!tpu.dma_semaphore, #tpu.memory_space<semaphore_mem>>) src(%arg7 : memref<64x1024xf32, #tpu.memory_space<vmem>>) dst(%dma_wait3A_43 : memref<12288x1024xf32, #tpu.memory_space<hbm>>)
    %dma_wait3A_44 = arith.constant 0 : i32
    %dma_wait3A_45 = arith.constant 0 : i32
    %dma_wait3A_46 = tpu.memref_slice %arg4[%dma_wait3A_44, %dma_wait3A_45] : memref<12288x1024xf32, #tpu.memory_space<hbm>> -> memref<12288x1024xf32, #tpu.memory_space<hbm>>
    tpu.wait_indirect_dma semaphore(%arg9 : memref<!tpu.dma_semaphore, #tpu.memory_space<semaphore_mem>>) src(%arg7 : memref<64x1024xf32, #tpu.memory_space<vmem>>) dst(%dma_wait3A_46 : memref<12288x1024xf32, #tpu.memory_space<hbm>>)
    return
  }
}

module attributes {stable_mosaic.version = 14 : i64} {
  func.func @_ffn_body(%arg0: i32, %arg1: memref<128xi32, #tpu.memory_space<smem>>, %arg2: memref<512x1024xf32, #tpu.memory_space<vmem>>, %arg3: memref<1x512x1024xf32, #tpu.memory_space<vmem>>, %arg4: memref<1x512x1024xf32, #tpu.memory_space<vmem>>, %arg5: memref<1x512x1024xf32, #tpu.memory_space<vmem>>, %arg6: memref<512x1024xf32, #tpu.memory_space<vmem>>) attributes {dimension_semantics = [#tpu.dimension_semantics<arbitrary>], iteration_bounds = array<i64: 24>, scalar_prefetch = 1 : i64, scratch_operands = 0 : i64, tpu.core_type = #tpu.core_type<tc>, window_params = [{transform_indices = @transform_0, window_bounds = array<i64: 512, 1024>}, {transform_indices = @transform_1, window_bounds = array<i64: 1, 512, 1024>}, {transform_indices = @transform_2, window_bounds = array<i64: 1, 512, 1024>}, {transform_indices = @transform_3, window_bounds = array<i64: 1, 512, 1024>}, {transform_indices = @transform_4, window_bounds = array<i64: 512, 1024>}]} {
    %get3A = arith.constant 24 : index
    %get3A_0 = memref.load %arg1[%get3A] : memref<128xi32, #tpu.memory_space<smem>>
    %lt3A = arith.cmpi slt, %arg0, %get3A_0 : i32
    %convert_element_type3A = arith.extui %lt3A : i1 to i32
    %cond3A = arith.constant 0 : i32
    %cond3A_1 = arith.cmpi ne, %convert_element_type3A, %cond3A : i32
    scf.if %cond3A_1 {
      %get3A_2 = arith.constant 0 : index
      %get3A_3 = arith.constant 0 : index
      %get3A_4 = vector.load %arg2[%get3A_2, %get3A_3] : memref<512x1024xf32, #tpu.memory_space<vmem>>, vector<512x1024xf32>
      %convert_element_type3A_5 = arith.truncf %get3A_4 : vector<512x1024xf32> to vector<512x1024xbf16>
      %get3A_6 = arith.constant 0 : index
      %get3A_7 = arith.constant 0 : index
      %get3A_8 = arith.constant 0 : index
      %get3A_9 = vector.load %arg3[%get3A_6, %get3A_7, %get3A_8] : memref<1x512x1024xf32, #tpu.memory_space<vmem>>, vector<1x512x1024xf32>
      %get3A_10 = vector.shape_cast %get3A_9 : vector<1x512x1024xf32> to vector<512x1024xf32>
      %convert_element_type3A_11 = arith.truncf %get3A_10 : vector<512x1024xf32> to vector<512x1024xbf16>
      %get3A_12 = arith.constant 0 : index
      %get3A_13 = arith.constant 0 : index
      %get3A_14 = arith.constant 0 : index
      %get3A_15 = vector.load %arg4[%get3A_12, %get3A_13, %get3A_14] : memref<1x512x1024xf32, #tpu.memory_space<vmem>>, vector<1x512x1024xf32>
      %get3A_16 = vector.shape_cast %get3A_15 : vector<1x512x1024xf32> to vector<512x1024xf32>
      %convert_element_type3A_17 = arith.truncf %get3A_16 : vector<512x1024xf32> to vector<512x1024xbf16>
      %get3A_18 = arith.constant 0 : index
      %get3A_19 = arith.constant 0 : index
      %get3A_20 = arith.constant 0 : index
      %get3A_21 = vector.load %arg5[%get3A_18, %get3A_19, %get3A_20] : memref<1x512x1024xf32, #tpu.memory_space<vmem>>, vector<1x512x1024xf32>
      %get3A_22 = vector.shape_cast %get3A_21 : vector<1x512x1024xf32> to vector<512x1024xf32>
      %convert_element_type3A_23 = arith.truncf %get3A_22 : vector<512x1024xf32> to vector<512x1024xbf16>
      %dot_general3A = arith.constant dense<0.000000e+00> : vector<512x512xf32>
      %dot_general3A_24 = tpu.matmul %convert_element_type3A_5, %convert_element_type3A_11, %dot_general3A {dimension_numbers = #tpu.dot_dimension_numbers<[1], [1], [0], [0], [0, 0, 1, 0], [], []>, transpose_lhs_hint = false} : vector<512x1024xbf16>, vector<512x1024xbf16>, vector<512x512xf32> -> vector<512x512xf32>
      %dot_general3A_25 = arith.constant dense<0.000000e+00> : vector<512x512xf32>
      %dot_general3A_26 = tpu.matmul %convert_element_type3A_5, %convert_element_type3A_17, %dot_general3A_25 {dimension_numbers = #tpu.dot_dimension_numbers<[1], [1], [0], [0], [0, 0, 1, 0], [], []>, transpose_lhs_hint = false} : vector<512x1024xbf16>, vector<512x1024xbf16>, vector<512x512xf32> -> vector<512x512xf32>
      %integer_pow3A = arith.mulf %dot_general3A_26, %dot_general3A_26 : vector<512x512xf32>
      %integer_pow3A_27 = arith.mulf %dot_general3A_26, %integer_pow3A : vector<512x512xf32>
      %mul3A = arith.constant 4.471500e-02 : f32
      %mul3A_28 = vector.broadcast %mul3A : f32 to vector<512x512xf32>
      %mul3A_29 = arith.mulf %mul3A_28, %integer_pow3A_27 : vector<512x512xf32>
      %add3A = arith.addf %dot_general3A_26, %mul3A_29 : vector<512x512xf32>
      %mul3A_30 = arith.constant 0.797884583 : f32
      %mul3A_31 = vector.broadcast %mul3A_30 : f32 to vector<512x512xf32>
      %mul3A_32 = arith.mulf %mul3A_31, %add3A : vector<512x512xf32>
      %tanh3A = math.tanh %mul3A_32 : vector<512x512xf32>
      %add3A_33 = arith.constant 1.000000e+00 : f32
      %add3A_34 = vector.broadcast %add3A_33 : f32 to vector<512x512xf32>
      %add3A_35 = arith.addf %add3A_34, %tanh3A : vector<512x512xf32>
      %mul3A_36 = arith.constant 5.000000e-01 : f32
      %mul3A_37 = vector.broadcast %mul3A_36 : f32 to vector<512x512xf32>
      %mul3A_38 = arith.mulf %mul3A_37, %add3A_35 : vector<512x512xf32>
      %mul3A_39 = arith.mulf %dot_general3A_26, %mul3A_38 : vector<512x512xf32>
      %mul3A_40 = arith.mulf %mul3A_39, %dot_general3A_24 : vector<512x512xf32>
      %convert_element_type3A_41 = arith.truncf %mul3A_40 : vector<512x512xf32> to vector<512x512xbf16>
      %dot_general3A_42 = arith.constant dense<0.000000e+00> : vector<512x1024xf32>
      %dot_general3A_43 = tpu.matmul %convert_element_type3A_41, %convert_element_type3A_23, %dot_general3A_42 {dimension_numbers = #tpu.dot_dimension_numbers<[1], [0], [0], [1], [0, 0, 1, 1], [], []>, transpose_lhs_hint = false} : vector<512x512xbf16>, vector<512x1024xbf16>, vector<512x1024xf32> -> vector<512x1024xf32>
      %swap3A = arith.constant 0 : index
      %swap3A_44 = arith.constant 0 : index
      %swap3A_45 = vector.load %arg6[%swap3A, %swap3A_44] : memref<512x1024xf32, #tpu.memory_space<vmem>>, vector<512x1024xf32>
      tpu.vector_store %arg6[%swap3A, %swap3A_44], %dot_general3A_43 {strides = array<i32>} : memref<512x1024xf32, #tpu.memory_space<vmem>>, vector<512x1024xf32>,
    } else {
    }
    return
  }
  func.func @transform_0(%arg0: i32, %arg1: memref<128xi32, #tpu.memory_space<smem>>) -> (i32, i32) {
    %get3A = arith.constant 24 : index
    %get3A_0 = memref.load %arg1[%get3A] : memref<128xi32, #tpu.memory_space<smem>>
    %sub3A = arith.constant 1 : i32
    %sub3A_1 = arith.subi %get3A_0, %sub3A : i32
    %min3A = arith.minsi %arg0, %sub3A_1 : i32
    %c0_i32 = arith.constant 0 : i32
    %c0_i32_2 = arith.constant 0 : i32
    return %min3A, %c0_i32 : i32, i32
  }
  func.func @transform_1(%arg0: i32, %arg1: memref<128xi32, #tpu.memory_space<smem>>) -> (i32, i32, i32) {
    %get3A = arith.index_cast %arg0 : i32 to index
    %get3A_0 = memref.load %arg1[%get3A] : memref<128xi32, #tpu.memory_space<smem>>
    %c0_i32 = arith.constant 0 : i32
    %c0_i32_1 = arith.constant 0 : i32
    %c0_i32_2 = arith.constant 0 : i32
    return %get3A_0, %c0_i32, %c0_i32_1 : i32, i32, i32
  }
  func.func @transform_2(%arg0: i32, %arg1: memref<128xi32, #tpu.memory_space<smem>>) -> (i32, i32, i32) {
    %get3A = arith.index_cast %arg0 : i32 to index
    %get3A_0 = memref.load %arg1[%get3A] : memref<128xi32, #tpu.memory_space<smem>>
    %c0_i32 = arith.constant 0 : i32
    %c0_i32_1 = arith.constant 0 : i32
    %c0_i32_2 = arith.constant 0 : i32
    return %get3A_0, %c0_i32, %c0_i32_1 : i32, i32, i32
  }
  func.func @transform_3(%arg0: i32, %arg1: memref<128xi32, #tpu.memory_space<smem>>) -> (i32, i32, i32) {
    %get3A = arith.index_cast %arg0 : i32 to index
    %get3A_0 = memref.load %arg1[%get3A] : memref<128xi32, #tpu.memory_space<smem>>
    %c0_i32 = arith.constant 0 : i32
    %c0_i32_1 = arith.constant 0 : i32
    %c0_i32_2 = arith.constant 0 : i32
    return %get3A_0, %c0_i32, %c0_i32_1 : i32, i32, i32
  }
  func.func @transform_4(%arg0: i32, %arg1: memref<128xi32, #tpu.memory_space<smem>>) -> (i32, i32) {
    %get3A = arith.constant 24 : index
    %get3A_0 = memref.load %arg1[%get3A] : memref<128xi32, #tpu.memory_space<smem>>
    %sub3A = arith.constant 1 : i32
    %sub3A_1 = arith.subi %get3A_0, %sub3A : i32
    %min3A = arith.minsi %arg0, %sub3A_1 : i32
    %c0_i32 = arith.constant 0 : i32
    %c0_i32_2 = arith.constant 0 : i32
    return %min3A, %c0_i32 : i32, i32
  }
}

module attributes {stable_mosaic.version = 14 : i64} {
  func.func @_combine_body(%arg0: i32, %arg1: memref<256x1024xf32, #tpu.memory_space<vmem>>, %arg2: memref<256x1024xf32, #tpu.memory_space<vmem>>, %arg3: memref<256x2xf32, #tpu.memory_space<vmem>>, %arg4: memref<256x1024xf32, #tpu.memory_space<vmem>>) attributes {dimension_semantics = [#tpu.dimension_semantics<arbitrary>], iteration_bounds = array<i64: 8>, scalar_prefetch = 0 : i64, scratch_operands = 0 : i64, tpu.core_type = #tpu.core_type<tc>, window_params = [{transform_indices = @transform_0, window_bounds = array<i64: 256, 1024>}, {transform_indices = @transform_1, window_bounds = array<i64: 256, 1024>}, {transform_indices = @transform_2, window_bounds = array<i64: 256, 2>}, {transform_indices = @transform_3, window_bounds = array<i64: 256, 1024>}]} {
    %get3A = arith.constant 0 : index
    %get3A_0 = arith.constant 0 : index
    %get3A_1 = vector.load %arg1[%get3A, %get3A_0] : memref<256x1024xf32, #tpu.memory_space<vmem>>, vector<256x1024xf32>
    %get3A_2 = arith.constant 0 : index
    %get3A_3 = arith.constant 0 : index
    %get3A_4 = vector.load %arg3[%get3A_2, %get3A_3] : memref<256x2xf32, #tpu.memory_space<vmem>>, vector<256x1xf32>
    %mul3A = vector.broadcast %get3A_4 : vector<256x1xf32> to vector<256x1024xf32>
    %mul3A_5 = arith.mulf %get3A_1, %mul3A : vector<256x1024xf32>
    %get3A_6 = arith.constant 0 : index
    %get3A_7 = arith.constant 0 : index
    %get3A_8 = vector.load %arg2[%get3A_6, %get3A_7] : memref<256x1024xf32, #tpu.memory_space<vmem>>, vector<256x1024xf32>
    %get3A_9 = arith.constant 0 : index
    %get3A_10 = arith.constant 1 : index
    %get3A_11 = vector.load %arg3[%get3A_9, %get3A_10] : memref<256x2xf32, #tpu.memory_space<vmem>>, vector<256x1xf32>
    %mul3A_12 = vector.broadcast %get3A_11 : vector<256x1xf32> to vector<256x1024xf32>
    %mul3A_13 = arith.mulf %get3A_8, %mul3A_12 : vector<256x1024xf32>
    %add3A = arith.addf %mul3A_5, %mul3A_13 : vector<256x1024xf32>
    %swap3A = arith.constant 0 : index
    %swap3A_14 = arith.constant 0 : index
    %swap3A_15 = vector.load %arg4[%swap3A, %swap3A_14] : memref<256x1024xf32, #tpu.memory_space<vmem>>, vector<256x1024xf32>
    tpu.vector_store %arg4[%swap3A, %swap3A_14], %add3A {strides = array<i32>} : memref<256x1024xf32, #tpu.memory_space<vmem>>, vector<256x1024xf32>,
    return
  }
  func.func @transform_0(%arg0: i32) -> (i32, i32) {
    %c0_i32 = arith.constant 0 : i32
    %c0_i32_0 = arith.constant 0 : i32
    return %arg0, %c0_i32 : i32, i32
  }
  func.func @transform_1(%arg0: i32) -> (i32, i32) {
    %add3A = arith.constant 8 : i32
    %add3A_0 = arith.addi %arg0, %add3A : i32
    %c0_i32 = arith.constant 0 : i32
    %c0_i32_1 = arith.constant 0 : i32
    return %add3A_0, %c0_i32 : i32, i32
  }
  func.func @transform_2(%arg0: i32) -> (i32, i32) {
    %c0_i32 = arith.constant 0 : i32
    %c0_i32_0 = arith.constant 0 : i32
    return %arg0, %c0_i32 : i32, i32
  }
  func.func @transform_3(%arg0: i32) -> (i32, i32) {
    %c0_i32 = arith.constant 0 : i32
    %c0_i32_0 = arith.constant 0 : i32
    return %arg0, %c0_i32 : i32, i32
  }
}

module attributes {stable_mosaic.version = 14 : i64} {
  func.func @_routing_body(%arg0: memref<16x128xi32, #tpu.memory_space<vmem>>, %arg1: memref<16x128xi32, #tpu.memory_space<vmem>>, %arg2: memref<32x128xi32, #tpu.memory_space<vmem>>, %arg3: memref<1x128xi32, #tpu.memory_space<vmem>>) attributes {dimension_semantics = [], scalar_prefetch = 0 : i64, scratch_operands = 0 : i64, tpu.core_type = #tpu.core_type<tc>} {
    %get3A = arith.constant 0 : index
    %get3A_0 = arith.constant 0 : index
    %get3A_1 = vector.load %arg0[%get3A, %get3A_0] : memref<16x128xi32, #tpu.memory_space<vmem>>, vector<16x128xi32>
    %get3A_2 = arith.constant 0 : index
    %get3A_3 = arith.constant 0 : index
    %get3A_4 = vector.load %arg1[%get3A_2, %get3A_3] : memref<16x128xi32, #tpu.memory_space<vmem>>, vector<16x128xi32>
    %iota3A = tpu.iota {dimensions = array<i32: 1>} : vector<128x128xi32>
    %iota3A_5 = tpu.iota {dimensions = array<i32: 0>} : vector<128x128xi32>
    %lt3A = arith.cmpi slt, %iota3A_5, %iota3A : vector<128x128xi32>
    %convert_element_type3A = arith.extui %lt3A : vector<128x128xi1> to vector<128x128xi32>
    %convert_element_type3A_6 = arith.sitofp %convert_element_type3A : vector<128x128xi32> to vector<128x128xf32>
    %convert_element_type3A_7 = arith.truncf %convert_element_type3A_6 : vector<128x128xf32> to vector<128x128xbf16>
    %iota3A_8 = tpu.iota {dimensions = array<i32: 0>} : vector<16x16xi32>
    %iota3A_9 = tpu.iota {dimensions = array<i32: 1>} : vector<16x16xi32>
    %gt3A = arith.cmpi sgt, %iota3A_8, %iota3A_9 : vector<16x16xi32>
    %convert_element_type3A_10 = arith.extui %gt3A : vector<16x16xi1> to vector<16x16xi32>
    %convert_element_type3A_11 = arith.sitofp %convert_element_type3A_10 : vector<16x16xi32> to vector<16x16xf32>
    %convert_element_type3A_12 = arith.truncf %convert_element_type3A_11 : vector<16x16xf32> to vector<16x16xbf16>
    %broadcast_in_dim3A = arith.constant 1.000000e+00 : bf16
    %broadcast_in_dim3A_13 = vector.broadcast %broadcast_in_dim3A : bf16 to vector<128x128xbf16>
    %broadcast_in_dim3A_14 = arith.constant 0.000000e+00 : f32
    %broadcast_in_dim3A_15 = vector.broadcast %broadcast_in_dim3A_14 : f32 to vector<16x128xf32>
    %broadcast_in_dim3A_16 = arith.constant 0.000000e+00 : f32
    %broadcast_in_dim3A_17 = vector.broadcast %broadcast_in_dim3A_16 : f32 to vector<16x128xf32>
    %eq3A = arith.constant 0 : i32
    %eq3A_18 = vector.broadcast %eq3A : i32 to vector<16x128xi32>
    %eq3A_19 = arith.cmpi eq, %get3A_1, %eq3A_18 : vector<16x128xi32>
    %eq3A_20 = arith.constant 0 : i32
    %eq3A_21 = vector.broadcast %eq3A_20 : i32 to vector<16x128xi32>
    %eq3A_22 = arith.cmpi eq, %get3A_4, %eq3A_21 : vector<16x128xi32>
    %convert_element_type3A_23 = arith.extui %eq3A_19 : vector<16x128xi1> to vector<16x128xi32>
    %convert_element_type3A_24 = arith.sitofp %convert_element_type3A_23 : vector<16x128xi32> to vector<16x128xf32>
    %convert_element_type3A_25 = arith.truncf %convert_element_type3A_24 : vector<16x128xf32> to vector<16x128xbf16>
    %dot_general3A = arith.constant dense<0.000000e+00> : vector<16x128xf32>
    %dot_general3A_26 = tpu.matmul %convert_element_type3A_25, %convert_element_type3A_7, %dot_general3A {dimension_numbers = #tpu.dot_dimension_numbers<[1], [0], [0], [1], [0, 0, 1, 1], [], []>, transpose_lhs_hint = false} : vector<16x128xbf16>, vector<128x128xbf16>, vector<16x128xf32> -> vector<16x128xf32>
    %dot_general3A_27 = arith.constant dense<0.000000e+00> : vector<16x128xf32>
    %dot_general3A_28 = tpu.matmul %convert_element_type3A_25, %broadcast_in_dim3A_13, %dot_general3A_27 {dimension_numbers = #tpu.dot_dimension_numbers<[1], [0], [0], [1], [0, 0, 1, 1], [], []>, transpose_lhs_hint = false} : vector<16x128xbf16>, vector<128x128xbf16>, vector<16x128xf32> -> vector<16x128xf32>
    %convert_element_type3A_29 = arith.truncf %dot_general3A_28 : vector<16x128xf32> to vector<16x128xbf16>
    %dot_general3A_30 = arith.constant dense<0.000000e+00> : vector<16x128xf32>
    %dot_general3A_31 = tpu.matmul %convert_element_type3A_12, %convert_element_type3A_29, %dot_general3A_30 {dimension_numbers = #tpu.dot_dimension_numbers<[1], [0], [0], [1], [0, 0, 1, 1], [], []>, transpose_lhs_hint = false} : vector<16x16xbf16>, vector<16x128xbf16>, vector<16x128xf32> -> vector<16x128xf32>
    %add3A = arith.addf %dot_general3A_26, %dot_general3A_31 : vector<16x128xf32>
    %convert_element_type3A_32 = arith.extui %eq3A_22 : vector<16x128xi1> to vector<16x128xi32>
    %convert_element_type3A_33 = arith.sitofp %convert_element_type3A_32 : vector<16x128xi32> to vector<16x128xf32>
    %convert_element_type3A_34 = arith.truncf %convert_element_type3A_33 : vector<16x128xf32> to vector<16x128xbf16>
    %dot_general3A_35 = arith.constant dense<0.000000e+00> : vector<16x128xf32>
    %dot_general3A_36 = tpu.matmul %convert_element_type3A_34, %convert_element_type3A_7, %dot_general3A_35 {dimension_numbers = #tpu.dot_dimension_numbers<[1], [0], [0], [1], [0, 0, 1, 1], [], []>, transpose_lhs_hint = false} : vector<16x128xbf16>, vector<128x128xbf16>, vector<16x128xf32> -> vector<16x128xf32>
    %dot_general3A_37 = arith.constant dense<0.000000e+00> : vector<16x128xf32>
    %dot_general3A_38 = tpu.matmul %convert_element_type3A_34, %broadcast_in_dim3A_13, %dot_general3A_37 {dimension_numbers = #tpu.dot_dimension_numbers<[1], [0], [0], [1], [0, 0, 1, 1], [], []>, transpose_lhs_hint = false} : vector<16x128xbf16>, vector<128x128xbf16>, vector<16x128xf32> -> vector<16x128xf32>
    %convert_element_type3A_39 = arith.truncf %dot_general3A_38 : vector<16x128xf32> to vector<16x128xbf16>
    %dot_general3A_40 = arith.constant dense<0.000000e+00> : vector<16x128xf32>
    %dot_general3A_41 = tpu.matmul %convert_element_type3A_12, %convert_element_type3A_39, %dot_general3A_40 {dimension_numbers = #tpu.dot_dimension_numbers<[1], [0], [0], [1], [0, 0, 1, 1], [], []>, transpose_lhs_hint = false} : vector<16x16xbf16>, vector<16x128xbf16>, vector<16x128xf32> -> vector<16x128xf32>
    %add3A_42 = arith.addf %dot_general3A_36, %dot_general3A_41 : vector<16x128xf32>
    %convert_element_type3A_43 = arith.extui %eq3A_19 : vector<16x128xi1> to vector<16x128xi32>
    %convert_element_type3A_44 = arith.sitofp %convert_element_type3A_43 : vector<16x128xi32> to vector<16x128xf32>
    %reduce_sum3A = vector.shape_cast %convert_element_type3A_44 : vector<16x128xf32> to vector<1x16x128xf32>
    %reduce_sum3A_45 = arith.constant dense<0.000000e+00> : vector<1xf32>
    %reduce_sum3A_46 = vector.multi_reduction <add>, %reduce_sum3A, %reduce_sum3A_45 [1, 2] : vector<1x16x128xf32> to vector<1xf32>
    %reduce_sum3A_47 = vector.shape_cast %reduce_sum3A_46 : vector<1xf32> to vector<1x1x1xf32>
    %reduce_sum3A_48 = vector.extract %reduce_sum3A_47[0, 0, 0] : f32 from vector<1x1x1xf32>
    %convert_element_type3A_49 = arith.extui %eq3A_22 : vector<16x128xi1> to vector<16x128xi32>
    %convert_element_type3A_50 = arith.sitofp %convert_element_type3A_49 : vector<16x128xi32> to vector<16x128xf32>
    %reduce_sum3A_51 = vector.shape_cast %convert_element_type3A_50 : vector<16x128xf32> to vector<1x16x128xf32>
    %reduce_sum3A_52 = arith.constant dense<0.000000e+00> : vector<1xf32>
    %reduce_sum3A_53 = vector.multi_reduction <add>, %reduce_sum3A_51, %reduce_sum3A_52 [1, 2] : vector<1x16x128xf32> to vector<1xf32>
    %reduce_sum3A_54 = vector.shape_cast %reduce_sum3A_53 : vector<1xf32> to vector<1x1x1xf32>
    %reduce_sum3A_55 = vector.extract %reduce_sum3A_54[0, 0, 0] : f32 from vector<1x1x1xf32>
    %add3A_56 = arith.addf %reduce_sum3A_48, %reduce_sum3A_55 : f32
    %convert_element_type3A_57 = arith.fptosi %add3A_56 : f32 to i32
    %add3A_58 = arith.constant 512 : i32
    %add3A_59 = arith.addi %convert_element_type3A_57, %add3A_58 : i32
    %sub3A = arith.constant 1 : i32
    %sub3A_60 = arith.subi %add3A_59, %sub3A : i32
    %jit3A = arith.constant 512 : i32
    %div3A = arith.divsi %sub3A_60, %jit3A : i32
    %sign3A = arith.constant 0 : i32
    %sign3A_61 = arith.cmpi sgt, %sub3A_60, %sign3A : i32
    %sign3A_62 = arith.extui %sign3A_61 : i1 to i32
    %sign3A_63 = arith.constant 0 : i32
    %sign3A_64 = arith.cmpi slt, %sub3A_60, %sign3A_63 : i32
    %sign3A_65 = arith.extui %sign3A_64 : i1 to i32
    %sign3A_66 = arith.subi %sign3A_62, %sign3A_65 : i32
    %sign3A_67 = arith.constant 0 : i32
    %sign3A_68 = arith.cmpi sgt, %jit3A, %sign3A_67 : i32
    %sign3A_69 = arith.extui %sign3A_68 : i1 to i32
    %sign3A_70 = arith.constant 0 : i32
    %sign3A_71 = arith.cmpi slt, %jit3A, %sign3A_70 : i32
    %sign3A_72 = arith.extui %sign3A_71 : i1 to i32
    %sign3A_73 = arith.subi %sign3A_69, %sign3A_72 : i32
    %ne3A = arith.cmpi ne, %sign3A_66, %sign3A_73 : i32
    %rem3A = arith.remsi %sub3A_60, %jit3A : i32
    %ne3A_74 = arith.constant 0 : i32
    %ne3A_75 = arith.cmpi ne, %rem3A, %ne3A_74 : i32
    %and3A = arith.andi %ne3A, %ne3A_75 : i1
    %sub3A_76 = arith.constant 1 : i32
    %sub3A_77 = arith.subi %div3A, %sub3A_76 : i32
    %select_n3A = arith.select %and3A, %sub3A_77, %div3A : i32
    %mul3A = arith.constant 512 : i32
    %mul3A_78 = arith.muli %select_n3A, %mul3A : i32
    %add3A_79 = arith.constant 0 : i32
    %add3A_80 = arith.addi %add3A_79, %mul3A_78 : i32
    %add3A_81 = arith.constant 0.000000e+00 : f32
    %add3A_82 = vector.broadcast %add3A_81 : f32 to vector<16x128xf32>
    %add3A_83 = arith.addf %add3A_82, %add3A : vector<16x128xf32>
    %add3A_84 = arith.addf %add3A_83, %add3A_42 : vector<16x128xf32>
    %select_n3A_85 = arith.select %eq3A_19, %add3A_84, %broadcast_in_dim3A_15 : vector<16x128xi1>, vector<16x128xf32>
    %convert_element_type3A_86 = arith.extui %eq3A_19 : vector<16x128xi1> to vector<16x128xi32>
    %convert_element_type3A_87 = arith.sitofp %convert_element_type3A_86 : vector<16x128xi32> to vector<16x128xf32>
    %add3A_88 = arith.addf %add3A_84, %convert_element_type3A_87 : vector<16x128xf32>
    %select_n3A_89 = arith.select %eq3A_22, %add3A_88, %broadcast_in_dim3A_17 : vector<16x128xi1>, vector<16x128xf32>
    %eq3A_90 = arith.constant 1 : i32
    %eq3A_91 = vector.broadcast %eq3A_90 : i32 to vector<16x128xi32>
    %eq3A_92 = arith.cmpi eq, %get3A_1, %eq3A_91 : vector<16x128xi32>
    %eq3A_93 = arith.constant 1 : i32
    %eq3A_94 = vector.broadcast %eq3A_93 : i32 to vector<16x128xi32>
    %eq3A_95 = arith.cmpi eq, %get3A_4, %eq3A_94 : vector<16x128xi32>
    %convert_element_type3A_96 = arith.extui %eq3A_92 : vector<16x128xi1> to vector<16x128xi32>
    %convert_element_type3A_97 = arith.sitofp %convert_element_type3A_96 : vector<16x128xi32> to vector<16x128xf32>
    %convert_element_type3A_98 = arith.truncf %convert_element_type3A_97 : vector<16x128xf32> to vector<16x128xbf16>
    %dot_general3A_99 = arith.constant dense<0.000000e+00> : vector<16x128xf32>
    %dot_general3A_100 = tpu.matmul %convert_element_type3A_98, %convert_element_type3A_7, %dot_general3A_99 {dimension_numbers = #tpu.dot_dimension_numbers<[1], [0], [0], [1], [0, 0, 1, 1], [], []>, transpose_lhs_hint = false} : vector<16x128xbf16>, vector<128x128xbf16>, vector<16x128xf32> -> vector<16x128xf32>
    %dot_general3A_101 = arith.constant dense<0.000000e+00> : vector<16x128xf32>
    %dot_general3A_102 = tpu.matmul %convert_element_type3A_98, %broadcast_in_dim3A_13, %dot_general3A_101 {dimension_numbers = #tpu.dot_dimension_numbers<[1], [0], [0], [1], [0, 0, 1, 1], [], []>, transpose_lhs_hint = false} : vector<16x128xbf16>, vector<128x128xbf16>, vector<16x128xf32> -> vector<16x128xf32>
    %convert_element_type3A_103 = arith.truncf %dot_general3A_102 : vector<16x128xf32> to vector<16x128xbf16>
    %dot_general3A_104 = arith.constant dense<0.000000e+00> : vector<16x128xf32>
    %dot_general3A_105 = tpu.matmul %convert_element_type3A_12, %convert_element_type3A_103, %dot_general3A_104 {dimension_numbers = #tpu.dot_dimension_numbers<[1], [0], [0], [1], [0, 0, 1, 1], [], []>, transpose_lhs_hint = false} : vector<16x16xbf16>, vector<16x128xbf16>, vector<16x128xf32> -> vector<16x128xf32>
    %add3A_106 = arith.addf %dot_general3A_100, %dot_general3A_105 : vector<16x128xf32>
    %convert_element_type3A_107 = arith.extui %eq3A_95 : vector<16x128xi1> to vector<16x128xi32>
    %convert_element_type3A_108 = arith.sitofp %convert_element_type3A_107 : vector<16x128xi32> to vector<16x128xf32>
    %convert_element_type3A_109 = arith.truncf %convert_element_type3A_108 : vector<16x128xf32> to vector<16x128xbf16>
    %dot_general3A_110 = arith.constant dense<0.000000e+00> : vector<16x128xf32>
    %dot_general3A_111 = tpu.matmul %convert_element_type3A_109, %convert_element_type3A_7, %dot_general3A_110 {dimension_numbers = #tpu.dot_dimension_numbers<[1], [0], [0], [1], [0, 0, 1, 1], [], []>, transpose_lhs_hint = false} : vector<16x128xbf16>, vector<128x128xbf16>, vector<16x128xf32> -> vector<16x128xf32>
    %dot_general3A_112 = arith.constant dense<0.000000e+00> : vector<16x128xf32>
    %dot_general3A_113 = tpu.matmul %convert_element_type3A_109, %broadcast_in_dim3A_13, %dot_general3A_112 {dimension_numbers = #tpu.dot_dimension_numbers<[1], [0], [0], [1], [0, 0, 1, 1], [], []>, transpose_lhs_hint = false} : vector<16x128xbf16>, vector<128x128xbf16>, vector<16x128xf32> -> vector<16x128xf32>
    %convert_element_type3A_114 = arith.truncf %dot_general3A_113 : vector<16x128xf32> to vector<16x128xbf16>
    %dot_general3A_115 = arith.constant dense<0.000000e+00> : vector<16x128xf32>
    %dot_general3A_116 = tpu.matmul %convert_element_type3A_12, %convert_element_type3A_114, %dot_general3A_115 {dimension_numbers = #tpu.dot_dimension_numbers<[1], [0], [0], [1], [0, 0, 1, 1], [], []>, transpose_lhs_hint = false} : vector<16x16xbf16>, vector<16x128xbf16>, vector<16x128xf32> -> vector<16x128xf32>
    %add3A_117 = arith.addf %dot_general3A_111, %dot_general3A_116 : vector<16x128xf32>
    %convert_element_type3A_118 = arith.extui %eq3A_92 : vector<16x128xi1> to vector<16x128xi32>
    %convert_element_type3A_119 = arith.sitofp %convert_element_type3A_118 : vector<16x128xi32> to vector<16x128xf32>
    %reduce_sum3A_120 = vector.shape_cast %convert_element_type3A_119 : vector<16x128xf32> to vector<1x16x128xf32>
    %reduce_sum3A_121 = arith.constant dense<0.000000e+00> : vector<1xf32>
    %reduce_sum3A_122 = vector.multi_reduction <add>, %reduce_sum3A_120, %reduce_sum3A_121 [1, 2] : vector<1x16x128xf32> to vector<1xf32>
    %reduce_sum3A_123 = vector.shape_cast %reduce_sum3A_122 : vector<1xf32> to vector<1x1x1xf32>
    %reduce_sum3A_124 = vector.extract %reduce_sum3A_123[0, 0, 0] : f32 from vector<1x1x1xf32>
    %convert_element_type3A_125 = arith.extui %eq3A_95 : vector<16x128xi1> to vector<16x128xi32>
    %convert_element_type3A_126 = arith.sitofp %convert_element_type3A_125 : vector<16x128xi32> to vector<16x128xf32>
    %reduce_sum3A_127 = vector.shape_cast %convert_element_type3A_126 : vector<16x128xf32> to vector<1x16x128xf32>
    %reduce_sum3A_128 = arith.constant dense<0.000000e+00> : vector<1xf32>
    %reduce_sum3A_129 = vector.multi_reduction <add>, %reduce_sum3A_127, %reduce_sum3A_128 [1, 2] : vector<1x16x128xf32> to vector<1xf32>
    %reduce_sum3A_130 = vector.shape_cast %reduce_sum3A_129 : vector<1xf32> to vector<1x1x1xf32>
    %reduce_sum3A_131 = vector.extract %reduce_sum3A_130[0, 0, 0] : f32 from vector<1x1x1xf32>
    %add3A_132 = arith.addf %reduce_sum3A_124, %reduce_sum3A_131 : f32
    %convert_element_type3A_133 = arith.fptosi %add3A_132 : f32 to i32
    %add3A_134 = arith.constant 512 : i32
    %add3A_135 = arith.addi %convert_element_type3A_133, %add3A_134 : i32
    %sub3A_136 = arith.constant 1 : i32
    %sub3A_137 = arith.subi %add3A_135, %sub3A_136 : i32
    %jit3A_138 = arith.constant 512 : i32
    %div3A_139 = arith.divsi %sub3A_137, %jit3A_138 : i32
    %sign3A_140 = arith.constant 0 : i32
    %sign3A_141 = arith.cmpi sgt, %sub3A_137, %sign3A_140 : i32
    %sign3A_142 = arith.extui %sign3A_141 : i1 to i32
    %sign3A_143 = arith.constant 0 : i32
    %sign3A_144 = arith.cmpi slt, %sub3A_137, %sign3A_143 : i32
    %sign3A_145 = arith.extui %sign3A_144 : i1 to i32
    %sign3A_146 = arith.subi %sign3A_142, %sign3A_145 : i32
    %sign3A_147 = arith.constant 0 : i32
    %sign3A_148 = arith.cmpi sgt, %jit3A_138, %sign3A_147 : i32
    %sign3A_149 = arith.extui %sign3A_148 : i1 to i32
    %sign3A_150 = arith.constant 0 : i32
    %sign3A_151 = arith.cmpi slt, %jit3A_138, %sign3A_150 : i32
    %sign3A_152 = arith.extui %sign3A_151 : i1 to i32
    %sign3A_153 = arith.subi %sign3A_149, %sign3A_152 : i32
    %ne3A_154 = arith.cmpi ne, %sign3A_146, %sign3A_153 : i32
    %rem3A_155 = arith.remsi %sub3A_137, %jit3A_138 : i32
    %ne3A_156 = arith.constant 0 : i32
    %ne3A_157 = arith.cmpi ne, %rem3A_155, %ne3A_156 : i32
    %and3A_158 = arith.andi %ne3A_154, %ne3A_157 : i1
    %sub3A_159 = arith.constant 1 : i32
    %sub3A_160 = arith.subi %div3A_139, %sub3A_159 : i32
    %select_n3A_161 = arith.select %and3A_158, %sub3A_160, %div3A_139 : i32
    %mul3A_162 = arith.constant 512 : i32
    %mul3A_163 = arith.muli %select_n3A_161, %mul3A_162 : i32
    %add3A_164 = arith.addi %add3A_80, %mul3A_163 : i32
    %convert_element_type3A_165 = arith.sitofp %add3A_80 : i32 to f32
    %add3A_166 = vector.broadcast %convert_element_type3A_165 : f32 to vector<16x128xf32>
    %add3A_167 = arith.addf %add3A_166, %add3A_106 : vector<16x128xf32>
    %add3A_168 = arith.addf %add3A_167, %add3A_117 : vector<16x128xf32>
    %select_n3A_169 = arith.select %eq3A_92, %add3A_168, %select_n3A_85 : vector<16x128xi1>, vector<16x128xf32>
    %convert_element_type3A_170 = arith.extui %eq3A_92 : vector<16x128xi1> to vector<16x128xi32>
    %convert_element_type3A_171 = arith.sitofp %convert_element_type3A_170 : vector<16x128xi32> to vector<16x128xf32>
    %add3A_172 = arith.addf %add3A_168, %convert_element_type3A_171 : vector<16x128xf32>
    %select_n3A_173 = arith.select %eq3A_95, %add3A_172, %select_n3A_89 : vector<16x128xi1>, vector<16x128xf32>
    %eq3A_174 = arith.constant 2 : i32
    %eq3A_175 = vector.broadcast %eq3A_174 : i32 to vector<16x128xi32>
    %eq3A_176 = arith.cmpi eq, %get3A_1, %eq3A_175 : vector<16x128xi32>
    %eq3A_177 = arith.constant 2 : i32
    %eq3A_178 = vector.broadcast %eq3A_177 : i32 to vector<16x128xi32>
    %eq3A_179 = arith.cmpi eq, %get3A_4, %eq3A_178 : vector<16x128xi32>
    %convert_element_type3A_180 = arith.extui %eq3A_176 : vector<16x128xi1> to vector<16x128xi32>
    %convert_element_type3A_181 = arith.sitofp %convert_element_type3A_180 : vector<16x128xi32> to vector<16x128xf32>
    %convert_element_type3A_182 = arith.truncf %convert_element_type3A_181 : vector<16x128xf32> to vector<16x128xbf16>
    %dot_general3A_183 = arith.constant dense<0.000000e+00> : vector<16x128xf32>
    %dot_general3A_184 = tpu.matmul %convert_element_type3A_182, %convert_element_type3A_7, %dot_general3A_183 {dimension_numbers = #tpu.dot_dimension_numbers<[1], [0], [0], [1], [0, 0, 1, 1], [], []>, transpose_lhs_hint = false} : vector<16x128xbf16>, vector<128x128xbf16>, vector<16x128xf32> -> vector<16x128xf32>
    %dot_general3A_185 = arith.constant dense<0.000000e+00> : vector<16x128xf32>
    %dot_general3A_186 = tpu.matmul %convert_element_type3A_182, %broadcast_in_dim3A_13, %dot_general3A_185 {dimension_numbers = #tpu.dot_dimension_numbers<[1], [0], [0], [1], [0, 0, 1, 1], [], []>, transpose_lhs_hint = false} : vector<16x128xbf16>, vector<128x128xbf16>, vector<16x128xf32> -> vector<16x128xf32>
    %convert_element_type3A_187 = arith.truncf %dot_general3A_186 : vector<16x128xf32> to vector<16x128xbf16>
    %dot_general3A_188 = arith.constant dense<0.000000e+00> : vector<16x128xf32>
    %dot_general3A_189 = tpu.matmul %convert_element_type3A_12, %convert_element_type3A_187, %dot_general3A_188 {dimension_numbers = #tpu.dot_dimension_numbers<[1], [0], [0], [1], [0, 0, 1, 1], [], []>, transpose_lhs_hint = false} : vector<16x16xbf16>, vector<16x128xbf16>, vector<16x128xf32> -> vector<16x128xf32>
    %add3A_190 = arith.addf %dot_general3A_184, %dot_general3A_189 : vector<16x128xf32>
    %convert_element_type3A_191 = arith.extui %eq3A_179 : vector<16x128xi1> to vector<16x128xi32>
    %convert_element_type3A_192 = arith.sitofp %convert_element_type3A_191 : vector<16x128xi32> to vector<16x128xf32>
    %convert_element_type3A_193 = arith.truncf %convert_element_type3A_192 : vector<16x128xf32> to vector<16x128xbf16>
    %dot_general3A_194 = arith.constant dense<0.000000e+00> : vector<16x128xf32>
    %dot_general3A_195 = tpu.matmul %convert_element_type3A_193, %convert_element_type3A_7, %dot_general3A_194 {dimension_numbers = #tpu.dot_dimension_numbers<[1], [0], [0], [1], [0, 0, 1, 1], [], []>, transpose_lhs_hint = false} : vector<16x128xbf16>, vector<128x128xbf16>, vector<16x128xf32> -> vector<16x128xf32>
    %dot_general3A_196 = arith.constant dense<0.000000e+00> : vector<16x128xf32>
    %dot_general3A_197 = tpu.matmul %convert_element_type3A_193, %broadcast_in_dim3A_13, %dot_general3A_196 {dimension_numbers = #tpu.dot_dimension_numbers<[1], [0], [0], [1], [0, 0, 1, 1], [], []>, transpose_lhs_hint = false} : vector<16x128xbf16>, vector<128x128xbf16>, vector<16x128xf32> -> vector<16x128xf32>
    %convert_element_type3A_198 = arith.truncf %dot_general3A_197 : vector<16x128xf32> to vector<16x128xbf16>
    %dot_general3A_199 = arith.constant dense<0.000000e+00> : vector<16x128xf32>
    %dot_general3A_200 = tpu.matmul %convert_element_type3A_12, %convert_element_type3A_198, %dot_general3A_199 {dimension_numbers = #tpu.dot_dimension_numbers<[1], [0], [0], [1], [0, 0, 1, 1], [], []>, transpose_lhs_hint = false} : vector<16x16xbf16>, vector<16x128xbf16>, vector<16x128xf32> -> vector<16x128xf32>
    %add3A_201 = arith.addf %dot_general3A_195, %dot_general3A_200 : vector<16x128xf32>
    %convert_element_type3A_202 = arith.extui %eq3A_176 : vector<16x128xi1> to vector<16x128xi32>
    %convert_element_type3A_203 = arith.sitofp %convert_element_type3A_202 : vector<16x128xi32> to vector<16x128xf32>
    %reduce_sum3A_204 = vector.shape_cast %convert_element_type3A_203 : vector<16x128xf32> to vector<1x16x128xf32>
    %reduce_sum3A_205 = arith.constant dense<0.000000e+00> : vector<1xf32>
    %reduce_sum3A_206 = vector.multi_reduction <add>, %reduce_sum3A_204, %reduce_sum3A_205 [1, 2] : vector<1x16x128xf32> to vector<1xf32>
    %reduce_sum3A_207 = vector.shape_cast %reduce_sum3A_206 : vector<1xf32> to vector<1x1x1xf32>
    %reduce_sum3A_208 = vector.extract %reduce_sum3A_207[0, 0, 0] : f32 from vector<1x1x1xf32>
    %convert_element_type3A_209 = arith.extui %eq3A_179 : vector<16x128xi1> to vector<16x128xi32>
    %convert_element_type3A_210 = arith.sitofp %convert_element_type3A_209 : vector<16x128xi32> to vector<16x128xf32>
    %reduce_sum3A_211 = vector.shape_cast %convert_element_type3A_210 : vector<16x128xf32> to vector<1x16x128xf32>
    %reduce_sum3A_212 = arith.constant dense<0.000000e+00> : vector<1xf32>
    %reduce_sum3A_213 = vector.multi_reduction <add>, %reduce_sum3A_211, %reduce_sum3A_212 [1, 2] : vector<1x16x128xf32> to vector<1xf32>
    %reduce_sum3A_214 = vector.shape_cast %reduce_sum3A_213 : vector<1xf32> to vector<1x1x1xf32>
    %reduce_sum3A_215 = vector.extract %reduce_sum3A_214[0, 0, 0] : f32 from vector<1x1x1xf32>
    %add3A_216 = arith.addf %reduce_sum3A_208, %reduce_sum3A_215 : f32
    %convert_element_type3A_217 = arith.fptosi %add3A_216 : f32 to i32
    %add3A_218 = arith.constant 512 : i32
    %add3A_219 = arith.addi %convert_element_type3A_217, %add3A_218 : i32
    %sub3A_220 = arith.constant 1 : i32
    %sub3A_221 = arith.subi %add3A_219, %sub3A_220 : i32
    %jit3A_222 = arith.constant 512 : i32
    %div3A_223 = arith.divsi %sub3A_221, %jit3A_222 : i32
    %sign3A_224 = arith.constant 0 : i32
    %sign3A_225 = arith.cmpi sgt, %sub3A_221, %sign3A_224 : i32
    %sign3A_226 = arith.extui %sign3A_225 : i1 to i32
    %sign3A_227 = arith.constant 0 : i32
    %sign3A_228 = arith.cmpi slt, %sub3A_221, %sign3A_227 : i32
    %sign3A_229 = arith.extui %sign3A_228 : i1 to i32
    %sign3A_230 = arith.subi %sign3A_226, %sign3A_229 : i32
    %sign3A_231 = arith.constant 0 : i32
    %sign3A_232 = arith.cmpi sgt, %jit3A_222, %sign3A_231 : i32
    %sign3A_233 = arith.extui %sign3A_232 : i1 to i32
    %sign3A_234 = arith.constant 0 : i32
    %sign3A_235 = arith.cmpi slt, %jit3A_222, %sign3A_234 : i32
    %sign3A_236 = arith.extui %sign3A_235 : i1 to i32
    %sign3A_237 = arith.subi %sign3A_233, %sign3A_236 : i32
    %ne3A_238 = arith.cmpi ne, %sign3A_230, %sign3A_237 : i32
    %rem3A_239 = arith.remsi %sub3A_221, %jit3A_222 : i32
    %ne3A_240 = arith.constant 0 : i32
    %ne3A_241 = arith.cmpi ne, %rem3A_239, %ne3A_240 : i32
    %and3A_242 = arith.andi %ne3A_238, %ne3A_241 : i1
    %sub3A_243 = arith.constant 1 : i32
    %sub3A_244 = arith.subi %div3A_223, %sub3A_243 : i32
    %select_n3A_245 = arith.select %and3A_242, %sub3A_244, %div3A_223 : i32
    %mul3A_246 = arith.constant 512 : i32
    %mul3A_247 = arith.muli %select_n3A_245, %mul3A_246 : i32
    %add3A_248 = arith.addi %add3A_164, %mul3A_247 : i32
    %convert_element_type3A_249 = arith.sitofp %add3A_164 : i32 to f32
    %add3A_250 = vector.broadcast %convert_element_type3A_249 : f32 to vector<16x128xf32>
    %add3A_251 = arith.addf %add3A_250, %add3A_190 : vector<16x128xf32>
    %add3A_252 = arith.addf %add3A_251, %add3A_201 : vector<16x128xf32>
    %select_n3A_253 = arith.select %eq3A_176, %add3A_252, %select_n3A_169 : vector<16x128xi1>, vector<16x128xf32>
    %convert_element_type3A_254 = arith.extui %eq3A_176 : vector<16x128xi1> to vector<16x128xi32>
    %convert_element_type3A_255 = arith.sitofp %convert_element_type3A_254 : vector<16x128xi32> to vector<16x128xf32>
    %add3A_256 = arith.addf %add3A_252, %convert_element_type3A_255 : vector<16x128xf32>
    %select_n3A_257 = arith.select %eq3A_179, %add3A_256, %select_n3A_173 : vector<16x128xi1>, vector<16x128xf32>
    %eq3A_258 = arith.constant 3 : i32
    %eq3A_259 = vector.broadcast %eq3A_258 : i32 to vector<16x128xi32>
    %eq3A_260 = arith.cmpi eq, %get3A_1, %eq3A_259 : vector<16x128xi32>
    %eq3A_261 = arith.constant 3 : i32
    %eq3A_262 = vector.broadcast %eq3A_261 : i32 to vector<16x128xi32>
    %eq3A_263 = arith.cmpi eq, %get3A_4, %eq3A_262 : vector<16x128xi32>
    %convert_element_type3A_264 = arith.extui %eq3A_260 : vector<16x128xi1> to vector<16x128xi32>
    %convert_element_type3A_265 = arith.sitofp %convert_element_type3A_264 : vector<16x128xi32> to vector<16x128xf32>
    %convert_element_type3A_266 = arith.truncf %convert_element_type3A_265 : vector<16x128xf32> to vector<16x128xbf16>
    %dot_general3A_267 = arith.constant dense<0.000000e+00> : vector<16x128xf32>
    %dot_general3A_268 = tpu.matmul %convert_element_type3A_266, %convert_element_type3A_7, %dot_general3A_267 {dimension_numbers = #tpu.dot_dimension_numbers<[1], [0], [0], [1], [0, 0, 1, 1], [], []>, transpose_lhs_hint = false} : vector<16x128xbf16>, vector<128x128xbf16>, vector<16x128xf32> -> vector<16x128xf32>
    %dot_general3A_269 = arith.constant dense<0.000000e+00> : vector<16x128xf32>
    %dot_general3A_270 = tpu.matmul %convert_element_type3A_266, %broadcast_in_dim3A_13, %dot_general3A_269 {dimension_numbers = #tpu.dot_dimension_numbers<[1], [0], [0], [1], [0, 0, 1, 1], [], []>, transpose_lhs_hint = false} : vector<16x128xbf16>, vector<128x128xbf16>, vector<16x128xf32> -> vector<16x128xf32>
    %convert_element_type3A_271 = arith.truncf %dot_general3A_270 : vector<16x128xf32> to vector<16x128xbf16>
    %dot_general3A_272 = arith.constant dense<0.000000e+00> : vector<16x128xf32>
    %dot_general3A_273 = tpu.matmul %convert_element_type3A_12, %convert_element_type3A_271, %dot_general3A_272 {dimension_numbers = #tpu.dot_dimension_numbers<[1], [0], [0], [1], [0, 0, 1, 1], [], []>, transpose_lhs_hint = false} : vector<16x16xbf16>, vector<16x128xbf16>, vector<16x128xf32> -> vector<16x128xf32>
    %add3A_274 = arith.addf %dot_general3A_268, %dot_general3A_273 : vector<16x128xf32>
    %convert_element_type3A_275 = arith.extui %eq3A_263 : vector<16x128xi1> to vector<16x128xi32>
    %convert_element_type3A_276 = arith.sitofp %convert_element_type3A_275 : vector<16x128xi32> to vector<16x128xf32>
    %convert_element_type3A_277 = arith.truncf %convert_element_type3A_276 : vector<16x128xf32> to vector<16x128xbf16>
    %dot_general3A_278 = arith.constant dense<0.000000e+00> : vector<16x128xf32>
    %dot_general3A_279 = tpu.matmul %convert_element_type3A_277, %convert_element_type3A_7, %dot_general3A_278 {dimension_numbers = #tpu.dot_dimension_numbers<[1], [0], [0], [1], [0, 0, 1, 1], [], []>, transpose_lhs_hint = false} : vector<16x128xbf16>, vector<128x128xbf16>, vector<16x128xf32> -> vector<16x128xf32>
    %dot_general3A_280 = arith.constant dense<0.000000e+00> : vector<16x128xf32>
    %dot_general3A_281 = tpu.matmul %convert_element_type3A_277, %broadcast_in_dim3A_13, %dot_general3A_280 {dimension_numbers = #tpu.dot_dimension_numbers<[1], [0], [0], [1], [0, 0, 1, 1], [], []>, transpose_lhs_hint = false} : vector<16x128xbf16>, vector<128x128xbf16>, vector<16x128xf32> -> vector<16x128xf32>
    %convert_element_type3A_282 = arith.truncf %dot_general3A_281 : vector<16x128xf32> to vector<16x128xbf16>
    %dot_general3A_283 = arith.constant dense<0.000000e+00> : vector<16x128xf32>
    %dot_general3A_284 = tpu.matmul %convert_element_type3A_12, %convert_element_type3A_282, %dot_general3A_283 {dimension_numbers = #tpu.dot_dimension_numbers<[1], [0], [0], [1], [0, 0, 1, 1], [], []>, transpose_lhs_hint = false} : vector<16x16xbf16>, vector<16x128xbf16>, vector<16x128xf32> -> vector<16x128xf32>
    %add3A_285 = arith.addf %dot_general3A_279, %dot_general3A_284 : vector<16x128xf32>
    %convert_element_type3A_286 = arith.extui %eq3A_260 : vector<16x128xi1> to vector<16x128xi32>
    %convert_element_type3A_287 = arith.sitofp %convert_element_type3A_286 : vector<16x128xi32> to vector<16x128xf32>
    %reduce_sum3A_288 = vector.shape_cast %convert_element_type3A_287 : vector<16x128xf32> to vector<1x16x128xf32>
    %reduce_sum3A_289 = arith.constant dense<0.000000e+00> : vector<1xf32>
    %reduce_sum3A_290 = vector.multi_reduction <add>, %reduce_sum3A_288, %reduce_sum3A_289 [1, 2] : vector<1x16x128xf32> to vector<1xf32>
    %reduce_sum3A_291 = vector.shape_cast %reduce_sum3A_290 : vector<1xf32> to vector<1x1x1xf32>
    %reduce_sum3A_292 = vector.extract %reduce_sum3A_291[0, 0, 0] : f32 from vector<1x1x1xf32>
    %convert_element_type3A_293 = arith.extui %eq3A_263 : vector<16x128xi1> to vector<16x128xi32>
    %convert_element_type3A_294 = arith.sitofp %convert_element_type3A_293 : vector<16x128xi32> to vector<16x128xf32>
    %reduce_sum3A_295 = vector.shape_cast %convert_element_type3A_294 : vector<16x128xf32> to vector<1x16x128xf32>
    %reduce_sum3A_296 = arith.constant dense<0.000000e+00> : vector<1xf32>
    %reduce_sum3A_297 = vector.multi_reduction <add>, %reduce_sum3A_295, %reduce_sum3A_296 [1, 2] : vector<1x16x128xf32> to vector<1xf32>
    %reduce_sum3A_298 = vector.shape_cast %reduce_sum3A_297 : vector<1xf32> to vector<1x1x1xf32>
    %reduce_sum3A_299 = vector.extract %reduce_sum3A_298[0, 0, 0] : f32 from vector<1x1x1xf32>
    %add3A_300 = arith.addf %reduce_sum3A_292, %reduce_sum3A_299 : f32
    %convert_element_type3A_301 = arith.fptosi %add3A_300 : f32 to i32
    %add3A_302 = arith.constant 512 : i32
    %add3A_303 = arith.addi %convert_element_type3A_301, %add3A_302 : i32
    %sub3A_304 = arith.constant 1 : i32
    %sub3A_305 = arith.subi %add3A_303, %sub3A_304 : i32
    %jit3A_306 = arith.constant 512 : i32
    %div3A_307 = arith.divsi %sub3A_305, %jit3A_306 : i32
    %sign3A_308 = arith.constant 0 : i32
    %sign3A_309 = arith.cmpi sgt, %sub3A_305, %sign3A_308 : i32
    %sign3A_310 = arith.extui %sign3A_309 : i1 to i32
    %sign3A_311 = arith.constant 0 : i32
    %sign3A_312 = arith.cmpi slt, %sub3A_305, %sign3A_311 : i32
    %sign3A_313 = arith.extui %sign3A_312 : i1 to i32
    %sign3A_314 = arith.subi %sign3A_310, %sign3A_313 : i32
    %sign3A_315 = arith.constant 0 : i32
    %sign3A_316 = arith.cmpi sgt, %jit3A_306, %sign3A_315 : i32
    %sign3A_317 = arith.extui %sign3A_316 : i1 to i32
    %sign3A_318 = arith.constant 0 : i32
    %sign3A_319 = arith.cmpi slt, %jit3A_306, %sign3A_318 : i32
    %sign3A_320 = arith.extui %sign3A_319 : i1 to i32
    %sign3A_321 = arith.subi %sign3A_317, %sign3A_320 : i32
    %ne3A_322 = arith.cmpi ne, %sign3A_314, %sign3A_321 : i32
    %rem3A_323 = arith.remsi %sub3A_305, %jit3A_306 : i32
    %ne3A_324 = arith.constant 0 : i32
    %ne3A_325 = arith.cmpi ne, %rem3A_323, %ne3A_324 : i32
    %and3A_326 = arith.andi %ne3A_322, %ne3A_325 : i1
    %sub3A_327 = arith.constant 1 : i32
    %sub3A_328 = arith.subi %div3A_307, %sub3A_327 : i32
    %select_n3A_329 = arith.select %and3A_326, %sub3A_328, %div3A_307 : i32
    %mul3A_330 = arith.constant 512 : i32
    %mul3A_331 = arith.muli %select_n3A_329, %mul3A_330 : i32
    %add3A_332 = arith.addi %add3A_248, %mul3A_331 : i32
    %convert_element_type3A_333 = arith.sitofp %add3A_248 : i32 to f32
    %add3A_334 = vector.broadcast %convert_element_type3A_333 : f32 to vector<16x128xf32>
    %add3A_335 = arith.addf %add3A_334, %add3A_274 : vector<16x128xf32>
    %add3A_336 = arith.addf %add3A_335, %add3A_285 : vector<16x128xf32>
    %select_n3A_337 = arith.select %eq3A_260, %add3A_336, %select_n3A_253 : vector<16x128xi1>, vector<16x128xf32>
    %convert_element_type3A_338 = arith.extui %eq3A_260 : vector<16x128xi1> to vector<16x128xi32>
    %convert_element_type3A_339 = arith.sitofp %convert_element_type3A_338 : vector<16x128xi32> to vector<16x128xf32>
    %add3A_340 = arith.addf %add3A_336, %convert_element_type3A_339 : vector<16x128xf32>
    %select_n3A_341 = arith.select %eq3A_263, %add3A_340, %select_n3A_257 : vector<16x128xi1>, vector<16x128xf32>
    %eq3A_342 = arith.constant 4 : i32
    %eq3A_343 = vector.broadcast %eq3A_342 : i32 to vector<16x128xi32>
    %eq3A_344 = arith.cmpi eq, %get3A_1, %eq3A_343 : vector<16x128xi32>
    %eq3A_345 = arith.constant 4 : i32
    %eq3A_346 = vector.broadcast %eq3A_345 : i32 to vector<16x128xi32>
    %eq3A_347 = arith.cmpi eq, %get3A_4, %eq3A_346 : vector<16x128xi32>
    %convert_element_type3A_348 = arith.extui %eq3A_344 : vector<16x128xi1> to vector<16x128xi32>
    %convert_element_type3A_349 = arith.sitofp %convert_element_type3A_348 : vector<16x128xi32> to vector<16x128xf32>
    %convert_element_type3A_350 = arith.truncf %convert_element_type3A_349 : vector<16x128xf32> to vector<16x128xbf16>
    %dot_general3A_351 = arith.constant dense<0.000000e+00> : vector<16x128xf32>
    %dot_general3A_352 = tpu.matmul %convert_element_type3A_350, %convert_element_type3A_7, %dot_general3A_351 {dimension_numbers = #tpu.dot_dimension_numbers<[1], [0], [0], [1], [0, 0, 1, 1], [], []>, transpose_lhs_hint = false} : vector<16x128xbf16>, vector<128x128xbf16>, vector<16x128xf32> -> vector<16x128xf32>
    %dot_general3A_353 = arith.constant dense<0.000000e+00> : vector<16x128xf32>
    %dot_general3A_354 = tpu.matmul %convert_element_type3A_350, %broadcast_in_dim3A_13, %dot_general3A_353 {dimension_numbers = #tpu.dot_dimension_numbers<[1], [0], [0], [1], [0, 0, 1, 1], [], []>, transpose_lhs_hint = false} : vector<16x128xbf16>, vector<128x128xbf16>, vector<16x128xf32> -> vector<16x128xf32>
    %convert_element_type3A_355 = arith.truncf %dot_general3A_354 : vector<16x128xf32> to vector<16x128xbf16>
    %dot_general3A_356 = arith.constant dense<0.000000e+00> : vector<16x128xf32>
    %dot_general3A_357 = tpu.matmul %convert_element_type3A_12, %convert_element_type3A_355, %dot_general3A_356 {dimension_numbers = #tpu.dot_dimension_numbers<[1], [0], [0], [1], [0, 0, 1, 1], [], []>, transpose_lhs_hint = false} : vector<16x16xbf16>, vector<16x128xbf16>, vector<16x128xf32> -> vector<16x128xf32>
    %add3A_358 = arith.addf %dot_general3A_352, %dot_general3A_357 : vector<16x128xf32>
    %convert_element_type3A_359 = arith.extui %eq3A_347 : vector<16x128xi1> to vector<16x128xi32>
    %convert_element_type3A_360 = arith.sitofp %convert_element_type3A_359 : vector<16x128xi32> to vector<16x128xf32>
    %convert_element_type3A_361 = arith.truncf %convert_element_type3A_360 : vector<16x128xf32> to vector<16x128xbf16>
    %dot_general3A_362 = arith.constant dense<0.000000e+00> : vector<16x128xf32>
    %dot_general3A_363 = tpu.matmul %convert_element_type3A_361, %convert_element_type3A_7, %dot_general3A_362 {dimension_numbers = #tpu.dot_dimension_numbers<[1], [0], [0], [1], [0, 0, 1, 1], [], []>, transpose_lhs_hint = false} : vector<16x128xbf16>, vector<128x128xbf16>, vector<16x128xf32> -> vector<16x128xf32>
    %dot_general3A_364 = arith.constant dense<0.000000e+00> : vector<16x128xf32>
    %dot_general3A_365 = tpu.matmul %convert_element_type3A_361, %broadcast_in_dim3A_13, %dot_general3A_364 {dimension_numbers = #tpu.dot_dimension_numbers<[1], [0], [0], [1], [0, 0, 1, 1], [], []>, transpose_lhs_hint = false} : vector<16x128xbf16>, vector<128x128xbf16>, vector<16x128xf32> -> vector<16x128xf32>
    %convert_element_type3A_366 = arith.truncf %dot_general3A_365 : vector<16x128xf32> to vector<16x128xbf16>
    %dot_general3A_367 = arith.constant dense<0.000000e+00> : vector<16x128xf32>
    %dot_general3A_368 = tpu.matmul %convert_element_type3A_12, %convert_element_type3A_366, %dot_general3A_367 {dimension_numbers = #tpu.dot_dimension_numbers<[1], [0], [0], [1], [0, 0, 1, 1], [], []>, transpose_lhs_hint = false} : vector<16x16xbf16>, vector<16x128xbf16>, vector<16x128xf32> -> vector<16x128xf32>
    %add3A_369 = arith.addf %dot_general3A_363, %dot_general3A_368 : vector<16x128xf32>
    %convert_element_type3A_370 = arith.extui %eq3A_344 : vector<16x128xi1> to vector<16x128xi32>
    %convert_element_type3A_371 = arith.sitofp %convert_element_type3A_370 : vector<16x128xi32> to vector<16x128xf32>
    %reduce_sum3A_372 = vector.shape_cast %convert_element_type3A_371 : vector<16x128xf32> to vector<1x16x128xf32>
    %reduce_sum3A_373 = arith.constant dense<0.000000e+00> : vector<1xf32>
    %reduce_sum3A_374 = vector.multi_reduction <add>, %reduce_sum3A_372, %reduce_sum3A_373 [1, 2] : vector<1x16x128xf32> to vector<1xf32>
    %reduce_sum3A_375 = vector.shape_cast %reduce_sum3A_374 : vector<1xf32> to vector<1x1x1xf32>
    %reduce_sum3A_376 = vector.extract %reduce_sum3A_375[0, 0, 0] : f32 from vector<1x1x1xf32>
    %convert_element_type3A_377 = arith.extui %eq3A_347 : vector<16x128xi1> to vector<16x128xi32>
    %convert_element_type3A_378 = arith.sitofp %convert_element_type3A_377 : vector<16x128xi32> to vector<16x128xf32>
    %reduce_sum3A_379 = vector.shape_cast %convert_element_type3A_378 : vector<16x128xf32> to vector<1x16x128xf32>
    %reduce_sum3A_380 = arith.constant dense<0.000000e+00> : vector<1xf32>
    %reduce_sum3A_381 = vector.multi_reduction <add>, %reduce_sum3A_379, %reduce_sum3A_380 [1, 2] : vector<1x16x128xf32> to vector<1xf32>
    %reduce_sum3A_382 = vector.shape_cast %reduce_sum3A_381 : vector<1xf32> to vector<1x1x1xf32>
    %reduce_sum3A_383 = vector.extract %reduce_sum3A_382[0, 0, 0] : f32 from vector<1x1x1xf32>
    %add3A_384 = arith.addf %reduce_sum3A_376, %reduce_sum3A_383 : f32
    %convert_element_type3A_385 = arith.fptosi %add3A_384 : f32 to i32
    %add3A_386 = arith.constant 512 : i32
    %add3A_387 = arith.addi %convert_element_type3A_385, %add3A_386 : i32
    %sub3A_388 = arith.constant 1 : i32
    %sub3A_389 = arith.subi %add3A_387, %sub3A_388 : i32
    %jit3A_390 = arith.constant 512 : i32
    %div3A_391 = arith.divsi %sub3A_389, %jit3A_390 : i32
    %sign3A_392 = arith.constant 0 : i32
    %sign3A_393 = arith.cmpi sgt, %sub3A_389, %sign3A_392 : i32
    %sign3A_394 = arith.extui %sign3A_393 : i1 to i32
    %sign3A_395 = arith.constant 0 : i32
    %sign3A_396 = arith.cmpi slt, %sub3A_389, %sign3A_395 : i32
    %sign3A_397 = arith.extui %sign3A_396 : i1 to i32
    %sign3A_398 = arith.subi %sign3A_394, %sign3A_397 : i32
    %sign3A_399 = arith.constant 0 : i32
    %sign3A_400 = arith.cmpi sgt, %jit3A_390, %sign3A_399 : i32
    %sign3A_401 = arith.extui %sign3A_400 : i1 to i32
    %sign3A_402 = arith.constant 0 : i32
    %sign3A_403 = arith.cmpi slt, %jit3A_390, %sign3A_402 : i32
    %sign3A_404 = arith.extui %sign3A_403 : i1 to i32
    %sign3A_405 = arith.subi %sign3A_401, %sign3A_404 : i32
    %ne3A_406 = arith.cmpi ne, %sign3A_398, %sign3A_405 : i32
    %rem3A_407 = arith.remsi %sub3A_389, %jit3A_390 : i32
    %ne3A_408 = arith.constant 0 : i32
    %ne3A_409 = arith.cmpi ne, %rem3A_407, %ne3A_408 : i32
    %and3A_410 = arith.andi %ne3A_406, %ne3A_409 : i1
    %sub3A_411 = arith.constant 1 : i32
    %sub3A_412 = arith.subi %div3A_391, %sub3A_411 : i32
    %select_n3A_413 = arith.select %and3A_410, %sub3A_412, %div3A_391 : i32
    %mul3A_414 = arith.constant 512 : i32
    %mul3A_415 = arith.muli %select_n3A_413, %mul3A_414 : i32
    %add3A_416 = arith.addi %add3A_332, %mul3A_415 : i32
    %convert_element_type3A_417 = arith.sitofp %add3A_332 : i32 to f32
    %add3A_418 = vector.broadcast %convert_element_type3A_417 : f32 to vector<16x128xf32>
    %add3A_419 = arith.addf %add3A_418, %add3A_358 : vector<16x128xf32>
    %add3A_420 = arith.addf %add3A_419, %add3A_369 : vector<16x128xf32>
    %select_n3A_421 = arith.select %eq3A_344, %add3A_420, %select_n3A_337 : vector<16x128xi1>, vector<16x128xf32>
    %convert_element_type3A_422 = arith.extui %eq3A_344 : vector<16x128xi1> to vector<16x128xi32>
    %convert_element_type3A_423 = arith.sitofp %convert_element_type3A_422 : vector<16x128xi32> to vector<16x128xf32>
    %add3A_424 = arith.addf %add3A_420, %convert_element_type3A_423 : vector<16x128xf32>
    %select_n3A_425 = arith.select %eq3A_347, %add3A_424, %select_n3A_341 : vector<16x128xi1>, vector<16x128xf32>
    %eq3A_426 = arith.constant 5 : i32
    %eq3A_427 = vector.broadcast %eq3A_426 : i32 to vector<16x128xi32>
    %eq3A_428 = arith.cmpi eq, %get3A_1, %eq3A_427 : vector<16x128xi32>
    %eq3A_429 = arith.constant 5 : i32
    %eq3A_430 = vector.broadcast %eq3A_429 : i32 to vector<16x128xi32>
    %eq3A_431 = arith.cmpi eq, %get3A_4, %eq3A_430 : vector<16x128xi32>
    %convert_element_type3A_432 = arith.extui %eq3A_428 : vector<16x128xi1> to vector<16x128xi32>
    %convert_element_type3A_433 = arith.sitofp %convert_element_type3A_432 : vector<16x128xi32> to vector<16x128xf32>
    %convert_element_type3A_434 = arith.truncf %convert_element_type3A_433 : vector<16x128xf32> to vector<16x128xbf16>
    %dot_general3A_435 = arith.constant dense<0.000000e+00> : vector<16x128xf32>
    %dot_general3A_436 = tpu.matmul %convert_element_type3A_434, %convert_element_type3A_7, %dot_general3A_435 {dimension_numbers = #tpu.dot_dimension_numbers<[1], [0], [0], [1], [0, 0, 1, 1], [], []>, transpose_lhs_hint = false} : vector<16x128xbf16>, vector<128x128xbf16>, vector<16x128xf32> -> vector<16x128xf32>
    %dot_general3A_437 = arith.constant dense<0.000000e+00> : vector<16x128xf32>
    %dot_general3A_438 = tpu.matmul %convert_element_type3A_434, %broadcast_in_dim3A_13, %dot_general3A_437 {dimension_numbers = #tpu.dot_dimension_numbers<[1], [0], [0], [1], [0, 0, 1, 1], [], []>, transpose_lhs_hint = false} : vector<16x128xbf16>, vector<128x128xbf16>, vector<16x128xf32> -> vector<16x128xf32>
    %convert_element_type3A_439 = arith.truncf %dot_general3A_438 : vector<16x128xf32> to vector<16x128xbf16>
    %dot_general3A_440 = arith.constant dense<0.000000e+00> : vector<16x128xf32>
    %dot_general3A_441 = tpu.matmul %convert_element_type3A_12, %convert_element_type3A_439, %dot_general3A_440 {dimension_numbers = #tpu.dot_dimension_numbers<[1], [0], [0], [1], [0, 0, 1, 1], [], []>, transpose_lhs_hint = false} : vector<16x16xbf16>, vector<16x128xbf16>, vector<16x128xf32> -> vector<16x128xf32>
    %add3A_442 = arith.addf %dot_general3A_436, %dot_general3A_441 : vector<16x128xf32>
    %convert_element_type3A_443 = arith.extui %eq3A_431 : vector<16x128xi1> to vector<16x128xi32>
    %convert_element_type3A_444 = arith.sitofp %convert_element_type3A_443 : vector<16x128xi32> to vector<16x128xf32>
    %convert_element_type3A_445 = arith.truncf %convert_element_type3A_444 : vector<16x128xf32> to vector<16x128xbf16>
    %dot_general3A_446 = arith.constant dense<0.000000e+00> : vector<16x128xf32>
    %dot_general3A_447 = tpu.matmul %convert_element_type3A_445, %convert_element_type3A_7, %dot_general3A_446 {dimension_numbers = #tpu.dot_dimension_numbers<[1], [0], [0], [1], [0, 0, 1, 1], [], []>, transpose_lhs_hint = false} : vector<16x128xbf16>, vector<128x128xbf16>, vector<16x128xf32> -> vector<16x128xf32>
    %dot_general3A_448 = arith.constant dense<0.000000e+00> : vector<16x128xf32>
    %dot_general3A_449 = tpu.matmul %convert_element_type3A_445, %broadcast_in_dim3A_13, %dot_general3A_448 {dimension_numbers = #tpu.dot_dimension_numbers<[1], [0], [0], [1], [0, 0, 1, 1], [], []>, transpose_lhs_hint = false} : vector<16x128xbf16>, vector<128x128xbf16>, vector<16x128xf32> -> vector<16x128xf32>
    %convert_element_type3A_450 = arith.truncf %dot_general3A_449 : vector<16x128xf32> to vector<16x128xbf16>
    %dot_general3A_451 = arith.constant dense<0.000000e+00> : vector<16x128xf32>
    %dot_general3A_452 = tpu.matmul %convert_element_type3A_12, %convert_element_type3A_450, %dot_general3A_451 {dimension_numbers = #tpu.dot_dimension_numbers<[1], [0], [0], [1], [0, 0, 1, 1], [], []>, transpose_lhs_hint = false} : vector<16x16xbf16>, vector<16x128xbf16>, vector<16x128xf32> -> vector<16x128xf32>
    %add3A_453 = arith.addf %dot_general3A_447, %dot_general3A_452 : vector<16x128xf32>
    %convert_element_type3A_454 = arith.extui %eq3A_428 : vector<16x128xi1> to vector<16x128xi32>
    %convert_element_type3A_455 = arith.sitofp %convert_element_type3A_454 : vector<16x128xi32> to vector<16x128xf32>
    %reduce_sum3A_456 = vector.shape_cast %convert_element_type3A_455 : vector<16x128xf32> to vector<1x16x128xf32>
    %reduce_sum3A_457 = arith.constant dense<0.000000e+00> : vector<1xf32>
    %reduce_sum3A_458 = vector.multi_reduction <add>, %reduce_sum3A_456, %reduce_sum3A_457 [1, 2] : vector<1x16x128xf32> to vector<1xf32>
    %reduce_sum3A_459 = vector.shape_cast %reduce_sum3A_458 : vector<1xf32> to vector<1x1x1xf32>
    %reduce_sum3A_460 = vector.extract %reduce_sum3A_459[0, 0, 0] : f32 from vector<1x1x1xf32>
    %convert_element_type3A_461 = arith.extui %eq3A_431 : vector<16x128xi1> to vector<16x128xi32>
    %convert_element_type3A_462 = arith.sitofp %convert_element_type3A_461 : vector<16x128xi32> to vector<16x128xf32>
    %reduce_sum3A_463 = vector.shape_cast %convert_element_type3A_462 : vector<16x128xf32> to vector<1x16x128xf32>
    %reduce_sum3A_464 = arith.constant dense<0.000000e+00> : vector<1xf32>
    %reduce_sum3A_465 = vector.multi_reduction <add>, %reduce_sum3A_463, %reduce_sum3A_464 [1, 2] : vector<1x16x128xf32> to vector<1xf32>
    %reduce_sum3A_466 = vector.shape_cast %reduce_sum3A_465 : vector<1xf32> to vector<1x1x1xf32>
    %reduce_sum3A_467 = vector.extract %reduce_sum3A_466[0, 0, 0] : f32 from vector<1x1x1xf32>
    %add3A_468 = arith.addf %reduce_sum3A_460, %reduce_sum3A_467 : f32
    %convert_element_type3A_469 = arith.fptosi %add3A_468 : f32 to i32
    %add3A_470 = arith.constant 512 : i32
    %add3A_471 = arith.addi %convert_element_type3A_469, %add3A_470 : i32
    %sub3A_472 = arith.constant 1 : i32
    %sub3A_473 = arith.subi %add3A_471, %sub3A_472 : i32
    %jit3A_474 = arith.constant 512 : i32
    %div3A_475 = arith.divsi %sub3A_473, %jit3A_474 : i32
    %sign3A_476 = arith.constant 0 : i32
    %sign3A_477 = arith.cmpi sgt, %sub3A_473, %sign3A_476 : i32
    %sign3A_478 = arith.extui %sign3A_477 : i1 to i32
    %sign3A_479 = arith.constant 0 : i32
    %sign3A_480 = arith.cmpi slt, %sub3A_473, %sign3A_479 : i32
    %sign3A_481 = arith.extui %sign3A_480 : i1 to i32
    %sign3A_482 = arith.subi %sign3A_478, %sign3A_481 : i32
    %sign3A_483 = arith.constant 0 : i32
    %sign3A_484 = arith.cmpi sgt, %jit3A_474, %sign3A_483 : i32
    %sign3A_485 = arith.extui %sign3A_484 : i1 to i32
    %sign3A_486 = arith.constant 0 : i32
    %sign3A_487 = arith.cmpi slt, %jit3A_474, %sign3A_486 : i32
    %sign3A_488 = arith.extui %sign3A_487 : i1 to i32
    %sign3A_489 = arith.subi %sign3A_485, %sign3A_488 : i32
    %ne3A_490 = arith.cmpi ne, %sign3A_482, %sign3A_489 : i32
    %rem3A_491 = arith.remsi %sub3A_473, %jit3A_474 : i32
    %ne3A_492 = arith.constant 0 : i32
    %ne3A_493 = arith.cmpi ne, %rem3A_491, %ne3A_492 : i32
    %and3A_494 = arith.andi %ne3A_490, %ne3A_493 : i1
    %sub3A_495 = arith.constant 1 : i32
    %sub3A_496 = arith.subi %div3A_475, %sub3A_495 : i32
    %select_n3A_497 = arith.select %and3A_494, %sub3A_496, %div3A_475 : i32
    %mul3A_498 = arith.constant 512 : i32
    %mul3A_499 = arith.muli %select_n3A_497, %mul3A_498 : i32
    %add3A_500 = arith.addi %add3A_416, %mul3A_499 : i32
    %convert_element_type3A_501 = arith.sitofp %add3A_416 : i32 to f32
    %add3A_502 = vector.broadcast %convert_element_type3A_501 : f32 to vector<16x128xf32>
    %add3A_503 = arith.addf %add3A_502, %add3A_442 : vector<16x128xf32>
    %add3A_504 = arith.addf %add3A_503, %add3A_453 : vector<16x128xf32>
    %select_n3A_505 = arith.select %eq3A_428, %add3A_504, %select_n3A_421 : vector<16x128xi1>, vector<16x128xf32>
    %convert_element_type3A_506 = arith.extui %eq3A_428 : vector<16x128xi1> to vector<16x128xi32>
    %convert_element_type3A_507 = arith.sitofp %convert_element_type3A_506 : vector<16x128xi32> to vector<16x128xf32>
    %add3A_508 = arith.addf %add3A_504, %convert_element_type3A_507 : vector<16x128xf32>
    %select_n3A_509 = arith.select %eq3A_431, %add3A_508, %select_n3A_425 : vector<16x128xi1>, vector<16x128xf32>
    %eq3A_510 = arith.constant 6 : i32
    %eq3A_511 = vector.broadcast %eq3A_510 : i32 to vector<16x128xi32>
    %eq3A_512 = arith.cmpi eq, %get3A_1, %eq3A_511 : vector<16x128xi32>
    %eq3A_513 = arith.constant 6 : i32
    %eq3A_514 = vector.broadcast %eq3A_513 : i32 to vector<16x128xi32>
    %eq3A_515 = arith.cmpi eq, %get3A_4, %eq3A_514 : vector<16x128xi32>
    %convert_element_type3A_516 = arith.extui %eq3A_512 : vector<16x128xi1> to vector<16x128xi32>
    %convert_element_type3A_517 = arith.sitofp %convert_element_type3A_516 : vector<16x128xi32> to vector<16x128xf32>
    %convert_element_type3A_518 = arith.truncf %convert_element_type3A_517 : vector<16x128xf32> to vector<16x128xbf16>
    %dot_general3A_519 = arith.constant dense<0.000000e+00> : vector<16x128xf32>
    %dot_general3A_520 = tpu.matmul %convert_element_type3A_518, %convert_element_type3A_7, %dot_general3A_519 {dimension_numbers = #tpu.dot_dimension_numbers<[1], [0], [0], [1], [0, 0, 1, 1], [], []>, transpose_lhs_hint = false} : vector<16x128xbf16>, vector<128x128xbf16>, vector<16x128xf32> -> vector<16x128xf32>
    %dot_general3A_521 = arith.constant dense<0.000000e+00> : vector<16x128xf32>
    %dot_general3A_522 = tpu.matmul %convert_element_type3A_518, %broadcast_in_dim3A_13, %dot_general3A_521 {dimension_numbers = #tpu.dot_dimension_numbers<[1], [0], [0], [1], [0, 0, 1, 1], [], []>, transpose_lhs_hint = false} : vector<16x128xbf16>, vector<128x128xbf16>, vector<16x128xf32> -> vector<16x128xf32>
    %convert_element_type3A_523 = arith.truncf %dot_general3A_522 : vector<16x128xf32> to vector<16x128xbf16>
    %dot_general3A_524 = arith.constant dense<0.000000e+00> : vector<16x128xf32>
    %dot_general3A_525 = tpu.matmul %convert_element_type3A_12, %convert_element_type3A_523, %dot_general3A_524 {dimension_numbers = #tpu.dot_dimension_numbers<[1], [0], [0], [1], [0, 0, 1, 1], [], []>, transpose_lhs_hint = false} : vector<16x16xbf16>, vector<16x128xbf16>, vector<16x128xf32> -> vector<16x128xf32>
    %add3A_526 = arith.addf %dot_general3A_520, %dot_general3A_525 : vector<16x128xf32>
    %convert_element_type3A_527 = arith.extui %eq3A_515 : vector<16x128xi1> to vector<16x128xi32>
    %convert_element_type3A_528 = arith.sitofp %convert_element_type3A_527 : vector<16x128xi32> to vector<16x128xf32>
    %convert_element_type3A_529 = arith.truncf %convert_element_type3A_528 : vector<16x128xf32> to vector<16x128xbf16>
    %dot_general3A_530 = arith.constant dense<0.000000e+00> : vector<16x128xf32>
    %dot_general3A_531 = tpu.matmul %convert_element_type3A_529, %convert_element_type3A_7, %dot_general3A_530 {dimension_numbers = #tpu.dot_dimension_numbers<[1], [0], [0], [1], [0, 0, 1, 1], [], []>, transpose_lhs_hint = false} : vector<16x128xbf16>, vector<128x128xbf16>, vector<16x128xf32> -> vector<16x128xf32>
    %dot_general3A_532 = arith.constant dense<0.000000e+00> : vector<16x128xf32>
    %dot_general3A_533 = tpu.matmul %convert_element_type3A_529, %broadcast_in_dim3A_13, %dot_general3A_532 {dimension_numbers = #tpu.dot_dimension_numbers<[1], [0], [0], [1], [0, 0, 1, 1], [], []>, transpose_lhs_hint = false} : vector<16x128xbf16>, vector<128x128xbf16>, vector<16x128xf32> -> vector<16x128xf32>
    %convert_element_type3A_534 = arith.truncf %dot_general3A_533 : vector<16x128xf32> to vector<16x128xbf16>
    %dot_general3A_535 = arith.constant dense<0.000000e+00> : vector<16x128xf32>
    %dot_general3A_536 = tpu.matmul %convert_element_type3A_12, %convert_element_type3A_534, %dot_general3A_535 {dimension_numbers = #tpu.dot_dimension_numbers<[1], [0], [0], [1], [0, 0, 1, 1], [], []>, transpose_lhs_hint = false} : vector<16x16xbf16>, vector<16x128xbf16>, vector<16x128xf32> -> vector<16x128xf32>
    %add3A_537 = arith.addf %dot_general3A_531, %dot_general3A_536 : vector<16x128xf32>
    %convert_element_type3A_538 = arith.extui %eq3A_512 : vector<16x128xi1> to vector<16x128xi32>
    %convert_element_type3A_539 = arith.sitofp %convert_element_type3A_538 : vector<16x128xi32> to vector<16x128xf32>
    %reduce_sum3A_540 = vector.shape_cast %convert_element_type3A_539 : vector<16x128xf32> to vector<1x16x128xf32>
    %reduce_sum3A_541 = arith.constant dense<0.000000e+00> : vector<1xf32>
    %reduce_sum3A_542 = vector.multi_reduction <add>, %reduce_sum3A_540, %reduce_sum3A_541 [1, 2] : vector<1x16x128xf32> to vector<1xf32>
    %reduce_sum3A_543 = vector.shape_cast %reduce_sum3A_542 : vector<1xf32> to vector<1x1x1xf32>
    %reduce_sum3A_544 = vector.extract %reduce_sum3A_543[0, 0, 0] : f32 from vector<1x1x1xf32>
    %convert_element_type3A_545 = arith.extui %eq3A_515 : vector<16x128xi1> to vector<16x128xi32>
    %convert_element_type3A_546 = arith.sitofp %convert_element_type3A_545 : vector<16x128xi32> to vector<16x128xf32>
    %reduce_sum3A_547 = vector.shape_cast %convert_element_type3A_546 : vector<16x128xf32> to vector<1x16x128xf32>
    %reduce_sum3A_548 = arith.constant dense<0.000000e+00> : vector<1xf32>
    %reduce_sum3A_549 = vector.multi_reduction <add>, %reduce_sum3A_547, %reduce_sum3A_548 [1, 2] : vector<1x16x128xf32> to vector<1xf32>
    %reduce_sum3A_550 = vector.shape_cast %reduce_sum3A_549 : vector<1xf32> to vector<1x1x1xf32>
    %reduce_sum3A_551 = vector.extract %reduce_sum3A_550[0, 0, 0] : f32 from vector<1x1x1xf32>
    %add3A_552 = arith.addf %reduce_sum3A_544, %reduce_sum3A_551 : f32
    %convert_element_type3A_553 = arith.fptosi %add3A_552 : f32 to i32
    %add3A_554 = arith.constant 512 : i32
    %add3A_555 = arith.addi %convert_element_type3A_553, %add3A_554 : i32
    %sub3A_556 = arith.constant 1 : i32
    %sub3A_557 = arith.subi %add3A_555, %sub3A_556 : i32
    %jit3A_558 = arith.constant 512 : i32
    %div3A_559 = arith.divsi %sub3A_557, %jit3A_558 : i32
    %sign3A_560 = arith.constant 0 : i32
    %sign3A_561 = arith.cmpi sgt, %sub3A_557, %sign3A_560 : i32
    %sign3A_562 = arith.extui %sign3A_561 : i1 to i32
    %sign3A_563 = arith.constant 0 : i32
    %sign3A_564 = arith.cmpi slt, %sub3A_557, %sign3A_563 : i32
    %sign3A_565 = arith.extui %sign3A_564 : i1 to i32
    %sign3A_566 = arith.subi %sign3A_562, %sign3A_565 : i32
    %sign3A_567 = arith.constant 0 : i32
    %sign3A_568 = arith.cmpi sgt, %jit3A_558, %sign3A_567 : i32
    %sign3A_569 = arith.extui %sign3A_568 : i1 to i32
    %sign3A_570 = arith.constant 0 : i32
    %sign3A_571 = arith.cmpi slt, %jit3A_558, %sign3A_570 : i32
    %sign3A_572 = arith.extui %sign3A_571 : i1 to i32
    %sign3A_573 = arith.subi %sign3A_569, %sign3A_572 : i32
    %ne3A_574 = arith.cmpi ne, %sign3A_566, %sign3A_573 : i32
    %rem3A_575 = arith.remsi %sub3A_557, %jit3A_558 : i32
    %ne3A_576 = arith.constant 0 : i32
    %ne3A_577 = arith.cmpi ne, %rem3A_575, %ne3A_576 : i32
    %and3A_578 = arith.andi %ne3A_574, %ne3A_577 : i1
    %sub3A_579 = arith.constant 1 : i32
    %sub3A_580 = arith.subi %div3A_559, %sub3A_579 : i32
    %select_n3A_581 = arith.select %and3A_578, %sub3A_580, %div3A_559 : i32
    %mul3A_582 = arith.constant 512 : i32
    %mul3A_583 = arith.muli %select_n3A_581, %mul3A_582 : i32
    %add3A_584 = arith.addi %add3A_500, %mul3A_583 : i32
    %convert_element_type3A_585 = arith.sitofp %add3A_500 : i32 to f32
    %add3A_586 = vector.broadcast %convert_element_type3A_585 : f32 to vector<16x128xf32>
    %add3A_587 = arith.addf %add3A_586, %add3A_526 : vector<16x128xf32>
    %add3A_588 = arith.addf %add3A_587, %add3A_537 : vector<16x128xf32>
    %select_n3A_589 = arith.select %eq3A_512, %add3A_588, %select_n3A_505 : vector<16x128xi1>, vector<16x128xf32>
    %convert_element_type3A_590 = arith.extui %eq3A_512 : vector<16x128xi1> to vector<16x128xi32>
    %convert_element_type3A_591 = arith.sitofp %convert_element_type3A_590 : vector<16x128xi32> to vector<16x128xf32>
    %add3A_592 = arith.addf %add3A_588, %convert_element_type3A_591 : vector<16x128xf32>
    %select_n3A_593 = arith.select %eq3A_515, %add3A_592, %select_n3A_509 : vector<16x128xi1>, vector<16x128xf32>
    %eq3A_594 = arith.constant 7 : i32
    %eq3A_595 = vector.broadcast %eq3A_594 : i32 to vector<16x128xi32>
    %eq3A_596 = arith.cmpi eq, %get3A_1, %eq3A_595 : vector<16x128xi32>
    %eq3A_597 = arith.constant 7 : i32
    %eq3A_598 = vector.broadcast %eq3A_597 : i32 to vector<16x128xi32>
    %eq3A_599 = arith.cmpi eq, %get3A_4, %eq3A_598 : vector<16x128xi32>
    %convert_element_type3A_600 = arith.extui %eq3A_596 : vector<16x128xi1> to vector<16x128xi32>
    %convert_element_type3A_601 = arith.sitofp %convert_element_type3A_600 : vector<16x128xi32> to vector<16x128xf32>
    %convert_element_type3A_602 = arith.truncf %convert_element_type3A_601 : vector<16x128xf32> to vector<16x128xbf16>
    %dot_general3A_603 = arith.constant dense<0.000000e+00> : vector<16x128xf32>
    %dot_general3A_604 = tpu.matmul %convert_element_type3A_602, %convert_element_type3A_7, %dot_general3A_603 {dimension_numbers = #tpu.dot_dimension_numbers<[1], [0], [0], [1], [0, 0, 1, 1], [], []>, transpose_lhs_hint = false} : vector<16x128xbf16>, vector<128x128xbf16>, vector<16x128xf32> -> vector<16x128xf32>
    %dot_general3A_605 = arith.constant dense<0.000000e+00> : vector<16x128xf32>
    %dot_general3A_606 = tpu.matmul %convert_element_type3A_602, %broadcast_in_dim3A_13, %dot_general3A_605 {dimension_numbers = #tpu.dot_dimension_numbers<[1], [0], [0], [1], [0, 0, 1, 1], [], []>, transpose_lhs_hint = false} : vector<16x128xbf16>, vector<128x128xbf16>, vector<16x128xf32> -> vector<16x128xf32>
    %convert_element_type3A_607 = arith.truncf %dot_general3A_606 : vector<16x128xf32> to vector<16x128xbf16>
    %dot_general3A_608 = arith.constant dense<0.000000e+00> : vector<16x128xf32>
    %dot_general3A_609 = tpu.matmul %convert_element_type3A_12, %convert_element_type3A_607, %dot_general3A_608 {dimension_numbers = #tpu.dot_dimension_numbers<[1], [0], [0], [1], [0, 0, 1, 1], [], []>, transpose_lhs_hint = false} : vector<16x16xbf16>, vector<16x128xbf16>, vector<16x128xf32> -> vector<16x128xf32>
    %add3A_610 = arith.addf %dot_general3A_604, %dot_general3A_609 : vector<16x128xf32>
    %convert_element_type3A_611 = arith.extui %eq3A_599 : vector<16x128xi1> to vector<16x128xi32>
    %convert_element_type3A_612 = arith.sitofp %convert_element_type3A_611 : vector<16x128xi32> to vector<16x128xf32>
    %convert_element_type3A_613 = arith.truncf %convert_element_type3A_612 : vector<16x128xf32> to vector<16x128xbf16>
    %dot_general3A_614 = arith.constant dense<0.000000e+00> : vector<16x128xf32>
    %dot_general3A_615 = tpu.matmul %convert_element_type3A_613, %convert_element_type3A_7, %dot_general3A_614 {dimension_numbers = #tpu.dot_dimension_numbers<[1], [0], [0], [1], [0, 0, 1, 1], [], []>, transpose_lhs_hint = false} : vector<16x128xbf16>, vector<128x128xbf16>, vector<16x128xf32> -> vector<16x128xf32>
    %dot_general3A_616 = arith.constant dense<0.000000e+00> : vector<16x128xf32>
    %dot_general3A_617 = tpu.matmul %convert_element_type3A_613, %broadcast_in_dim3A_13, %dot_general3A_616 {dimension_numbers = #tpu.dot_dimension_numbers<[1], [0], [0], [1], [0, 0, 1, 1], [], []>, transpose_lhs_hint = false} : vector<16x128xbf16>, vector<128x128xbf16>, vector<16x128xf32> -> vector<16x128xf32>
    %convert_element_type3A_618 = arith.truncf %dot_general3A_617 : vector<16x128xf32> to vector<16x128xbf16>
    %dot_general3A_619 = arith.constant dense<0.000000e+00> : vector<16x128xf32>
    %dot_general3A_620 = tpu.matmul %convert_element_type3A_12, %convert_element_type3A_618, %dot_general3A_619 {dimension_numbers = #tpu.dot_dimension_numbers<[1], [0], [0], [1], [0, 0, 1, 1], [], []>, transpose_lhs_hint = false} : vector<16x16xbf16>, vector<16x128xbf16>, vector<16x128xf32> -> vector<16x128xf32>
    %add3A_621 = arith.addf %dot_general3A_615, %dot_general3A_620 : vector<16x128xf32>
    %convert_element_type3A_622 = arith.extui %eq3A_596 : vector<16x128xi1> to vector<16x128xi32>
    %convert_element_type3A_623 = arith.sitofp %convert_element_type3A_622 : vector<16x128xi32> to vector<16x128xf32>
    %reduce_sum3A_624 = vector.shape_cast %convert_element_type3A_623 : vector<16x128xf32> to vector<1x16x128xf32>
    %reduce_sum3A_625 = arith.constant dense<0.000000e+00> : vector<1xf32>
    %reduce_sum3A_626 = vector.multi_reduction <add>, %reduce_sum3A_624, %reduce_sum3A_625 [1, 2] : vector<1x16x128xf32> to vector<1xf32>
    %reduce_sum3A_627 = vector.shape_cast %reduce_sum3A_626 : vector<1xf32> to vector<1x1x1xf32>
    %reduce_sum3A_628 = vector.extract %reduce_sum3A_627[0, 0, 0] : f32 from vector<1x1x1xf32>
    %convert_element_type3A_629 = arith.extui %eq3A_599 : vector<16x128xi1> to vector<16x128xi32>
    %convert_element_type3A_630 = arith.sitofp %convert_element_type3A_629 : vector<16x128xi32> to vector<16x128xf32>
    %reduce_sum3A_631 = vector.shape_cast %convert_element_type3A_630 : vector<16x128xf32> to vector<1x16x128xf32>
    %reduce_sum3A_632 = arith.constant dense<0.000000e+00> : vector<1xf32>
    %reduce_sum3A_633 = vector.multi_reduction <add>, %reduce_sum3A_631, %reduce_sum3A_632 [1, 2] : vector<1x16x128xf32> to vector<1xf32>
    %reduce_sum3A_634 = vector.shape_cast %reduce_sum3A_633 : vector<1xf32> to vector<1x1x1xf32>
    %reduce_sum3A_635 = vector.extract %reduce_sum3A_634[0, 0, 0] : f32 from vector<1x1x1xf32>
    %add3A_636 = arith.addf %reduce_sum3A_628, %reduce_sum3A_635 : f32
    %convert_element_type3A_637 = arith.fptosi %add3A_636 : f32 to i32
    %add3A_638 = arith.constant 512 : i32
    %add3A_639 = arith.addi %convert_element_type3A_637, %add3A_638 : i32
    %sub3A_640 = arith.constant 1 : i32
    %sub3A_641 = arith.subi %add3A_639, %sub3A_640 : i32
    %jit3A_642 = arith.constant 512 : i32
    %div3A_643 = arith.divsi %sub3A_641, %jit3A_642 : i32
    %sign3A_644 = arith.constant 0 : i32
    %sign3A_645 = arith.cmpi sgt, %sub3A_641, %sign3A_644 : i32
    %sign3A_646 = arith.extui %sign3A_645 : i1 to i32
    %sign3A_647 = arith.constant 0 : i32
    %sign3A_648 = arith.cmpi slt, %sub3A_641, %sign3A_647 : i32
    %sign3A_649 = arith.extui %sign3A_648 : i1 to i32
    %sign3A_650 = arith.subi %sign3A_646, %sign3A_649 : i32
    %sign3A_651 = arith.constant 0 : i32
    %sign3A_652 = arith.cmpi sgt, %jit3A_642, %sign3A_651 : i32
    %sign3A_653 = arith.extui %sign3A_652 : i1 to i32
    %sign3A_654 = arith.constant 0 : i32
    %sign3A_655 = arith.cmpi slt, %jit3A_642, %sign3A_654 : i32
    %sign3A_656 = arith.extui %sign3A_655 : i1 to i32
    %sign3A_657 = arith.subi %sign3A_653, %sign3A_656 : i32
    %ne3A_658 = arith.cmpi ne, %sign3A_650, %sign3A_657 : i32
    %rem3A_659 = arith.remsi %sub3A_641, %jit3A_642 : i32
    %ne3A_660 = arith.constant 0 : i32
    %ne3A_661 = arith.cmpi ne, %rem3A_659, %ne3A_660 : i32
    %and3A_662 = arith.andi %ne3A_658, %ne3A_661 : i1
    %sub3A_663 = arith.constant 1 : i32
    %sub3A_664 = arith.subi %div3A_643, %sub3A_663 : i32
    %select_n3A_665 = arith.select %and3A_662, %sub3A_664, %div3A_643 : i32
    %mul3A_666 = arith.constant 512 : i32
    %mul3A_667 = arith.muli %select_n3A_665, %mul3A_666 : i32
    %add3A_668 = arith.addi %add3A_584, %mul3A_667 : i32
    %convert_element_type3A_669 = arith.sitofp %add3A_584 : i32 to f32
    %add3A_670 = vector.broadcast %convert_element_type3A_669 : f32 to vector<16x128xf32>
    %add3A_671 = arith.addf %add3A_670, %add3A_610 : vector<16x128xf32>
    %add3A_672 = arith.addf %add3A_671, %add3A_621 : vector<16x128xf32>
    %select_n3A_673 = arith.select %eq3A_596, %add3A_672, %select_n3A_589 : vector<16x128xi1>, vector<16x128xf32>
    %convert_element_type3A_674 = arith.extui %eq3A_596 : vector<16x128xi1> to vector<16x128xi32>
    %convert_element_type3A_675 = arith.sitofp %convert_element_type3A_674 : vector<16x128xi32> to vector<16x128xf32>
    %add3A_676 = arith.addf %add3A_672, %convert_element_type3A_675 : vector<16x128xf32>
    %select_n3A_677 = arith.select %eq3A_599, %add3A_676, %select_n3A_593 : vector<16x128xi1>, vector<16x128xf32>
    %eq3A_678 = arith.constant 8 : i32
    %eq3A_679 = vector.broadcast %eq3A_678 : i32 to vector<16x128xi32>
    %eq3A_680 = arith.cmpi eq, %get3A_1, %eq3A_679 : vector<16x128xi32>
    %eq3A_681 = arith.constant 8 : i32
    %eq3A_682 = vector.broadcast %eq3A_681 : i32 to vector<16x128xi32>
    %eq3A_683 = arith.cmpi eq, %get3A_4, %eq3A_682 : vector<16x128xi32>
    %convert_element_type3A_684 = arith.extui %eq3A_680 : vector<16x128xi1> to vector<16x128xi32>
    %convert_element_type3A_685 = arith.sitofp %convert_element_type3A_684 : vector<16x128xi32> to vector<16x128xf32>
    %convert_element_type3A_686 = arith.truncf %convert_element_type3A_685 : vector<16x128xf32> to vector<16x128xbf16>
    %dot_general3A_687 = arith.constant dense<0.000000e+00> : vector<16x128xf32>
    %dot_general3A_688 = tpu.matmul %convert_element_type3A_686, %convert_element_type3A_7, %dot_general3A_687 {dimension_numbers = #tpu.dot_dimension_numbers<[1], [0], [0], [1], [0, 0, 1, 1], [], []>, transpose_lhs_hint = false} : vector<16x128xbf16>, vector<128x128xbf16>, vector<16x128xf32> -> vector<16x128xf32>
    %dot_general3A_689 = arith.constant dense<0.000000e+00> : vector<16x128xf32>
    %dot_general3A_690 = tpu.matmul %convert_element_type3A_686, %broadcast_in_dim3A_13, %dot_general3A_689 {dimension_numbers = #tpu.dot_dimension_numbers<[1], [0], [0], [1], [0, 0, 1, 1], [], []>, transpose_lhs_hint = false} : vector<16x128xbf16>, vector<128x128xbf16>, vector<16x128xf32> -> vector<16x128xf32>
    %convert_element_type3A_691 = arith.truncf %dot_general3A_690 : vector<16x128xf32> to vector<16x128xbf16>
    %dot_general3A_692 = arith.constant dense<0.000000e+00> : vector<16x128xf32>
    %dot_general3A_693 = tpu.matmul %convert_element_type3A_12, %convert_element_type3A_691, %dot_general3A_692 {dimension_numbers = #tpu.dot_dimension_numbers<[1], [0], [0], [1], [0, 0, 1, 1], [], []>, transpose_lhs_hint = false} : vector<16x16xbf16>, vector<16x128xbf16>, vector<16x128xf32> -> vector<16x128xf32>
    %add3A_694 = arith.addf %dot_general3A_688, %dot_general3A_693 : vector<16x128xf32>
    %convert_element_type3A_695 = arith.extui %eq3A_683 : vector<16x128xi1> to vector<16x128xi32>
    %convert_element_type3A_696 = arith.sitofp %convert_element_type3A_695 : vector<16x128xi32> to vector<16x128xf32>
    %convert_element_type3A_697 = arith.truncf %convert_element_type3A_696 : vector<16x128xf32> to vector<16x128xbf16>
    %dot_general3A_698 = arith.constant dense<0.000000e+00> : vector<16x128xf32>
    %dot_general3A_699 = tpu.matmul %convert_element_type3A_697, %convert_element_type3A_7, %dot_general3A_698 {dimension_numbers = #tpu.dot_dimension_numbers<[1], [0], [0], [1], [0, 0, 1, 1], [], []>, transpose_lhs_hint = false} : vector<16x128xbf16>, vector<128x128xbf16>, vector<16x128xf32> -> vector<16x128xf32>
    %dot_general3A_700 = arith.constant dense<0.000000e+00> : vector<16x128xf32>
    %dot_general3A_701 = tpu.matmul %convert_element_type3A_697, %broadcast_in_dim3A_13, %dot_general3A_700 {dimension_numbers = #tpu.dot_dimension_numbers<[1], [0], [0], [1], [0, 0, 1, 1], [], []>, transpose_lhs_hint = false} : vector<16x128xbf16>, vector<128x128xbf16>, vector<16x128xf32> -> vector<16x128xf32>
    %convert_element_type3A_702 = arith.truncf %dot_general3A_701 : vector<16x128xf32> to vector<16x128xbf16>
    %dot_general3A_703 = arith.constant dense<0.000000e+00> : vector<16x128xf32>
    %dot_general3A_704 = tpu.matmul %convert_element_type3A_12, %convert_element_type3A_702, %dot_general3A_703 {dimension_numbers = #tpu.dot_dimension_numbers<[1], [0], [0], [1], [0, 0, 1, 1], [], []>, transpose_lhs_hint = false} : vector<16x16xbf16>, vector<16x128xbf16>, vector<16x128xf32> -> vector<16x128xf32>
    %add3A_705 = arith.addf %dot_general3A_699, %dot_general3A_704 : vector<16x128xf32>
    %convert_element_type3A_706 = arith.extui %eq3A_680 : vector<16x128xi1> to vector<16x128xi32>
    %convert_element_type3A_707 = arith.sitofp %convert_element_type3A_706 : vector<16x128xi32> to vector<16x128xf32>
    %reduce_sum3A_708 = vector.shape_cast %convert_element_type3A_707 : vector<16x128xf32> to vector<1x16x128xf32>
    %reduce_sum3A_709 = arith.constant dense<0.000000e+00> : vector<1xf32>
    %reduce_sum3A_710 = vector.multi_reduction <add>, %reduce_sum3A_708, %reduce_sum3A_709 [1, 2] : vector<1x16x128xf32> to vector<1xf32>
    %reduce_sum3A_711 = vector.shape_cast %reduce_sum3A_710 : vector<1xf32> to vector<1x1x1xf32>
    %reduce_sum3A_712 = vector.extract %reduce_sum3A_711[0, 0, 0] : f32 from vector<1x1x1xf32>
    %convert_element_type3A_713 = arith.extui %eq3A_683 : vector<16x128xi1> to vector<16x128xi32>
    %convert_element_type3A_714 = arith.sitofp %convert_element_type3A_713 : vector<16x128xi32> to vector<16x128xf32>
    %reduce_sum3A_715 = vector.shape_cast %convert_element_type3A_714 : vector<16x128xf32> to vector<1x16x128xf32>
    %reduce_sum3A_716 = arith.constant dense<0.000000e+00> : vector<1xf32>
    %reduce_sum3A_717 = vector.multi_reduction <add>, %reduce_sum3A_715, %reduce_sum3A_716 [1, 2] : vector<1x16x128xf32> to vector<1xf32>
    %reduce_sum3A_718 = vector.shape_cast %reduce_sum3A_717 : vector<1xf32> to vector<1x1x1xf32>
    %reduce_sum3A_719 = vector.extract %reduce_sum3A_718[0, 0, 0] : f32 from vector<1x1x1xf32>
    %add3A_720 = arith.addf %reduce_sum3A_712, %reduce_sum3A_719 : f32
    %convert_element_type3A_721 = arith.fptosi %add3A_720 : f32 to i32
    %add3A_722 = arith.constant 512 : i32
    %add3A_723 = arith.addi %convert_element_type3A_721, %add3A_722 : i32
    %sub3A_724 = arith.constant 1 : i32
    %sub3A_725 = arith.subi %add3A_723, %sub3A_724 : i32
    %jit3A_726 = arith.constant 512 : i32
    %div3A_727 = arith.divsi %sub3A_725, %jit3A_726 : i32
    %sign3A_728 = arith.constant 0 : i32
    %sign3A_729 = arith.cmpi sgt, %sub3A_725, %sign3A_728 : i32
    %sign3A_730 = arith.extui %sign3A_729 : i1 to i32
    %sign3A_731 = arith.constant 0 : i32
    %sign3A_732 = arith.cmpi slt, %sub3A_725, %sign3A_731 : i32
    %sign3A_733 = arith.extui %sign3A_732 : i1 to i32
    %sign3A_734 = arith.subi %sign3A_730, %sign3A_733 : i32
    %sign3A_735 = arith.constant 0 : i32
    %sign3A_736 = arith.cmpi sgt, %jit3A_726, %sign3A_735 : i32
    %sign3A_737 = arith.extui %sign3A_736 : i1 to i32
    %sign3A_738 = arith.constant 0 : i32
    %sign3A_739 = arith.cmpi slt, %jit3A_726, %sign3A_738 : i32
    %sign3A_740 = arith.extui %sign3A_739 : i1 to i32
    %sign3A_741 = arith.subi %sign3A_737, %sign3A_740 : i32
    %ne3A_742 = arith.cmpi ne, %sign3A_734, %sign3A_741 : i32
    %rem3A_743 = arith.remsi %sub3A_725, %jit3A_726 : i32
    %ne3A_744 = arith.constant 0 : i32
    %ne3A_745 = arith.cmpi ne, %rem3A_743, %ne3A_744 : i32
    %and3A_746 = arith.andi %ne3A_742, %ne3A_745 : i1
    %sub3A_747 = arith.constant 1 : i32
    %sub3A_748 = arith.subi %div3A_727, %sub3A_747 : i32
    %select_n3A_749 = arith.select %and3A_746, %sub3A_748, %div3A_727 : i32
    %mul3A_750 = arith.constant 512 : i32
    %mul3A_751 = arith.muli %select_n3A_749, %mul3A_750 : i32
    %add3A_752 = arith.addi %add3A_668, %mul3A_751 : i32
    %convert_element_type3A_753 = arith.sitofp %add3A_668 : i32 to f32
    %add3A_754 = vector.broadcast %convert_element_type3A_753 : f32 to vector<16x128xf32>
    %add3A_755 = arith.addf %add3A_754, %add3A_694 : vector<16x128xf32>
    %add3A_756 = arith.addf %add3A_755, %add3A_705 : vector<16x128xf32>
    %select_n3A_757 = arith.select %eq3A_680, %add3A_756, %select_n3A_673 : vector<16x128xi1>, vector<16x128xf32>
    %convert_element_type3A_758 = arith.extui %eq3A_680 : vector<16x128xi1> to vector<16x128xi32>
    %convert_element_type3A_759 = arith.sitofp %convert_element_type3A_758 : vector<16x128xi32> to vector<16x128xf32>
    %add3A_760 = arith.addf %add3A_756, %convert_element_type3A_759 : vector<16x128xf32>
    %select_n3A_761 = arith.select %eq3A_683, %add3A_760, %select_n3A_677 : vector<16x128xi1>, vector<16x128xf32>
    %eq3A_762 = arith.constant 9 : i32
    %eq3A_763 = vector.broadcast %eq3A_762 : i32 to vector<16x128xi32>
    %eq3A_764 = arith.cmpi eq, %get3A_1, %eq3A_763 : vector<16x128xi32>
    %eq3A_765 = arith.constant 9 : i32
    %eq3A_766 = vector.broadcast %eq3A_765 : i32 to vector<16x128xi32>
    %eq3A_767 = arith.cmpi eq, %get3A_4, %eq3A_766 : vector<16x128xi32>
    %convert_element_type3A_768 = arith.extui %eq3A_764 : vector<16x128xi1> to vector<16x128xi32>
    %convert_element_type3A_769 = arith.sitofp %convert_element_type3A_768 : vector<16x128xi32> to vector<16x128xf32>
    %convert_element_type3A_770 = arith.truncf %convert_element_type3A_769 : vector<16x128xf32> to vector<16x128xbf16>
    %dot_general3A_771 = arith.constant dense<0.000000e+00> : vector<16x128xf32>
    %dot_general3A_772 = tpu.matmul %convert_element_type3A_770, %convert_element_type3A_7, %dot_general3A_771 {dimension_numbers = #tpu.dot_dimension_numbers<[1], [0], [0], [1], [0, 0, 1, 1], [], []>, transpose_lhs_hint = false} : vector<16x128xbf16>, vector<128x128xbf16>, vector<16x128xf32> -> vector<16x128xf32>
    %dot_general3A_773 = arith.constant dense<0.000000e+00> : vector<16x128xf32>
    %dot_general3A_774 = tpu.matmul %convert_element_type3A_770, %broadcast_in_dim3A_13, %dot_general3A_773 {dimension_numbers = #tpu.dot_dimension_numbers<[1], [0], [0], [1], [0, 0, 1, 1], [], []>, transpose_lhs_hint = false} : vector<16x128xbf16>, vector<128x128xbf16>, vector<16x128xf32> -> vector<16x128xf32>
    %convert_element_type3A_775 = arith.truncf %dot_general3A_774 : vector<16x128xf32> to vector<16x128xbf16>
    %dot_general3A_776 = arith.constant dense<0.000000e+00> : vector<16x128xf32>
    %dot_general3A_777 = tpu.matmul %convert_element_type3A_12, %convert_element_type3A_775, %dot_general3A_776 {dimension_numbers = #tpu.dot_dimension_numbers<[1], [0], [0], [1], [0, 0, 1, 1], [], []>, transpose_lhs_hint = false} : vector<16x16xbf16>, vector<16x128xbf16>, vector<16x128xf32> -> vector<16x128xf32>
    %add3A_778 = arith.addf %dot_general3A_772, %dot_general3A_777 : vector<16x128xf32>
    %convert_element_type3A_779 = arith.extui %eq3A_767 : vector<16x128xi1> to vector<16x128xi32>
    %convert_element_type3A_780 = arith.sitofp %convert_element_type3A_779 : vector<16x128xi32> to vector<16x128xf32>
    %convert_element_type3A_781 = arith.truncf %convert_element_type3A_780 : vector<16x128xf32> to vector<16x128xbf16>
    %dot_general3A_782 = arith.constant dense<0.000000e+00> : vector<16x128xf32>
    %dot_general3A_783 = tpu.matmul %convert_element_type3A_781, %convert_element_type3A_7, %dot_general3A_782 {dimension_numbers = #tpu.dot_dimension_numbers<[1], [0], [0], [1], [0, 0, 1, 1], [], []>, transpose_lhs_hint = false} : vector<16x128xbf16>, vector<128x128xbf16>, vector<16x128xf32> -> vector<16x128xf32>
    %dot_general3A_784 = arith.constant dense<0.000000e+00> : vector<16x128xf32>
    %dot_general3A_785 = tpu.matmul %convert_element_type3A_781, %broadcast_in_dim3A_13, %dot_general3A_784 {dimension_numbers = #tpu.dot_dimension_numbers<[1], [0], [0], [1], [0, 0, 1, 1], [], []>, transpose_lhs_hint = false} : vector<16x128xbf16>, vector<128x128xbf16>, vector<16x128xf32> -> vector<16x128xf32>
    %convert_element_type3A_786 = arith.truncf %dot_general3A_785 : vector<16x128xf32> to vector<16x128xbf16>
    %dot_general3A_787 = arith.constant dense<0.000000e+00> : vector<16x128xf32>
    %dot_general3A_788 = tpu.matmul %convert_element_type3A_12, %convert_element_type3A_786, %dot_general3A_787 {dimension_numbers = #tpu.dot_dimension_numbers<[1], [0], [0], [1], [0, 0, 1, 1], [], []>, transpose_lhs_hint = false} : vector<16x16xbf16>, vector<16x128xbf16>, vector<16x128xf32> -> vector<16x128xf32>
    %add3A_789 = arith.addf %dot_general3A_783, %dot_general3A_788 : vector<16x128xf32>
    %convert_element_type3A_790 = arith.extui %eq3A_764 : vector<16x128xi1> to vector<16x128xi32>
    %convert_element_type3A_791 = arith.sitofp %convert_element_type3A_790 : vector<16x128xi32> to vector<16x128xf32>
    %reduce_sum3A_792 = vector.shape_cast %convert_element_type3A_791 : vector<16x128xf32> to vector<1x16x128xf32>
    %reduce_sum3A_793 = arith.constant dense<0.000000e+00> : vector<1xf32>
    %reduce_sum3A_794 = vector.multi_reduction <add>, %reduce_sum3A_792, %reduce_sum3A_793 [1, 2] : vector<1x16x128xf32> to vector<1xf32>
    %reduce_sum3A_795 = vector.shape_cast %reduce_sum3A_794 : vector<1xf32> to vector<1x1x1xf32>
    %reduce_sum3A_796 = vector.extract %reduce_sum3A_795[0, 0, 0] : f32 from vector<1x1x1xf32>
    %convert_element_type3A_797 = arith.extui %eq3A_767 : vector<16x128xi1> to vector<16x128xi32>
    %convert_element_type3A_798 = arith.sitofp %convert_element_type3A_797 : vector<16x128xi32> to vector<16x128xf32>
    %reduce_sum3A_799 = vector.shape_cast %convert_element_type3A_798 : vector<16x128xf32> to vector<1x16x128xf32>
    %reduce_sum3A_800 = arith.constant dense<0.000000e+00> : vector<1xf32>
    %reduce_sum3A_801 = vector.multi_reduction <add>, %reduce_sum3A_799, %reduce_sum3A_800 [1, 2] : vector<1x16x128xf32> to vector<1xf32>
    %reduce_sum3A_802 = vector.shape_cast %reduce_sum3A_801 : vector<1xf32> to vector<1x1x1xf32>
    %reduce_sum3A_803 = vector.extract %reduce_sum3A_802[0, 0, 0] : f32 from vector<1x1x1xf32>
    %add3A_804 = arith.addf %reduce_sum3A_796, %reduce_sum3A_803 : f32
    %convert_element_type3A_805 = arith.fptosi %add3A_804 : f32 to i32
    %add3A_806 = arith.constant 512 : i32
    %add3A_807 = arith.addi %convert_element_type3A_805, %add3A_806 : i32
    %sub3A_808 = arith.constant 1 : i32
    %sub3A_809 = arith.subi %add3A_807, %sub3A_808 : i32
    %jit3A_810 = arith.constant 512 : i32
    %div3A_811 = arith.divsi %sub3A_809, %jit3A_810 : i32
    %sign3A_812 = arith.constant 0 : i32
    %sign3A_813 = arith.cmpi sgt, %sub3A_809, %sign3A_812 : i32
    %sign3A_814 = arith.extui %sign3A_813 : i1 to i32
    %sign3A_815 = arith.constant 0 : i32
    %sign3A_816 = arith.cmpi slt, %sub3A_809, %sign3A_815 : i32
    %sign3A_817 = arith.extui %sign3A_816 : i1 to i32
    %sign3A_818 = arith.subi %sign3A_814, %sign3A_817 : i32
    %sign3A_819 = arith.constant 0 : i32
    %sign3A_820 = arith.cmpi sgt, %jit3A_810, %sign3A_819 : i32
    %sign3A_821 = arith.extui %sign3A_820 : i1 to i32
    %sign3A_822 = arith.constant 0 : i32
    %sign3A_823 = arith.cmpi slt, %jit3A_810, %sign3A_822 : i32
    %sign3A_824 = arith.extui %sign3A_823 : i1 to i32
    %sign3A_825 = arith.subi %sign3A_821, %sign3A_824 : i32
    %ne3A_826 = arith.cmpi ne, %sign3A_818, %sign3A_825 : i32
    %rem3A_827 = arith.remsi %sub3A_809, %jit3A_810 : i32
    %ne3A_828 = arith.constant 0 : i32
    %ne3A_829 = arith.cmpi ne, %rem3A_827, %ne3A_828 : i32
    %and3A_830 = arith.andi %ne3A_826, %ne3A_829 : i1
    %sub3A_831 = arith.constant 1 : i32
    %sub3A_832 = arith.subi %div3A_811, %sub3A_831 : i32
    %select_n3A_833 = arith.select %and3A_830, %sub3A_832, %div3A_811 : i32
    %mul3A_834 = arith.constant 512 : i32
    %mul3A_835 = arith.muli %select_n3A_833, %mul3A_834 : i32
    %add3A_836 = arith.addi %add3A_752, %mul3A_835 : i32
    %convert_element_type3A_837 = arith.sitofp %add3A_752 : i32 to f32
    %add3A_838 = vector.broadcast %convert_element_type3A_837 : f32 to vector<16x128xf32>
    %add3A_839 = arith.addf %add3A_838, %add3A_778 : vector<16x128xf32>
    %add3A_840 = arith.addf %add3A_839, %add3A_789 : vector<16x128xf32>
    %select_n3A_841 = arith.select %eq3A_764, %add3A_840, %select_n3A_757 : vector<16x128xi1>, vector<16x128xf32>
    %convert_element_type3A_842 = arith.extui %eq3A_764 : vector<16x128xi1> to vector<16x128xi32>
    %convert_element_type3A_843 = arith.sitofp %convert_element_type3A_842 : vector<16x128xi32> to vector<16x128xf32>
    %add3A_844 = arith.addf %add3A_840, %convert_element_type3A_843 : vector<16x128xf32>
    %select_n3A_845 = arith.select %eq3A_767, %add3A_844, %select_n3A_761 : vector<16x128xi1>, vector<16x128xf32>
    %eq3A_846 = arith.constant 10 : i32
    %eq3A_847 = vector.broadcast %eq3A_846 : i32 to vector<16x128xi32>
    %eq3A_848 = arith.cmpi eq, %get3A_1, %eq3A_847 : vector<16x128xi32>
    %eq3A_849 = arith.constant 10 : i32
    %eq3A_850 = vector.broadcast %eq3A_849 : i32 to vector<16x128xi32>
    %eq3A_851 = arith.cmpi eq, %get3A_4, %eq3A_850 : vector<16x128xi32>
    %convert_element_type3A_852 = arith.extui %eq3A_848 : vector<16x128xi1> to vector<16x128xi32>
    %convert_element_type3A_853 = arith.sitofp %convert_element_type3A_852 : vector<16x128xi32> to vector<16x128xf32>
    %convert_element_type3A_854 = arith.truncf %convert_element_type3A_853 : vector<16x128xf32> to vector<16x128xbf16>
    %dot_general3A_855 = arith.constant dense<0.000000e+00> : vector<16x128xf32>
    %dot_general3A_856 = tpu.matmul %convert_element_type3A_854, %convert_element_type3A_7, %dot_general3A_855 {dimension_numbers = #tpu.dot_dimension_numbers<[1], [0], [0], [1], [0, 0, 1, 1], [], []>, transpose_lhs_hint = false} : vector<16x128xbf16>, vector<128x128xbf16>, vector<16x128xf32> -> vector<16x128xf32>
    %dot_general3A_857 = arith.constant dense<0.000000e+00> : vector<16x128xf32>
    %dot_general3A_858 = tpu.matmul %convert_element_type3A_854, %broadcast_in_dim3A_13, %dot_general3A_857 {dimension_numbers = #tpu.dot_dimension_numbers<[1], [0], [0], [1], [0, 0, 1, 1], [], []>, transpose_lhs_hint = false} : vector<16x128xbf16>, vector<128x128xbf16>, vector<16x128xf32> -> vector<16x128xf32>
    %convert_element_type3A_859 = arith.truncf %dot_general3A_858 : vector<16x128xf32> to vector<16x128xbf16>
    %dot_general3A_860 = arith.constant dense<0.000000e+00> : vector<16x128xf32>
    %dot_general3A_861 = tpu.matmul %convert_element_type3A_12, %convert_element_type3A_859, %dot_general3A_860 {dimension_numbers = #tpu.dot_dimension_numbers<[1], [0], [0], [1], [0, 0, 1, 1], [], []>, transpose_lhs_hint = false} : vector<16x16xbf16>, vector<16x128xbf16>, vector<16x128xf32> -> vector<16x128xf32>
    %add3A_862 = arith.addf %dot_general3A_856, %dot_general3A_861 : vector<16x128xf32>
    %convert_element_type3A_863 = arith.extui %eq3A_851 : vector<16x128xi1> to vector<16x128xi32>
    %convert_element_type3A_864 = arith.sitofp %convert_element_type3A_863 : vector<16x128xi32> to vector<16x128xf32>
    %convert_element_type3A_865 = arith.truncf %convert_element_type3A_864 : vector<16x128xf32> to vector<16x128xbf16>
    %dot_general3A_866 = arith.constant dense<0.000000e+00> : vector<16x128xf32>
    %dot_general3A_867 = tpu.matmul %convert_element_type3A_865, %convert_element_type3A_7, %dot_general3A_866 {dimension_numbers = #tpu.dot_dimension_numbers<[1], [0], [0], [1], [0, 0, 1, 1], [], []>, transpose_lhs_hint = false} : vector<16x128xbf16>, vector<128x128xbf16>, vector<16x128xf32> -> vector<16x128xf32>
    %dot_general3A_868 = arith.constant dense<0.000000e+00> : vector<16x128xf32>
    %dot_general3A_869 = tpu.matmul %convert_element_type3A_865, %broadcast_in_dim3A_13, %dot_general3A_868 {dimension_numbers = #tpu.dot_dimension_numbers<[1], [0], [0], [1], [0, 0, 1, 1], [], []>, transpose_lhs_hint = false} : vector<16x128xbf16>, vector<128x128xbf16>, vector<16x128xf32> -> vector<16x128xf32>
    %convert_element_type3A_870 = arith.truncf %dot_general3A_869 : vector<16x128xf32> to vector<16x128xbf16>
    %dot_general3A_871 = arith.constant dense<0.000000e+00> : vector<16x128xf32>
    %dot_general3A_872 = tpu.matmul %convert_element_type3A_12, %convert_element_type3A_870, %dot_general3A_871 {dimension_numbers = #tpu.dot_dimension_numbers<[1], [0], [0], [1], [0, 0, 1, 1], [], []>, transpose_lhs_hint = false} : vector<16x16xbf16>, vector<16x128xbf16>, vector<16x128xf32> -> vector<16x128xf32>
    %add3A_873 = arith.addf %dot_general3A_867, %dot_general3A_872 : vector<16x128xf32>
    %convert_element_type3A_874 = arith.extui %eq3A_848 : vector<16x128xi1> to vector<16x128xi32>
    %convert_element_type3A_875 = arith.sitofp %convert_element_type3A_874 : vector<16x128xi32> to vector<16x128xf32>
    %reduce_sum3A_876 = vector.shape_cast %convert_element_type3A_875 : vector<16x128xf32> to vector<1x16x128xf32>
    %reduce_sum3A_877 = arith.constant dense<0.000000e+00> : vector<1xf32>
    %reduce_sum3A_878 = vector.multi_reduction <add>, %reduce_sum3A_876, %reduce_sum3A_877 [1, 2] : vector<1x16x128xf32> to vector<1xf32>
    %reduce_sum3A_879 = vector.shape_cast %reduce_sum3A_878 : vector<1xf32> to vector<1x1x1xf32>
    %reduce_sum3A_880 = vector.extract %reduce_sum3A_879[0, 0, 0] : f32 from vector<1x1x1xf32>
    %convert_element_type3A_881 = arith.extui %eq3A_851 : vector<16x128xi1> to vector<16x128xi32>
    %convert_element_type3A_882 = arith.sitofp %convert_element_type3A_881 : vector<16x128xi32> to vector<16x128xf32>
    %reduce_sum3A_883 = vector.shape_cast %convert_element_type3A_882 : vector<16x128xf32> to vector<1x16x128xf32>
    %reduce_sum3A_884 = arith.constant dense<0.000000e+00> : vector<1xf32>
    %reduce_sum3A_885 = vector.multi_reduction <add>, %reduce_sum3A_883, %reduce_sum3A_884 [1, 2] : vector<1x16x128xf32> to vector<1xf32>
    %reduce_sum3A_886 = vector.shape_cast %reduce_sum3A_885 : vector<1xf32> to vector<1x1x1xf32>
    %reduce_sum3A_887 = vector.extract %reduce_sum3A_886[0, 0, 0] : f32 from vector<1x1x1xf32>
    %add3A_888 = arith.addf %reduce_sum3A_880, %reduce_sum3A_887 : f32
    %convert_element_type3A_889 = arith.fptosi %add3A_888 : f32 to i32
    %add3A_890 = arith.constant 512 : i32
    %add3A_891 = arith.addi %convert_element_type3A_889, %add3A_890 : i32
    %sub3A_892 = arith.constant 1 : i32
    %sub3A_893 = arith.subi %add3A_891, %sub3A_892 : i32
    %jit3A_894 = arith.constant 512 : i32
    %div3A_895 = arith.divsi %sub3A_893, %jit3A_894 : i32
    %sign3A_896 = arith.constant 0 : i32
    %sign3A_897 = arith.cmpi sgt, %sub3A_893, %sign3A_896 : i32
    %sign3A_898 = arith.extui %sign3A_897 : i1 to i32
    %sign3A_899 = arith.constant 0 : i32
    %sign3A_900 = arith.cmpi slt, %sub3A_893, %sign3A_899 : i32
    %sign3A_901 = arith.extui %sign3A_900 : i1 to i32
    %sign3A_902 = arith.subi %sign3A_898, %sign3A_901 : i32
    %sign3A_903 = arith.constant 0 : i32
    %sign3A_904 = arith.cmpi sgt, %jit3A_894, %sign3A_903 : i32
    %sign3A_905 = arith.extui %sign3A_904 : i1 to i32
    %sign3A_906 = arith.constant 0 : i32
    %sign3A_907 = arith.cmpi slt, %jit3A_894, %sign3A_906 : i32
    %sign3A_908 = arith.extui %sign3A_907 : i1 to i32
    %sign3A_909 = arith.subi %sign3A_905, %sign3A_908 : i32
    %ne3A_910 = arith.cmpi ne, %sign3A_902, %sign3A_909 : i32
    %rem3A_911 = arith.remsi %sub3A_893, %jit3A_894 : i32
    %ne3A_912 = arith.constant 0 : i32
    %ne3A_913 = arith.cmpi ne, %rem3A_911, %ne3A_912 : i32
    %and3A_914 = arith.andi %ne3A_910, %ne3A_913 : i1
    %sub3A_915 = arith.constant 1 : i32
    %sub3A_916 = arith.subi %div3A_895, %sub3A_915 : i32
    %select_n3A_917 = arith.select %and3A_914, %sub3A_916, %div3A_895 : i32
    %mul3A_918 = arith.constant 512 : i32
    %mul3A_919 = arith.muli %select_n3A_917, %mul3A_918 : i32
    %add3A_920 = arith.addi %add3A_836, %mul3A_919 : i32
    %convert_element_type3A_921 = arith.sitofp %add3A_836 : i32 to f32
    %add3A_922 = vector.broadcast %convert_element_type3A_921 : f32 to vector<16x128xf32>
    %add3A_923 = arith.addf %add3A_922, %add3A_862 : vector<16x128xf32>
    %add3A_924 = arith.addf %add3A_923, %add3A_873 : vector<16x128xf32>
    %select_n3A_925 = arith.select %eq3A_848, %add3A_924, %select_n3A_841 : vector<16x128xi1>, vector<16x128xf32>
    %convert_element_type3A_926 = arith.extui %eq3A_848 : vector<16x128xi1> to vector<16x128xi32>
    %convert_element_type3A_927 = arith.sitofp %convert_element_type3A_926 : vector<16x128xi32> to vector<16x128xf32>
    %add3A_928 = arith.addf %add3A_924, %convert_element_type3A_927 : vector<16x128xf32>
    %select_n3A_929 = arith.select %eq3A_851, %add3A_928, %select_n3A_845 : vector<16x128xi1>, vector<16x128xf32>
    %eq3A_930 = arith.constant 11 : i32
    %eq3A_931 = vector.broadcast %eq3A_930 : i32 to vector<16x128xi32>
    %eq3A_932 = arith.cmpi eq, %get3A_1, %eq3A_931 : vector<16x128xi32>
    %eq3A_933 = arith.constant 11 : i32
    %eq3A_934 = vector.broadcast %eq3A_933 : i32 to vector<16x128xi32>
    %eq3A_935 = arith.cmpi eq, %get3A_4, %eq3A_934 : vector<16x128xi32>
    %convert_element_type3A_936 = arith.extui %eq3A_932 : vector<16x128xi1> to vector<16x128xi32>
    %convert_element_type3A_937 = arith.sitofp %convert_element_type3A_936 : vector<16x128xi32> to vector<16x128xf32>
    %convert_element_type3A_938 = arith.truncf %convert_element_type3A_937 : vector<16x128xf32> to vector<16x128xbf16>
    %dot_general3A_939 = arith.constant dense<0.000000e+00> : vector<16x128xf32>
    %dot_general3A_940 = tpu.matmul %convert_element_type3A_938, %convert_element_type3A_7, %dot_general3A_939 {dimension_numbers = #tpu.dot_dimension_numbers<[1], [0], [0], [1], [0, 0, 1, 1], [], []>, transpose_lhs_hint = false} : vector<16x128xbf16>, vector<128x128xbf16>, vector<16x128xf32> -> vector<16x128xf32>
    %dot_general3A_941 = arith.constant dense<0.000000e+00> : vector<16x128xf32>
    %dot_general3A_942 = tpu.matmul %convert_element_type3A_938, %broadcast_in_dim3A_13, %dot_general3A_941 {dimension_numbers = #tpu.dot_dimension_numbers<[1], [0], [0], [1], [0, 0, 1, 1], [], []>, transpose_lhs_hint = false} : vector<16x128xbf16>, vector<128x128xbf16>, vector<16x128xf32> -> vector<16x128xf32>
    %convert_element_type3A_943 = arith.truncf %dot_general3A_942 : vector<16x128xf32> to vector<16x128xbf16>
    %dot_general3A_944 = arith.constant dense<0.000000e+00> : vector<16x128xf32>
    %dot_general3A_945 = tpu.matmul %convert_element_type3A_12, %convert_element_type3A_943, %dot_general3A_944 {dimension_numbers = #tpu.dot_dimension_numbers<[1], [0], [0], [1], [0, 0, 1, 1], [], []>, transpose_lhs_hint = false} : vector<16x16xbf16>, vector<16x128xbf16>, vector<16x128xf32> -> vector<16x128xf32>
    %add3A_946 = arith.addf %dot_general3A_940, %dot_general3A_945 : vector<16x128xf32>
    %convert_element_type3A_947 = arith.extui %eq3A_935 : vector<16x128xi1> to vector<16x128xi32>
    %convert_element_type3A_948 = arith.sitofp %convert_element_type3A_947 : vector<16x128xi32> to vector<16x128xf32>
    %convert_element_type3A_949 = arith.truncf %convert_element_type3A_948 : vector<16x128xf32> to vector<16x128xbf16>
    %dot_general3A_950 = arith.constant dense<0.000000e+00> : vector<16x128xf32>
    %dot_general3A_951 = tpu.matmul %convert_element_type3A_949, %convert_element_type3A_7, %dot_general3A_950 {dimension_numbers = #tpu.dot_dimension_numbers<[1], [0], [0], [1], [0, 0, 1, 1], [], []>, transpose_lhs_hint = false} : vector<16x128xbf16>, vector<128x128xbf16>, vector<16x128xf32> -> vector<16x128xf32>
    %dot_general3A_952 = arith.constant dense<0.000000e+00> : vector<16x128xf32>
    %dot_general3A_953 = tpu.matmul %convert_element_type3A_949, %broadcast_in_dim3A_13, %dot_general3A_952 {dimension_numbers = #tpu.dot_dimension_numbers<[1], [0], [0], [1], [0, 0, 1, 1], [], []>, transpose_lhs_hint = false} : vector<16x128xbf16>, vector<128x128xbf16>, vector<16x128xf32> -> vector<16x128xf32>
    %convert_element_type3A_954 = arith.truncf %dot_general3A_953 : vector<16x128xf32> to vector<16x128xbf16>
    %dot_general3A_955 = arith.constant dense<0.000000e+00> : vector<16x128xf32>
    %dot_general3A_956 = tpu.matmul %convert_element_type3A_12, %convert_element_type3A_954, %dot_general3A_955 {dimension_numbers = #tpu.dot_dimension_numbers<[1], [0], [0], [1], [0, 0, 1, 1], [], []>, transpose_lhs_hint = false} : vector<16x16xbf16>, vector<16x128xbf16>, vector<16x128xf32> -> vector<16x128xf32>
    %add3A_957 = arith.addf %dot_general3A_951, %dot_general3A_956 : vector<16x128xf32>
    %convert_element_type3A_958 = arith.extui %eq3A_932 : vector<16x128xi1> to vector<16x128xi32>
    %convert_element_type3A_959 = arith.sitofp %convert_element_type3A_958 : vector<16x128xi32> to vector<16x128xf32>
    %reduce_sum3A_960 = vector.shape_cast %convert_element_type3A_959 : vector<16x128xf32> to vector<1x16x128xf32>
    %reduce_sum3A_961 = arith.constant dense<0.000000e+00> : vector<1xf32>
    %reduce_sum3A_962 = vector.multi_reduction <add>, %reduce_sum3A_960, %reduce_sum3A_961 [1, 2] : vector<1x16x128xf32> to vector<1xf32>
    %reduce_sum3A_963 = vector.shape_cast %reduce_sum3A_962 : vector<1xf32> to vector<1x1x1xf32>
    %reduce_sum3A_964 = vector.extract %reduce_sum3A_963[0, 0, 0] : f32 from vector<1x1x1xf32>
    %convert_element_type3A_965 = arith.extui %eq3A_935 : vector<16x128xi1> to vector<16x128xi32>
    %convert_element_type3A_966 = arith.sitofp %convert_element_type3A_965 : vector<16x128xi32> to vector<16x128xf32>
    %reduce_sum3A_967 = vector.shape_cast %convert_element_type3A_966 : vector<16x128xf32> to vector<1x16x128xf32>
    %reduce_sum3A_968 = arith.constant dense<0.000000e+00> : vector<1xf32>
    %reduce_sum3A_969 = vector.multi_reduction <add>, %reduce_sum3A_967, %reduce_sum3A_968 [1, 2] : vector<1x16x128xf32> to vector<1xf32>
    %reduce_sum3A_970 = vector.shape_cast %reduce_sum3A_969 : vector<1xf32> to vector<1x1x1xf32>
    %reduce_sum3A_971 = vector.extract %reduce_sum3A_970[0, 0, 0] : f32 from vector<1x1x1xf32>
    %add3A_972 = arith.addf %reduce_sum3A_964, %reduce_sum3A_971 : f32
    %convert_element_type3A_973 = arith.fptosi %add3A_972 : f32 to i32
    %add3A_974 = arith.constant 512 : i32
    %add3A_975 = arith.addi %convert_element_type3A_973, %add3A_974 : i32
    %sub3A_976 = arith.constant 1 : i32
    %sub3A_977 = arith.subi %add3A_975, %sub3A_976 : i32
    %jit3A_978 = arith.constant 512 : i32
    %div3A_979 = arith.divsi %sub3A_977, %jit3A_978 : i32
    %sign3A_980 = arith.constant 0 : i32
    %sign3A_981 = arith.cmpi sgt, %sub3A_977, %sign3A_980 : i32
    %sign3A_982 = arith.extui %sign3A_981 : i1 to i32
    %sign3A_983 = arith.constant 0 : i32
    %sign3A_984 = arith.cmpi slt, %sub3A_977, %sign3A_983 : i32
    %sign3A_985 = arith.extui %sign3A_984 : i1 to i32
    %sign3A_986 = arith.subi %sign3A_982, %sign3A_985 : i32
    %sign3A_987 = arith.constant 0 : i32
    %sign3A_988 = arith.cmpi sgt, %jit3A_978, %sign3A_987 : i32
    %sign3A_989 = arith.extui %sign3A_988 : i1 to i32
    %sign3A_990 = arith.constant 0 : i32
    %sign3A_991 = arith.cmpi slt, %jit3A_978, %sign3A_990 : i32
    %sign3A_992 = arith.extui %sign3A_991 : i1 to i32
    %sign3A_993 = arith.subi %sign3A_989, %sign3A_992 : i32
    %ne3A_994 = arith.cmpi ne, %sign3A_986, %sign3A_993 : i32
    %rem3A_995 = arith.remsi %sub3A_977, %jit3A_978 : i32
    %ne3A_996 = arith.constant 0 : i32
    %ne3A_997 = arith.cmpi ne, %rem3A_995, %ne3A_996 : i32
    %and3A_998 = arith.andi %ne3A_994, %ne3A_997 : i1
    %sub3A_999 = arith.constant 1 : i32
    %sub3A_1000 = arith.subi %div3A_979, %sub3A_999 : i32
    %select_n3A_1001 = arith.select %and3A_998, %sub3A_1000, %div3A_979 : i32
    %mul3A_1002 = arith.constant 512 : i32
    %mul3A_1003 = arith.muli %select_n3A_1001, %mul3A_1002 : i32
    %add3A_1004 = arith.addi %add3A_920, %mul3A_1003 : i32
    %convert_element_type3A_1005 = arith.sitofp %add3A_920 : i32 to f32
    %add3A_1006 = vector.broadcast %convert_element_type3A_1005 : f32 to vector<16x128xf32>
    %add3A_1007 = arith.addf %add3A_1006, %add3A_946 : vector<16x128xf32>
    %add3A_1008 = arith.addf %add3A_1007, %add3A_957 : vector<16x128xf32>
    %select_n3A_1009 = arith.select %eq3A_932, %add3A_1008, %select_n3A_925 : vector<16x128xi1>, vector<16x128xf32>
    %convert_element_type3A_1010 = arith.extui %eq3A_932 : vector<16x128xi1> to vector<16x128xi32>
    %convert_element_type3A_1011 = arith.sitofp %convert_element_type3A_1010 : vector<16x128xi32> to vector<16x128xf32>
    %add3A_1012 = arith.addf %add3A_1008, %convert_element_type3A_1011 : vector<16x128xf32>
    %select_n3A_1013 = arith.select %eq3A_935, %add3A_1012, %select_n3A_929 : vector<16x128xi1>, vector<16x128xf32>
    %eq3A_1014 = arith.constant 12 : i32
    %eq3A_1015 = vector.broadcast %eq3A_1014 : i32 to vector<16x128xi32>
    %eq3A_1016 = arith.cmpi eq, %get3A_1, %eq3A_1015 : vector<16x128xi32>
    %eq3A_1017 = arith.constant 12 : i32
    %eq3A_1018 = vector.broadcast %eq3A_1017 : i32 to vector<16x128xi32>
    %eq3A_1019 = arith.cmpi eq, %get3A_4, %eq3A_1018 : vector<16x128xi32>
    %convert_element_type3A_1020 = arith.extui %eq3A_1016 : vector<16x128xi1> to vector<16x128xi32>
    %convert_element_type3A_1021 = arith.sitofp %convert_element_type3A_1020 : vector<16x128xi32> to vector<16x128xf32>
    %convert_element_type3A_1022 = arith.truncf %convert_element_type3A_1021 : vector<16x128xf32> to vector<16x128xbf16>
    %dot_general3A_1023 = arith.constant dense<0.000000e+00> : vector<16x128xf32>
    %dot_general3A_1024 = tpu.matmul %convert_element_type3A_1022, %convert_element_type3A_7, %dot_general3A_1023 {dimension_numbers = #tpu.dot_dimension_numbers<[1], [0], [0], [1], [0, 0, 1, 1], [], []>, transpose_lhs_hint = false} : vector<16x128xbf16>, vector<128x128xbf16>, vector<16x128xf32> -> vector<16x128xf32>
    %dot_general3A_1025 = arith.constant dense<0.000000e+00> : vector<16x128xf32>
    %dot_general3A_1026 = tpu.matmul %convert_element_type3A_1022, %broadcast_in_dim3A_13, %dot_general3A_1025 {dimension_numbers = #tpu.dot_dimension_numbers<[1], [0], [0], [1], [0, 0, 1, 1], [], []>, transpose_lhs_hint = false} : vector<16x128xbf16>, vector<128x128xbf16>, vector<16x128xf32> -> vector<16x128xf32>
    %convert_element_type3A_1027 = arith.truncf %dot_general3A_1026 : vector<16x128xf32> to vector<16x128xbf16>
    %dot_general3A_1028 = arith.constant dense<0.000000e+00> : vector<16x128xf32>
    %dot_general3A_1029 = tpu.matmul %convert_element_type3A_12, %convert_element_type3A_1027, %dot_general3A_1028 {dimension_numbers = #tpu.dot_dimension_numbers<[1], [0], [0], [1], [0, 0, 1, 1], [], []>, transpose_lhs_hint = false} : vector<16x16xbf16>, vector<16x128xbf16>, vector<16x128xf32> -> vector<16x128xf32>
    %add3A_1030 = arith.addf %dot_general3A_1024, %dot_general3A_1029 : vector<16x128xf32>
    %convert_element_type3A_1031 = arith.extui %eq3A_1019 : vector<16x128xi1> to vector<16x128xi32>
    %convert_element_type3A_1032 = arith.sitofp %convert_element_type3A_1031 : vector<16x128xi32> to vector<16x128xf32>
    %convert_element_type3A_1033 = arith.truncf %convert_element_type3A_1032 : vector<16x128xf32> to vector<16x128xbf16>
    %dot_general3A_1034 = arith.constant dense<0.000000e+00> : vector<16x128xf32>
    %dot_general3A_1035 = tpu.matmul %convert_element_type3A_1033, %convert_element_type3A_7, %dot_general3A_1034 {dimension_numbers = #tpu.dot_dimension_numbers<[1], [0], [0], [1], [0, 0, 1, 1], [], []>, transpose_lhs_hint = false} : vector<16x128xbf16>, vector<128x128xbf16>, vector<16x128xf32> -> vector<16x128xf32>
    %dot_general3A_1036 = arith.constant dense<0.000000e+00> : vector<16x128xf32>
    %dot_general3A_1037 = tpu.matmul %convert_element_type3A_1033, %broadcast_in_dim3A_13, %dot_general3A_1036 {dimension_numbers = #tpu.dot_dimension_numbers<[1], [0], [0], [1], [0, 0, 1, 1], [], []>, transpose_lhs_hint = false} : vector<16x128xbf16>, vector<128x128xbf16>, vector<16x128xf32> -> vector<16x128xf32>
    %convert_element_type3A_1038 = arith.truncf %dot_general3A_1037 : vector<16x128xf32> to vector<16x128xbf16>
    %dot_general3A_1039 = arith.constant dense<0.000000e+00> : vector<16x128xf32>
    %dot_general3A_1040 = tpu.matmul %convert_element_type3A_12, %convert_element_type3A_1038, %dot_general3A_1039 {dimension_numbers = #tpu.dot_dimension_numbers<[1], [0], [0], [1], [0, 0, 1, 1], [], []>, transpose_lhs_hint = false} : vector<16x16xbf16>, vector<16x128xbf16>, vector<16x128xf32> -> vector<16x128xf32>
    %add3A_1041 = arith.addf %dot_general3A_1035, %dot_general3A_1040 : vector<16x128xf32>
    %convert_element_type3A_1042 = arith.extui %eq3A_1016 : vector<16x128xi1> to vector<16x128xi32>
    %convert_element_type3A_1043 = arith.sitofp %convert_element_type3A_1042 : vector<16x128xi32> to vector<16x128xf32>
    %reduce_sum3A_1044 = vector.shape_cast %convert_element_type3A_1043 : vector<16x128xf32> to vector<1x16x128xf32>
    %reduce_sum3A_1045 = arith.constant dense<0.000000e+00> : vector<1xf32>
    %reduce_sum3A_1046 = vector.multi_reduction <add>, %reduce_sum3A_1044, %reduce_sum3A_1045 [1, 2] : vector<1x16x128xf32> to vector<1xf32>
    %reduce_sum3A_1047 = vector.shape_cast %reduce_sum3A_1046 : vector<1xf32> to vector<1x1x1xf32>
    %reduce_sum3A_1048 = vector.extract %reduce_sum3A_1047[0, 0, 0] : f32 from vector<1x1x1xf32>
    %convert_element_type3A_1049 = arith.extui %eq3A_1019 : vector<16x128xi1> to vector<16x128xi32>
    %convert_element_type3A_1050 = arith.sitofp %convert_element_type3A_1049 : vector<16x128xi32> to vector<16x128xf32>
    %reduce_sum3A_1051 = vector.shape_cast %convert_element_type3A_1050 : vector<16x128xf32> to vector<1x16x128xf32>
    %reduce_sum3A_1052 = arith.constant dense<0.000000e+00> : vector<1xf32>
    %reduce_sum3A_1053 = vector.multi_reduction <add>, %reduce_sum3A_1051, %reduce_sum3A_1052 [1, 2] : vector<1x16x128xf32> to vector<1xf32>
    %reduce_sum3A_1054 = vector.shape_cast %reduce_sum3A_1053 : vector<1xf32> to vector<1x1x1xf32>
    %reduce_sum3A_1055 = vector.extract %reduce_sum3A_1054[0, 0, 0] : f32 from vector<1x1x1xf32>
    %add3A_1056 = arith.addf %reduce_sum3A_1048, %reduce_sum3A_1055 : f32
    %convert_element_type3A_1057 = arith.fptosi %add3A_1056 : f32 to i32
    %add3A_1058 = arith.constant 512 : i32
    %add3A_1059 = arith.addi %convert_element_type3A_1057, %add3A_1058 : i32
    %sub3A_1060 = arith.constant 1 : i32
    %sub3A_1061 = arith.subi %add3A_1059, %sub3A_1060 : i32
    %jit3A_1062 = arith.constant 512 : i32
    %div3A_1063 = arith.divsi %sub3A_1061, %jit3A_1062 : i32
    %sign3A_1064 = arith.constant 0 : i32
    %sign3A_1065 = arith.cmpi sgt, %sub3A_1061, %sign3A_1064 : i32
    %sign3A_1066 = arith.extui %sign3A_1065 : i1 to i32
    %sign3A_1067 = arith.constant 0 : i32
    %sign3A_1068 = arith.cmpi slt, %sub3A_1061, %sign3A_1067 : i32
    %sign3A_1069 = arith.extui %sign3A_1068 : i1 to i32
    %sign3A_1070 = arith.subi %sign3A_1066, %sign3A_1069 : i32
    %sign3A_1071 = arith.constant 0 : i32
    %sign3A_1072 = arith.cmpi sgt, %jit3A_1062, %sign3A_1071 : i32
    %sign3A_1073 = arith.extui %sign3A_1072 : i1 to i32
    %sign3A_1074 = arith.constant 0 : i32
    %sign3A_1075 = arith.cmpi slt, %jit3A_1062, %sign3A_1074 : i32
    %sign3A_1076 = arith.extui %sign3A_1075 : i1 to i32
    %sign3A_1077 = arith.subi %sign3A_1073, %sign3A_1076 : i32
    %ne3A_1078 = arith.cmpi ne, %sign3A_1070, %sign3A_1077 : i32
    %rem3A_1079 = arith.remsi %sub3A_1061, %jit3A_1062 : i32
    %ne3A_1080 = arith.constant 0 : i32
    %ne3A_1081 = arith.cmpi ne, %rem3A_1079, %ne3A_1080 : i32
    %and3A_1082 = arith.andi %ne3A_1078, %ne3A_1081 : i1
    %sub3A_1083 = arith.constant 1 : i32
    %sub3A_1084 = arith.subi %div3A_1063, %sub3A_1083 : i32
    %select_n3A_1085 = arith.select %and3A_1082, %sub3A_1084, %div3A_1063 : i32
    %mul3A_1086 = arith.constant 512 : i32
    %mul3A_1087 = arith.muli %select_n3A_1085, %mul3A_1086 : i32
    %add3A_1088 = arith.addi %add3A_1004, %mul3A_1087 : i32
    %convert_element_type3A_1089 = arith.sitofp %add3A_1004 : i32 to f32
    %add3A_1090 = vector.broadcast %convert_element_type3A_1089 : f32 to vector<16x128xf32>
    %add3A_1091 = arith.addf %add3A_1090, %add3A_1030 : vector<16x128xf32>
    %add3A_1092 = arith.addf %add3A_1091, %add3A_1041 : vector<16x128xf32>
    %select_n3A_1093 = arith.select %eq3A_1016, %add3A_1092, %select_n3A_1009 : vector<16x128xi1>, vector<16x128xf32>
    %convert_element_type3A_1094 = arith.extui %eq3A_1016 : vector<16x128xi1> to vector<16x128xi32>
    %convert_element_type3A_1095 = arith.sitofp %convert_element_type3A_1094 : vector<16x128xi32> to vector<16x128xf32>
    %add3A_1096 = arith.addf %add3A_1092, %convert_element_type3A_1095 : vector<16x128xf32>
    %select_n3A_1097 = arith.select %eq3A_1019, %add3A_1096, %select_n3A_1013 : vector<16x128xi1>, vector<16x128xf32>
    %eq3A_1098 = arith.constant 13 : i32
    %eq3A_1099 = vector.broadcast %eq3A_1098 : i32 to vector<16x128xi32>
    %eq3A_1100 = arith.cmpi eq, %get3A_1, %eq3A_1099 : vector<16x128xi32>
    %eq3A_1101 = arith.constant 13 : i32
    %eq3A_1102 = vector.broadcast %eq3A_1101 : i32 to vector<16x128xi32>
    %eq3A_1103 = arith.cmpi eq, %get3A_4, %eq3A_1102 : vector<16x128xi32>
    %convert_element_type3A_1104 = arith.extui %eq3A_1100 : vector<16x128xi1> to vector<16x128xi32>
    %convert_element_type3A_1105 = arith.sitofp %convert_element_type3A_1104 : vector<16x128xi32> to vector<16x128xf32>
    %convert_element_type3A_1106 = arith.truncf %convert_element_type3A_1105 : vector<16x128xf32> to vector<16x128xbf16>
    %dot_general3A_1107 = arith.constant dense<0.000000e+00> : vector<16x128xf32>
    %dot_general3A_1108 = tpu.matmul %convert_element_type3A_1106, %convert_element_type3A_7, %dot_general3A_1107 {dimension_numbers = #tpu.dot_dimension_numbers<[1], [0], [0], [1], [0, 0, 1, 1], [], []>, transpose_lhs_hint = false} : vector<16x128xbf16>, vector<128x128xbf16>, vector<16x128xf32> -> vector<16x128xf32>
    %dot_general3A_1109 = arith.constant dense<0.000000e+00> : vector<16x128xf32>
    %dot_general3A_1110 = tpu.matmul %convert_element_type3A_1106, %broadcast_in_dim3A_13, %dot_general3A_1109 {dimension_numbers = #tpu.dot_dimension_numbers<[1], [0], [0], [1], [0, 0, 1, 1], [], []>, transpose_lhs_hint = false} : vector<16x128xbf16>, vector<128x128xbf16>, vector<16x128xf32> -> vector<16x128xf32>
    %convert_element_type3A_1111 = arith.truncf %dot_general3A_1110 : vector<16x128xf32> to vector<16x128xbf16>
    %dot_general3A_1112 = arith.constant dense<0.000000e+00> : vector<16x128xf32>
    %dot_general3A_1113 = tpu.matmul %convert_element_type3A_12, %convert_element_type3A_1111, %dot_general3A_1112 {dimension_numbers = #tpu.dot_dimension_numbers<[1], [0], [0], [1], [0, 0, 1, 1], [], []>, transpose_lhs_hint = false} : vector<16x16xbf16>, vector<16x128xbf16>, vector<16x128xf32> -> vector<16x128xf32>
    %add3A_1114 = arith.addf %dot_general3A_1108, %dot_general3A_1113 : vector<16x128xf32>
    %convert_element_type3A_1115 = arith.extui %eq3A_1103 : vector<16x128xi1> to vector<16x128xi32>
    %convert_element_type3A_1116 = arith.sitofp %convert_element_type3A_1115 : vector<16x128xi32> to vector<16x128xf32>
    %convert_element_type3A_1117 = arith.truncf %convert_element_type3A_1116 : vector<16x128xf32> to vector<16x128xbf16>
    %dot_general3A_1118 = arith.constant dense<0.000000e+00> : vector<16x128xf32>
    %dot_general3A_1119 = tpu.matmul %convert_element_type3A_1117, %convert_element_type3A_7, %dot_general3A_1118 {dimension_numbers = #tpu.dot_dimension_numbers<[1], [0], [0], [1], [0, 0, 1, 1], [], []>, transpose_lhs_hint = false} : vector<16x128xbf16>, vector<128x128xbf16>, vector<16x128xf32> -> vector<16x128xf32>
    %dot_general3A_1120 = arith.constant dense<0.000000e+00> : vector<16x128xf32>
    %dot_general3A_1121 = tpu.matmul %convert_element_type3A_1117, %broadcast_in_dim3A_13, %dot_general3A_1120 {dimension_numbers = #tpu.dot_dimension_numbers<[1], [0], [0], [1], [0, 0, 1, 1], [], []>, transpose_lhs_hint = false} : vector<16x128xbf16>, vector<128x128xbf16>, vector<16x128xf32> -> vector<16x128xf32>
    %convert_element_type3A_1122 = arith.truncf %dot_general3A_1121 : vector<16x128xf32> to vector<16x128xbf16>
    %dot_general3A_1123 = arith.constant dense<0.000000e+00> : vector<16x128xf32>
    %dot_general3A_1124 = tpu.matmul %convert_element_type3A_12, %convert_element_type3A_1122, %dot_general3A_1123 {dimension_numbers = #tpu.dot_dimension_numbers<[1], [0], [0], [1], [0, 0, 1, 1], [], []>, transpose_lhs_hint = false} : vector<16x16xbf16>, vector<16x128xbf16>, vector<16x128xf32> -> vector<16x128xf32>
    %add3A_1125 = arith.addf %dot_general3A_1119, %dot_general3A_1124 : vector<16x128xf32>
    %convert_element_type3A_1126 = arith.extui %eq3A_1100 : vector<16x128xi1> to vector<16x128xi32>
    %convert_element_type3A_1127 = arith.sitofp %convert_element_type3A_1126 : vector<16x128xi32> to vector<16x128xf32>
    %reduce_sum3A_1128 = vector.shape_cast %convert_element_type3A_1127 : vector<16x128xf32> to vector<1x16x128xf32>
    %reduce_sum3A_1129 = arith.constant dense<0.000000e+00> : vector<1xf32>
    %reduce_sum3A_1130 = vector.multi_reduction <add>, %reduce_sum3A_1128, %reduce_sum3A_1129 [1, 2] : vector<1x16x128xf32> to vector<1xf32>
    %reduce_sum3A_1131 = vector.shape_cast %reduce_sum3A_1130 : vector<1xf32> to vector<1x1x1xf32>
    %reduce_sum3A_1132 = vector.extract %reduce_sum3A_1131[0, 0, 0] : f32 from vector<1x1x1xf32>
    %convert_element_type3A_1133 = arith.extui %eq3A_1103 : vector<16x128xi1> to vector<16x128xi32>
    %convert_element_type3A_1134 = arith.sitofp %convert_element_type3A_1133 : vector<16x128xi32> to vector<16x128xf32>
    %reduce_sum3A_1135 = vector.shape_cast %convert_element_type3A_1134 : vector<16x128xf32> to vector<1x16x128xf32>
    %reduce_sum3A_1136 = arith.constant dense<0.000000e+00> : vector<1xf32>
    %reduce_sum3A_1137 = vector.multi_reduction <add>, %reduce_sum3A_1135, %reduce_sum3A_1136 [1, 2] : vector<1x16x128xf32> to vector<1xf32>
    %reduce_sum3A_1138 = vector.shape_cast %reduce_sum3A_1137 : vector<1xf32> to vector<1x1x1xf32>
    %reduce_sum3A_1139 = vector.extract %reduce_sum3A_1138[0, 0, 0] : f32 from vector<1x1x1xf32>
    %add3A_1140 = arith.addf %reduce_sum3A_1132, %reduce_sum3A_1139 : f32
    %convert_element_type3A_1141 = arith.fptosi %add3A_1140 : f32 to i32
    %add3A_1142 = arith.constant 512 : i32
    %add3A_1143 = arith.addi %convert_element_type3A_1141, %add3A_1142 : i32
    %sub3A_1144 = arith.constant 1 : i32
    %sub3A_1145 = arith.subi %add3A_1143, %sub3A_1144 : i32
    %jit3A_1146 = arith.constant 512 : i32
    %div3A_1147 = arith.divsi %sub3A_1145, %jit3A_1146 : i32
    %sign3A_1148 = arith.constant 0 : i32
    %sign3A_1149 = arith.cmpi sgt, %sub3A_1145, %sign3A_1148 : i32
    %sign3A_1150 = arith.extui %sign3A_1149 : i1 to i32
    %sign3A_1151 = arith.constant 0 : i32
    %sign3A_1152 = arith.cmpi slt, %sub3A_1145, %sign3A_1151 : i32
    %sign3A_1153 = arith.extui %sign3A_1152 : i1 to i32
    %sign3A_1154 = arith.subi %sign3A_1150, %sign3A_1153 : i32
    %sign3A_1155 = arith.constant 0 : i32
    %sign3A_1156 = arith.cmpi sgt, %jit3A_1146, %sign3A_1155 : i32
    %sign3A_1157 = arith.extui %sign3A_1156 : i1 to i32
    %sign3A_1158 = arith.constant 0 : i32
    %sign3A_1159 = arith.cmpi slt, %jit3A_1146, %sign3A_1158 : i32
    %sign3A_1160 = arith.extui %sign3A_1159 : i1 to i32
    %sign3A_1161 = arith.subi %sign3A_1157, %sign3A_1160 : i32
    %ne3A_1162 = arith.cmpi ne, %sign3A_1154, %sign3A_1161 : i32
    %rem3A_1163 = arith.remsi %sub3A_1145, %jit3A_1146 : i32
    %ne3A_1164 = arith.constant 0 : i32
    %ne3A_1165 = arith.cmpi ne, %rem3A_1163, %ne3A_1164 : i32
    %and3A_1166 = arith.andi %ne3A_1162, %ne3A_1165 : i1
    %sub3A_1167 = arith.constant 1 : i32
    %sub3A_1168 = arith.subi %div3A_1147, %sub3A_1167 : i32
    %select_n3A_1169 = arith.select %and3A_1166, %sub3A_1168, %div3A_1147 : i32
    %mul3A_1170 = arith.constant 512 : i32
    %mul3A_1171 = arith.muli %select_n3A_1169, %mul3A_1170 : i32
    %add3A_1172 = arith.addi %add3A_1088, %mul3A_1171 : i32
    %convert_element_type3A_1173 = arith.sitofp %add3A_1088 : i32 to f32
    %add3A_1174 = vector.broadcast %convert_element_type3A_1173 : f32 to vector<16x128xf32>
    %add3A_1175 = arith.addf %add3A_1174, %add3A_1114 : vector<16x128xf32>
    %add3A_1176 = arith.addf %add3A_1175, %add3A_1125 : vector<16x128xf32>
    %select_n3A_1177 = arith.select %eq3A_1100, %add3A_1176, %select_n3A_1093 : vector<16x128xi1>, vector<16x128xf32>
    %convert_element_type3A_1178 = arith.extui %eq3A_1100 : vector<16x128xi1> to vector<16x128xi32>
    %convert_element_type3A_1179 = arith.sitofp %convert_element_type3A_1178 : vector<16x128xi32> to vector<16x128xf32>
    %add3A_1180 = arith.addf %add3A_1176, %convert_element_type3A_1179 : vector<16x128xf32>
    %select_n3A_1181 = arith.select %eq3A_1103, %add3A_1180, %select_n3A_1097 : vector<16x128xi1>, vector<16x128xf32>
    %eq3A_1182 = arith.constant 14 : i32
    %eq3A_1183 = vector.broadcast %eq3A_1182 : i32 to vector<16x128xi32>
    %eq3A_1184 = arith.cmpi eq, %get3A_1, %eq3A_1183 : vector<16x128xi32>
    %eq3A_1185 = arith.constant 14 : i32
    %eq3A_1186 = vector.broadcast %eq3A_1185 : i32 to vector<16x128xi32>
    %eq3A_1187 = arith.cmpi eq, %get3A_4, %eq3A_1186 : vector<16x128xi32>
    %convert_element_type3A_1188 = arith.extui %eq3A_1184 : vector<16x128xi1> to vector<16x128xi32>
    %convert_element_type3A_1189 = arith.sitofp %convert_element_type3A_1188 : vector<16x128xi32> to vector<16x128xf32>
    %convert_element_type3A_1190 = arith.truncf %convert_element_type3A_1189 : vector<16x128xf32> to vector<16x128xbf16>
    %dot_general3A_1191 = arith.constant dense<0.000000e+00> : vector<16x128xf32>
    %dot_general3A_1192 = tpu.matmul %convert_element_type3A_1190, %convert_element_type3A_7, %dot_general3A_1191 {dimension_numbers = #tpu.dot_dimension_numbers<[1], [0], [0], [1], [0, 0, 1, 1], [], []>, transpose_lhs_hint = false} : vector<16x128xbf16>, vector<128x128xbf16>, vector<16x128xf32> -> vector<16x128xf32>
    %dot_general3A_1193 = arith.constant dense<0.000000e+00> : vector<16x128xf32>
    %dot_general3A_1194 = tpu.matmul %convert_element_type3A_1190, %broadcast_in_dim3A_13, %dot_general3A_1193 {dimension_numbers = #tpu.dot_dimension_numbers<[1], [0], [0], [1], [0, 0, 1, 1], [], []>, transpose_lhs_hint = false} : vector<16x128xbf16>, vector<128x128xbf16>, vector<16x128xf32> -> vector<16x128xf32>
    %convert_element_type3A_1195 = arith.truncf %dot_general3A_1194 : vector<16x128xf32> to vector<16x128xbf16>
    %dot_general3A_1196 = arith.constant dense<0.000000e+00> : vector<16x128xf32>
    %dot_general3A_1197 = tpu.matmul %convert_element_type3A_12, %convert_element_type3A_1195, %dot_general3A_1196 {dimension_numbers = #tpu.dot_dimension_numbers<[1], [0], [0], [1], [0, 0, 1, 1], [], []>, transpose_lhs_hint = false} : vector<16x16xbf16>, vector<16x128xbf16>, vector<16x128xf32> -> vector<16x128xf32>
    %add3A_1198 = arith.addf %dot_general3A_1192, %dot_general3A_1197 : vector<16x128xf32>
    %convert_element_type3A_1199 = arith.extui %eq3A_1187 : vector<16x128xi1> to vector<16x128xi32>
    %convert_element_type3A_1200 = arith.sitofp %convert_element_type3A_1199 : vector<16x128xi32> to vector<16x128xf32>
    %convert_element_type3A_1201 = arith.truncf %convert_element_type3A_1200 : vector<16x128xf32> to vector<16x128xbf16>
    %dot_general3A_1202 = arith.constant dense<0.000000e+00> : vector<16x128xf32>
    %dot_general3A_1203 = tpu.matmul %convert_element_type3A_1201, %convert_element_type3A_7, %dot_general3A_1202 {dimension_numbers = #tpu.dot_dimension_numbers<[1], [0], [0], [1], [0, 0, 1, 1], [], []>, transpose_lhs_hint = false} : vector<16x128xbf16>, vector<128x128xbf16>, vector<16x128xf32> -> vector<16x128xf32>
    %dot_general3A_1204 = arith.constant dense<0.000000e+00> : vector<16x128xf32>
    %dot_general3A_1205 = tpu.matmul %convert_element_type3A_1201, %broadcast_in_dim3A_13, %dot_general3A_1204 {dimension_numbers = #tpu.dot_dimension_numbers<[1], [0], [0], [1], [0, 0, 1, 1], [], []>, transpose_lhs_hint = false} : vector<16x128xbf16>, vector<128x128xbf16>, vector<16x128xf32> -> vector<16x128xf32>
    %convert_element_type3A_1206 = arith.truncf %dot_general3A_1205 : vector<16x128xf32> to vector<16x128xbf16>
    %dot_general3A_1207 = arith.constant dense<0.000000e+00> : vector<16x128xf32>
    %dot_general3A_1208 = tpu.matmul %convert_element_type3A_12, %convert_element_type3A_1206, %dot_general3A_1207 {dimension_numbers = #tpu.dot_dimension_numbers<[1], [0], [0], [1], [0, 0, 1, 1], [], []>, transpose_lhs_hint = false} : vector<16x16xbf16>, vector<16x128xbf16>, vector<16x128xf32> -> vector<16x128xf32>
    %add3A_1209 = arith.addf %dot_general3A_1203, %dot_general3A_1208 : vector<16x128xf32>
    %convert_element_type3A_1210 = arith.extui %eq3A_1184 : vector<16x128xi1> to vector<16x128xi32>
    %convert_element_type3A_1211 = arith.sitofp %convert_element_type3A_1210 : vector<16x128xi32> to vector<16x128xf32>
    %reduce_sum3A_1212 = vector.shape_cast %convert_element_type3A_1211 : vector<16x128xf32> to vector<1x16x128xf32>
    %reduce_sum3A_1213 = arith.constant dense<0.000000e+00> : vector<1xf32>
    %reduce_sum3A_1214 = vector.multi_reduction <add>, %reduce_sum3A_1212, %reduce_sum3A_1213 [1, 2] : vector<1x16x128xf32> to vector<1xf32>
    %reduce_sum3A_1215 = vector.shape_cast %reduce_sum3A_1214 : vector<1xf32> to vector<1x1x1xf32>
    %reduce_sum3A_1216 = vector.extract %reduce_sum3A_1215[0, 0, 0] : f32 from vector<1x1x1xf32>
    %convert_element_type3A_1217 = arith.extui %eq3A_1187 : vector<16x128xi1> to vector<16x128xi32>
    %convert_element_type3A_1218 = arith.sitofp %convert_element_type3A_1217 : vector<16x128xi32> to vector<16x128xf32>
    %reduce_sum3A_1219 = vector.shape_cast %convert_element_type3A_1218 : vector<16x128xf32> to vector<1x16x128xf32>
    %reduce_sum3A_1220 = arith.constant dense<0.000000e+00> : vector<1xf32>
    %reduce_sum3A_1221 = vector.multi_reduction <add>, %reduce_sum3A_1219, %reduce_sum3A_1220 [1, 2] : vector<1x16x128xf32> to vector<1xf32>
    %reduce_sum3A_1222 = vector.shape_cast %reduce_sum3A_1221 : vector<1xf32> to vector<1x1x1xf32>
    %reduce_sum3A_1223 = vector.extract %reduce_sum3A_1222[0, 0, 0] : f32 from vector<1x1x1xf32>
    %add3A_1224 = arith.addf %reduce_sum3A_1216, %reduce_sum3A_1223 : f32
    %convert_element_type3A_1225 = arith.fptosi %add3A_1224 : f32 to i32
    %add3A_1226 = arith.constant 512 : i32
    %add3A_1227 = arith.addi %convert_element_type3A_1225, %add3A_1226 : i32
    %sub3A_1228 = arith.constant 1 : i32
    %sub3A_1229 = arith.subi %add3A_1227, %sub3A_1228 : i32
    %jit3A_1230 = arith.constant 512 : i32
    %div3A_1231 = arith.divsi %sub3A_1229, %jit3A_1230 : i32
    %sign3A_1232 = arith.constant 0 : i32
    %sign3A_1233 = arith.cmpi sgt, %sub3A_1229, %sign3A_1232 : i32
    %sign3A_1234 = arith.extui %sign3A_1233 : i1 to i32
    %sign3A_1235 = arith.constant 0 : i32
    %sign3A_1236 = arith.cmpi slt, %sub3A_1229, %sign3A_1235 : i32
    %sign3A_1237 = arith.extui %sign3A_1236 : i1 to i32
    %sign3A_1238 = arith.subi %sign3A_1234, %sign3A_1237 : i32
    %sign3A_1239 = arith.constant 0 : i32
    %sign3A_1240 = arith.cmpi sgt, %jit3A_1230, %sign3A_1239 : i32
    %sign3A_1241 = arith.extui %sign3A_1240 : i1 to i32
    %sign3A_1242 = arith.constant 0 : i32
    %sign3A_1243 = arith.cmpi slt, %jit3A_1230, %sign3A_1242 : i32
    %sign3A_1244 = arith.extui %sign3A_1243 : i1 to i32
    %sign3A_1245 = arith.subi %sign3A_1241, %sign3A_1244 : i32
    %ne3A_1246 = arith.cmpi ne, %sign3A_1238, %sign3A_1245 : i32
    %rem3A_1247 = arith.remsi %sub3A_1229, %jit3A_1230 : i32
    %ne3A_1248 = arith.constant 0 : i32
    %ne3A_1249 = arith.cmpi ne, %rem3A_1247, %ne3A_1248 : i32
    %and3A_1250 = arith.andi %ne3A_1246, %ne3A_1249 : i1
    %sub3A_1251 = arith.constant 1 : i32
    %sub3A_1252 = arith.subi %div3A_1231, %sub3A_1251 : i32
    %select_n3A_1253 = arith.select %and3A_1250, %sub3A_1252, %div3A_1231 : i32
    %mul3A_1254 = arith.constant 512 : i32
    %mul3A_1255 = arith.muli %select_n3A_1253, %mul3A_1254 : i32
    %add3A_1256 = arith.addi %add3A_1172, %mul3A_1255 : i32
    %convert_element_type3A_1257 = arith.sitofp %add3A_1172 : i32 to f32
    %add3A_1258 = vector.broadcast %convert_element_type3A_1257 : f32 to vector<16x128xf32>
    %add3A_1259 = arith.addf %add3A_1258, %add3A_1198 : vector<16x128xf32>
    %add3A_1260 = arith.addf %add3A_1259, %add3A_1209 : vector<16x128xf32>
    %select_n3A_1261 = arith.select %eq3A_1184, %add3A_1260, %select_n3A_1177 : vector<16x128xi1>, vector<16x128xf32>
    %convert_element_type3A_1262 = arith.extui %eq3A_1184 : vector<16x128xi1> to vector<16x128xi32>
    %convert_element_type3A_1263 = arith.sitofp %convert_element_type3A_1262 : vector<16x128xi32> to vector<16x128xf32>
    %add3A_1264 = arith.addf %add3A_1260, %convert_element_type3A_1263 : vector<16x128xf32>
    %select_n3A_1265 = arith.select %eq3A_1187, %add3A_1264, %select_n3A_1181 : vector<16x128xi1>, vector<16x128xf32>
    %eq3A_1266 = arith.constant 15 : i32
    %eq3A_1267 = vector.broadcast %eq3A_1266 : i32 to vector<16x128xi32>
    %eq3A_1268 = arith.cmpi eq, %get3A_1, %eq3A_1267 : vector<16x128xi32>
    %eq3A_1269 = arith.constant 15 : i32
    %eq3A_1270 = vector.broadcast %eq3A_1269 : i32 to vector<16x128xi32>
    %eq3A_1271 = arith.cmpi eq, %get3A_4, %eq3A_1270 : vector<16x128xi32>
    %convert_element_type3A_1272 = arith.extui %eq3A_1268 : vector<16x128xi1> to vector<16x128xi32>
    %convert_element_type3A_1273 = arith.sitofp %convert_element_type3A_1272 : vector<16x128xi32> to vector<16x128xf32>
    %convert_element_type3A_1274 = arith.truncf %convert_element_type3A_1273 : vector<16x128xf32> to vector<16x128xbf16>
    %dot_general3A_1275 = arith.constant dense<0.000000e+00> : vector<16x128xf32>
    %dot_general3A_1276 = tpu.matmul %convert_element_type3A_1274, %convert_element_type3A_7, %dot_general3A_1275 {dimension_numbers = #tpu.dot_dimension_numbers<[1], [0], [0], [1], [0, 0, 1, 1], [], []>, transpose_lhs_hint = false} : vector<16x128xbf16>, vector<128x128xbf16>, vector<16x128xf32> -> vector<16x128xf32>
    %dot_general3A_1277 = arith.constant dense<0.000000e+00> : vector<16x128xf32>
    %dot_general3A_1278 = tpu.matmul %convert_element_type3A_1274, %broadcast_in_dim3A_13, %dot_general3A_1277 {dimension_numbers = #tpu.dot_dimension_numbers<[1], [0], [0], [1], [0, 0, 1, 1], [], []>, transpose_lhs_hint = false} : vector<16x128xbf16>, vector<128x128xbf16>, vector<16x128xf32> -> vector<16x128xf32>
    %convert_element_type3A_1279 = arith.truncf %dot_general3A_1278 : vector<16x128xf32> to vector<16x128xbf16>
    %dot_general3A_1280 = arith.constant dense<0.000000e+00> : vector<16x128xf32>
    %dot_general3A_1281 = tpu.matmul %convert_element_type3A_12, %convert_element_type3A_1279, %dot_general3A_1280 {dimension_numbers = #tpu.dot_dimension_numbers<[1], [0], [0], [1], [0, 0, 1, 1], [], []>, transpose_lhs_hint = false} : vector<16x16xbf16>, vector<16x128xbf16>, vector<16x128xf32> -> vector<16x128xf32>
    %add3A_1282 = arith.addf %dot_general3A_1276, %dot_general3A_1281 : vector<16x128xf32>
    %convert_element_type3A_1283 = arith.extui %eq3A_1271 : vector<16x128xi1> to vector<16x128xi32>
    %convert_element_type3A_1284 = arith.sitofp %convert_element_type3A_1283 : vector<16x128xi32> to vector<16x128xf32>
    %convert_element_type3A_1285 = arith.truncf %convert_element_type3A_1284 : vector<16x128xf32> to vector<16x128xbf16>
    %dot_general3A_1286 = arith.constant dense<0.000000e+00> : vector<16x128xf32>
    %dot_general3A_1287 = tpu.matmul %convert_element_type3A_1285, %convert_element_type3A_7, %dot_general3A_1286 {dimension_numbers = #tpu.dot_dimension_numbers<[1], [0], [0], [1], [0, 0, 1, 1], [], []>, transpose_lhs_hint = false} : vector<16x128xbf16>, vector<128x128xbf16>, vector<16x128xf32> -> vector<16x128xf32>
    %dot_general3A_1288 = arith.constant dense<0.000000e+00> : vector<16x128xf32>
    %dot_general3A_1289 = tpu.matmul %convert_element_type3A_1285, %broadcast_in_dim3A_13, %dot_general3A_1288 {dimension_numbers = #tpu.dot_dimension_numbers<[1], [0], [0], [1], [0, 0, 1, 1], [], []>, transpose_lhs_hint = false} : vector<16x128xbf16>, vector<128x128xbf16>, vector<16x128xf32> -> vector<16x128xf32>
    %convert_element_type3A_1290 = arith.truncf %dot_general3A_1289 : vector<16x128xf32> to vector<16x128xbf16>
    %dot_general3A_1291 = arith.constant dense<0.000000e+00> : vector<16x128xf32>
    %dot_general3A_1292 = tpu.matmul %convert_element_type3A_12, %convert_element_type3A_1290, %dot_general3A_1291 {dimension_numbers = #tpu.dot_dimension_numbers<[1], [0], [0], [1], [0, 0, 1, 1], [], []>, transpose_lhs_hint = false} : vector<16x16xbf16>, vector<16x128xbf16>, vector<16x128xf32> -> vector<16x128xf32>
    %add3A_1293 = arith.addf %dot_general3A_1287, %dot_general3A_1292 : vector<16x128xf32>
    %convert_element_type3A_1294 = arith.extui %eq3A_1268 : vector<16x128xi1> to vector<16x128xi32>
    %convert_element_type3A_1295 = arith.sitofp %convert_element_type3A_1294 : vector<16x128xi32> to vector<16x128xf32>
    %reduce_sum3A_1296 = vector.shape_cast %convert_element_type3A_1295 : vector<16x128xf32> to vector<1x16x128xf32>
    %reduce_sum3A_1297 = arith.constant dense<0.000000e+00> : vector<1xf32>
    %reduce_sum3A_1298 = vector.multi_reduction <add>, %reduce_sum3A_1296, %reduce_sum3A_1297 [1, 2] : vector<1x16x128xf32> to vector<1xf32>
    %reduce_sum3A_1299 = vector.shape_cast %reduce_sum3A_1298 : vector<1xf32> to vector<1x1x1xf32>
    %reduce_sum3A_1300 = vector.extract %reduce_sum3A_1299[0, 0, 0] : f32 from vector<1x1x1xf32>
    %convert_element_type3A_1301 = arith.extui %eq3A_1271 : vector<16x128xi1> to vector<16x128xi32>
    %convert_element_type3A_1302 = arith.sitofp %convert_element_type3A_1301 : vector<16x128xi32> to vector<16x128xf32>
    %reduce_sum3A_1303 = vector.shape_cast %convert_element_type3A_1302 : vector<16x128xf32> to vector<1x16x128xf32>
    %reduce_sum3A_1304 = arith.constant dense<0.000000e+00> : vector<1xf32>
    %reduce_sum3A_1305 = vector.multi_reduction <add>, %reduce_sum3A_1303, %reduce_sum3A_1304 [1, 2] : vector<1x16x128xf32> to vector<1xf32>
    %reduce_sum3A_1306 = vector.shape_cast %reduce_sum3A_1305 : vector<1xf32> to vector<1x1x1xf32>
    %reduce_sum3A_1307 = vector.extract %reduce_sum3A_1306[0, 0, 0] : f32 from vector<1x1x1xf32>
    %add3A_1308 = arith.addf %reduce_sum3A_1300, %reduce_sum3A_1307 : f32
    %convert_element_type3A_1309 = arith.fptosi %add3A_1308 : f32 to i32
    %add3A_1310 = arith.constant 512 : i32
    %add3A_1311 = arith.addi %convert_element_type3A_1309, %add3A_1310 : i32
    %sub3A_1312 = arith.constant 1 : i32
    %sub3A_1313 = arith.subi %add3A_1311, %sub3A_1312 : i32
    %jit3A_1314 = arith.constant 512 : i32
    %div3A_1315 = arith.divsi %sub3A_1313, %jit3A_1314 : i32
    %sign3A_1316 = arith.constant 0 : i32
    %sign3A_1317 = arith.cmpi sgt, %sub3A_1313, %sign3A_1316 : i32
    %sign3A_1318 = arith.extui %sign3A_1317 : i1 to i32
    %sign3A_1319 = arith.constant 0 : i32
    %sign3A_1320 = arith.cmpi slt, %sub3A_1313, %sign3A_1319 : i32
    %sign3A_1321 = arith.extui %sign3A_1320 : i1 to i32
    %sign3A_1322 = arith.subi %sign3A_1318, %sign3A_1321 : i32
    %sign3A_1323 = arith.constant 0 : i32
    %sign3A_1324 = arith.cmpi sgt, %jit3A_1314, %sign3A_1323 : i32
    %sign3A_1325 = arith.extui %sign3A_1324 : i1 to i32
    %sign3A_1326 = arith.constant 0 : i32
    %sign3A_1327 = arith.cmpi slt, %jit3A_1314, %sign3A_1326 : i32
    %sign3A_1328 = arith.extui %sign3A_1327 : i1 to i32
    %sign3A_1329 = arith.subi %sign3A_1325, %sign3A_1328 : i32
    %ne3A_1330 = arith.cmpi ne, %sign3A_1322, %sign3A_1329 : i32
    %rem3A_1331 = arith.remsi %sub3A_1313, %jit3A_1314 : i32
    %ne3A_1332 = arith.constant 0 : i32
    %ne3A_1333 = arith.cmpi ne, %rem3A_1331, %ne3A_1332 : i32
    %and3A_1334 = arith.andi %ne3A_1330, %ne3A_1333 : i1
    %sub3A_1335 = arith.constant 1 : i32
    %sub3A_1336 = arith.subi %div3A_1315, %sub3A_1335 : i32
    %select_n3A_1337 = arith.select %and3A_1334, %sub3A_1336, %div3A_1315 : i32
    %mul3A_1338 = arith.constant 512 : i32
    %mul3A_1339 = arith.muli %select_n3A_1337, %mul3A_1338 : i32
    %add3A_1340 = arith.addi %add3A_1256, %mul3A_1339 : i32
    %convert_element_type3A_1341 = arith.sitofp %add3A_1256 : i32 to f32
    %add3A_1342 = vector.broadcast %convert_element_type3A_1341 : f32 to vector<16x128xf32>
    %add3A_1343 = arith.addf %add3A_1342, %add3A_1282 : vector<16x128xf32>
    %add3A_1344 = arith.addf %add3A_1343, %add3A_1293 : vector<16x128xf32>
    %select_n3A_1345 = arith.select %eq3A_1268, %add3A_1344, %select_n3A_1261 : vector<16x128xi1>, vector<16x128xf32>
    %convert_element_type3A_1346 = arith.extui %eq3A_1268 : vector<16x128xi1> to vector<16x128xi32>
    %convert_element_type3A_1347 = arith.sitofp %convert_element_type3A_1346 : vector<16x128xi32> to vector<16x128xf32>
    %add3A_1348 = arith.addf %add3A_1344, %convert_element_type3A_1347 : vector<16x128xf32>
    %select_n3A_1349 = arith.select %eq3A_1271, %add3A_1348, %select_n3A_1265 : vector<16x128xi1>, vector<16x128xf32>
    %convert_element_type3A_1350 = arith.fptosi %select_n3A_1345 : vector<16x128xf32> to vector<16x128xi32>
    %swap3A = arith.constant 0 : index
    %swap3A_1351 = arith.constant 0 : index
    %swap3A_1352 = vector.load %arg2[%swap3A, %swap3A_1351] : memref<32x128xi32, #tpu.memory_space<vmem>>, vector<16x128xi32>
    tpu.vector_store %arg2[%swap3A, %swap3A_1351], %convert_element_type3A_1350 {strides = array<i32>} : memref<32x128xi32, #tpu.memory_space<vmem>>, vector<16x128xi32>,
    %convert_element_type3A_1353 = arith.fptosi %select_n3A_1349 : vector<16x128xf32> to vector<16x128xi32>
    %swap3A_1354 = arith.constant 16 : index
    %swap3A_1355 = arith.constant 0 : index
    %swap3A_1356 = vector.load %arg2[%swap3A_1354, %swap3A_1355] : memref<32x128xi32, #tpu.memory_space<vmem>>, vector<16x128xi32>
    tpu.vector_store %arg2[%swap3A_1354, %swap3A_1355], %convert_element_type3A_1353 {strides = array<i32>} : memref<32x128xi32, #tpu.memory_space<vmem>>, vector<16x128xi32>,
    %iota3A_1357 = tpu.iota {dimensions = array<i32: 1>} : vector<1x128xi32>
    %mul3A_1358 = arith.constant 512 : i32
    %mul3A_1359 = vector.broadcast %mul3A_1358 : i32 to vector<1x128xi32>
    %mul3A_1360 = arith.muli %iota3A_1357, %mul3A_1359 : vector<1x128xi32>
    %broadcast_in_dim3A_1361 = arith.constant 0 : i32
    %broadcast_in_dim3A_1362 = vector.broadcast %broadcast_in_dim3A_1361 : i32 to vector<1x128xi32>
    %le3A = vector.broadcast %add3A_80 : i32 to vector<1x128xi32>
    %le3A_1363 = arith.cmpi sle, %le3A, %mul3A_1360 : vector<1x128xi32>
    %jit3A_1364 = arith.constant 1 : i32
    %jit3A_1365 = arith.constant 0 : i32
    %broadcast_in_dim3A_1366 = vector.broadcast %jit3A_1364 : i32 to vector<1x128xi32>
    %broadcast_in_dim3A_1367 = vector.broadcast %jit3A_1365 : i32 to vector<1x128xi32>
    %select_n3A_1368 = arith.select %le3A_1363, %broadcast_in_dim3A_1366, %broadcast_in_dim3A_1367 : vector<1x128xi1>, vector<1x128xi32>
    %add3A_1369 = arith.addi %broadcast_in_dim3A_1362, %select_n3A_1368 : vector<1x128xi32>
    %sub3A_1370 = arith.constant 1 : i32
    %sub3A_1371 = arith.subi %add3A_1340, %sub3A_1370 : i32
    %le3A_1372 = arith.cmpi sle, %add3A_80, %sub3A_1371 : i32
    %jit3A_1373 = arith.constant 1 : i32
    %jit3A_1374 = arith.constant 0 : i32
    %select_n3A_1375 = arith.select %le3A_1372, %jit3A_1373, %jit3A_1374 : i32
    %add3A_1376 = arith.constant 0 : i32
    %add3A_1377 = arith.addi %add3A_1376, %select_n3A_1375 : i32
    %le3A_1378 = vector.broadcast %add3A_164 : i32 to vector<1x128xi32>
    %le3A_1379 = arith.cmpi sle, %le3A_1378, %mul3A_1360 : vector<1x128xi32>
    %jit3A_1380 = arith.constant 1 : i32
    %jit3A_1381 = arith.constant 0 : i32
    %broadcast_in_dim3A_1382 = vector.broadcast %jit3A_1380 : i32 to vector<1x128xi32>
    %broadcast_in_dim3A_1383 = vector.broadcast %jit3A_1381 : i32 to vector<1x128xi32>
    %select_n3A_1384 = arith.select %le3A_1379, %broadcast_in_dim3A_1382, %broadcast_in_dim3A_1383 : vector<1x128xi1>, vector<1x128xi32>
    %add3A_1385 = arith.addi %add3A_1369, %select_n3A_1384 : vector<1x128xi32>
    %sub3A_1386 = arith.constant 1 : i32
    %sub3A_1387 = arith.subi %add3A_1340, %sub3A_1386 : i32
    %le3A_1388 = arith.cmpi sle, %add3A_164, %sub3A_1387 : i32
    %jit3A_1389 = arith.constant 1 : i32
    %jit3A_1390 = arith.constant 0 : i32
    %select_n3A_1391 = arith.select %le3A_1388, %jit3A_1389, %jit3A_1390 : i32
    %add3A_1392 = arith.addi %add3A_1377, %select_n3A_1391 : i32
    %le3A_1393 = vector.broadcast %add3A_248 : i32 to vector<1x128xi32>
    %le3A_1394 = arith.cmpi sle, %le3A_1393, %mul3A_1360 : vector<1x128xi32>
    %jit3A_1395 = arith.constant 1 : i32
    %jit3A_1396 = arith.constant 0 : i32
    %broadcast_in_dim3A_1397 = vector.broadcast %jit3A_1395 : i32 to vector<1x128xi32>
    %broadcast_in_dim3A_1398 = vector.broadcast %jit3A_1396 : i32 to vector<1x128xi32>
    %select_n3A_1399 = arith.select %le3A_1394, %broadcast_in_dim3A_1397, %broadcast_in_dim3A_1398 : vector<1x128xi1>, vector<1x128xi32>
    %add3A_1400 = arith.addi %add3A_1385, %select_n3A_1399 : vector<1x128xi32>
    %sub3A_1401 = arith.constant 1 : i32
    %sub3A_1402 = arith.subi %add3A_1340, %sub3A_1401 : i32
    %le3A_1403 = arith.cmpi sle, %add3A_248, %sub3A_1402 : i32
    %jit3A_1404 = arith.constant 1 : i32
    %jit3A_1405 = arith.constant 0 : i32
    %select_n3A_1406 = arith.select %le3A_1403, %jit3A_1404, %jit3A_1405 : i32
    %add3A_1407 = arith.addi %add3A_1392, %select_n3A_1406 : i32
    %le3A_1408 = vector.broadcast %add3A_332 : i32 to vector<1x128xi32>
    %le3A_1409 = arith.cmpi sle, %le3A_1408, %mul3A_1360 : vector<1x128xi32>
    %jit3A_1410 = arith.constant 1 : i32
    %jit3A_1411 = arith.constant 0 : i32
    %broadcast_in_dim3A_1412 = vector.broadcast %jit3A_1410 : i32 to vector<1x128xi32>
    %broadcast_in_dim3A_1413 = vector.broadcast %jit3A_1411 : i32 to vector<1x128xi32>
    %select_n3A_1414 = arith.select %le3A_1409, %broadcast_in_dim3A_1412, %broadcast_in_dim3A_1413 : vector<1x128xi1>, vector<1x128xi32>
    %add3A_1415 = arith.addi %add3A_1400, %select_n3A_1414 : vector<1x128xi32>
    %sub3A_1416 = arith.constant 1 : i32
    %sub3A_1417 = arith.subi %add3A_1340, %sub3A_1416 : i32
    %le3A_1418 = arith.cmpi sle, %add3A_332, %sub3A_1417 : i32
    %jit3A_1419 = arith.constant 1 : i32
    %jit3A_1420 = arith.constant 0 : i32
    %select_n3A_1421 = arith.select %le3A_1418, %jit3A_1419, %jit3A_1420 : i32
    %add3A_1422 = arith.addi %add3A_1407, %select_n3A_1421 : i32
    %le3A_1423 = vector.broadcast %add3A_416 : i32 to vector<1x128xi32>
    %le3A_1424 = arith.cmpi sle, %le3A_1423, %mul3A_1360 : vector<1x128xi32>
    %jit3A_1425 = arith.constant 1 : i32
    %jit3A_1426 = arith.constant 0 : i32
    %broadcast_in_dim3A_1427 = vector.broadcast %jit3A_1425 : i32 to vector<1x128xi32>
    %broadcast_in_dim3A_1428 = vector.broadcast %jit3A_1426 : i32 to vector<1x128xi32>
    %select_n3A_1429 = arith.select %le3A_1424, %broadcast_in_dim3A_1427, %broadcast_in_dim3A_1428 : vector<1x128xi1>, vector<1x128xi32>
    %add3A_1430 = arith.addi %add3A_1415, %select_n3A_1429 : vector<1x128xi32>
    %sub3A_1431 = arith.constant 1 : i32
    %sub3A_1432 = arith.subi %add3A_1340, %sub3A_1431 : i32
    %le3A_1433 = arith.cmpi sle, %add3A_416, %sub3A_1432 : i32
    %jit3A_1434 = arith.constant 1 : i32
    %jit3A_1435 = arith.constant 0 : i32
    %select_n3A_1436 = arith.select %le3A_1433, %jit3A_1434, %jit3A_1435 : i32
    %add3A_1437 = arith.addi %add3A_1422, %select_n3A_1436 : i32
    %le3A_1438 = vector.broadcast %add3A_500 : i32 to vector<1x128xi32>
    %le3A_1439 = arith.cmpi sle, %le3A_1438, %mul3A_1360 : vector<1x128xi32>
    %jit3A_1440 = arith.constant 1 : i32
    %jit3A_1441 = arith.constant 0 : i32
    %broadcast_in_dim3A_1442 = vector.broadcast %jit3A_1440 : i32 to vector<1x128xi32>
    %broadcast_in_dim3A_1443 = vector.broadcast %jit3A_1441 : i32 to vector<1x128xi32>
    %select_n3A_1444 = arith.select %le3A_1439, %broadcast_in_dim3A_1442, %broadcast_in_dim3A_1443 : vector<1x128xi1>, vector<1x128xi32>
    %add3A_1445 = arith.addi %add3A_1430, %select_n3A_1444 : vector<1x128xi32>
    %sub3A_1446 = arith.constant 1 : i32
    %sub3A_1447 = arith.subi %add3A_1340, %sub3A_1446 : i32
    %le3A_1448 = arith.cmpi sle, %add3A_500, %sub3A_1447 : i32
    %jit3A_1449 = arith.constant 1 : i32
    %jit3A_1450 = arith.constant 0 : i32
    %select_n3A_1451 = arith.select %le3A_1448, %jit3A_1449, %jit3A_1450 : i32
    %add3A_1452 = arith.addi %add3A_1437, %select_n3A_1451 : i32
    %le3A_1453 = vector.broadcast %add3A_584 : i32 to vector<1x128xi32>
    %le3A_1454 = arith.cmpi sle, %le3A_1453, %mul3A_1360 : vector<1x128xi32>
    %jit3A_1455 = arith.constant 1 : i32
    %jit3A_1456 = arith.constant 0 : i32
    %broadcast_in_dim3A_1457 = vector.broadcast %jit3A_1455 : i32 to vector<1x128xi32>
    %broadcast_in_dim3A_1458 = vector.broadcast %jit3A_1456 : i32 to vector<1x128xi32>
    %select_n3A_1459 = arith.select %le3A_1454, %broadcast_in_dim3A_1457, %broadcast_in_dim3A_1458 : vector<1x128xi1>, vector<1x128xi32>
    %add3A_1460 = arith.addi %add3A_1445, %select_n3A_1459 : vector<1x128xi32>
    %sub3A_1461 = arith.constant 1 : i32
    %sub3A_1462 = arith.subi %add3A_1340, %sub3A_1461 : i32
    %le3A_1463 = arith.cmpi sle, %add3A_584, %sub3A_1462 : i32
    %jit3A_1464 = arith.constant 1 : i32
    %jit3A_1465 = arith.constant 0 : i32
    %select_n3A_1466 = arith.select %le3A_1463, %jit3A_1464, %jit3A_1465 : i32
    %add3A_1467 = arith.addi %add3A_1452, %select_n3A_1466 : i32
    %le3A_1468 = vector.broadcast %add3A_668 : i32 to vector<1x128xi32>
    %le3A_1469 = arith.cmpi sle, %le3A_1468, %mul3A_1360 : vector<1x128xi32>
    %jit3A_1470 = arith.constant 1 : i32
    %jit3A_1471 = arith.constant 0 : i32
    %broadcast_in_dim3A_1472 = vector.broadcast %jit3A_1470 : i32 to vector<1x128xi32>
    %broadcast_in_dim3A_1473 = vector.broadcast %jit3A_1471 : i32 to vector<1x128xi32>
    %select_n3A_1474 = arith.select %le3A_1469, %broadcast_in_dim3A_1472, %broadcast_in_dim3A_1473 : vector<1x128xi1>, vector<1x128xi32>
    %add3A_1475 = arith.addi %add3A_1460, %select_n3A_1474 : vector<1x128xi32>
    %sub3A_1476 = arith.constant 1 : i32
    %sub3A_1477 = arith.subi %add3A_1340, %sub3A_1476 : i32
    %le3A_1478 = arith.cmpi sle, %add3A_668, %sub3A_1477 : i32
    %jit3A_1479 = arith.constant 1 : i32
    %jit3A_1480 = arith.constant 0 : i32
    %select_n3A_1481 = arith.select %le3A_1478, %jit3A_1479, %jit3A_1480 : i32
    %add3A_1482 = arith.addi %add3A_1467, %select_n3A_1481 : i32
    %le3A_1483 = vector.broadcast %add3A_752 : i32 to vector<1x128xi32>
    %le3A_1484 = arith.cmpi sle, %le3A_1483, %mul3A_1360 : vector<1x128xi32>
    %jit3A_1485 = arith.constant 1 : i32
    %jit3A_1486 = arith.constant 0 : i32
    %broadcast_in_dim3A_1487 = vector.broadcast %jit3A_1485 : i32 to vector<1x128xi32>
    %broadcast_in_dim3A_1488 = vector.broadcast %jit3A_1486 : i32 to vector<1x128xi32>
    %select_n3A_1489 = arith.select %le3A_1484, %broadcast_in_dim3A_1487, %broadcast_in_dim3A_1488 : vector<1x128xi1>, vector<1x128xi32>
    %add3A_1490 = arith.addi %add3A_1475, %select_n3A_1489 : vector<1x128xi32>
    %sub3A_1491 = arith.constant 1 : i32
    %sub3A_1492 = arith.subi %add3A_1340, %sub3A_1491 : i32
    %le3A_1493 = arith.cmpi sle, %add3A_752, %sub3A_1492 : i32
    %jit3A_1494 = arith.constant 1 : i32
    %jit3A_1495 = arith.constant 0 : i32
    %select_n3A_1496 = arith.select %le3A_1493, %jit3A_1494, %jit3A_1495 : i32
    %add3A_1497 = arith.addi %add3A_1482, %select_n3A_1496 : i32
    %le3A_1498 = vector.broadcast %add3A_836 : i32 to vector<1x128xi32>
    %le3A_1499 = arith.cmpi sle, %le3A_1498, %mul3A_1360 : vector<1x128xi32>
    %jit3A_1500 = arith.constant 1 : i32
    %jit3A_1501 = arith.constant 0 : i32
    %broadcast_in_dim3A_1502 = vector.broadcast %jit3A_1500 : i32 to vector<1x128xi32>
    %broadcast_in_dim3A_1503 = vector.broadcast %jit3A_1501 : i32 to vector<1x128xi32>
    %select_n3A_1504 = arith.select %le3A_1499, %broadcast_in_dim3A_1502, %broadcast_in_dim3A_1503 : vector<1x128xi1>, vector<1x128xi32>
    %add3A_1505 = arith.addi %add3A_1490, %select_n3A_1504 : vector<1x128xi32>
    %sub3A_1506 = arith.constant 1 : i32
    %sub3A_1507 = arith.subi %add3A_1340, %sub3A_1506 : i32
    %le3A_1508 = arith.cmpi sle, %add3A_836, %sub3A_1507 : i32
    %jit3A_1509 = arith.constant 1 : i32
    %jit3A_1510 = arith.constant 0 : i32
    %select_n3A_1511 = arith.select %le3A_1508, %jit3A_1509, %jit3A_1510 : i32
    %add3A_1512 = arith.addi %add3A_1497, %select_n3A_1511 : i32
    %le3A_1513 = vector.broadcast %add3A_920 : i32 to vector<1x128xi32>
    %le3A_1514 = arith.cmpi sle, %le3A_1513, %mul3A_1360 : vector<1x128xi32>
    %jit3A_1515 = arith.constant 1 : i32
    %jit3A_1516 = arith.constant 0 : i32
    %broadcast_in_dim3A_1517 = vector.broadcast %jit3A_1515 : i32 to vector<1x128xi32>
    %broadcast_in_dim3A_1518 = vector.broadcast %jit3A_1516 : i32 to vector<1x128xi32>
    %select_n3A_1519 = arith.select %le3A_1514, %broadcast_in_dim3A_1517, %broadcast_in_dim3A_1518 : vector<1x128xi1>, vector<1x128xi32>
    %add3A_1520 = arith.addi %add3A_1505, %select_n3A_1519 : vector<1x128xi32>
    %sub3A_1521 = arith.constant 1 : i32
    %sub3A_1522 = arith.subi %add3A_1340, %sub3A_1521 : i32
    %le3A_1523 = arith.cmpi sle, %add3A_920, %sub3A_1522 : i32
    %jit3A_1524 = arith.constant 1 : i32
    %jit3A_1525 = arith.constant 0 : i32
    %select_n3A_1526 = arith.select %le3A_1523, %jit3A_1524, %jit3A_1525 : i32
    %add3A_1527 = arith.addi %add3A_1512, %select_n3A_1526 : i32
    %le3A_1528 = vector.broadcast %add3A_1004 : i32 to vector<1x128xi32>
    %le3A_1529 = arith.cmpi sle, %le3A_1528, %mul3A_1360 : vector<1x128xi32>
    %jit3A_1530 = arith.constant 1 : i32
    %jit3A_1531 = arith.constant 0 : i32
    %broadcast_in_dim3A_1532 = vector.broadcast %jit3A_1530 : i32 to vector<1x128xi32>
    %broadcast_in_dim3A_1533 = vector.broadcast %jit3A_1531 : i32 to vector<1x128xi32>
    %select_n3A_1534 = arith.select %le3A_1529, %broadcast_in_dim3A_1532, %broadcast_in_dim3A_1533 : vector<1x128xi1>, vector<1x128xi32>
    %add3A_1535 = arith.addi %add3A_1520, %select_n3A_1534 : vector<1x128xi32>
    %sub3A_1536 = arith.constant 1 : i32
    %sub3A_1537 = arith.subi %add3A_1340, %sub3A_1536 : i32
    %le3A_1538 = arith.cmpi sle, %add3A_1004, %sub3A_1537 : i32
    %jit3A_1539 = arith.constant 1 : i32
    %jit3A_1540 = arith.constant 0 : i32
    %select_n3A_1541 = arith.select %le3A_1538, %jit3A_1539, %jit3A_1540 : i32
    %add3A_1542 = arith.addi %add3A_1527, %select_n3A_1541 : i32
    %le3A_1543 = vector.broadcast %add3A_1088 : i32 to vector<1x128xi32>
    %le3A_1544 = arith.cmpi sle, %le3A_1543, %mul3A_1360 : vector<1x128xi32>
    %jit3A_1545 = arith.constant 1 : i32
    %jit3A_1546 = arith.constant 0 : i32
    %broadcast_in_dim3A_1547 = vector.broadcast %jit3A_1545 : i32 to vector<1x128xi32>
    %broadcast_in_dim3A_1548 = vector.broadcast %jit3A_1546 : i32 to vector<1x128xi32>
    %select_n3A_1549 = arith.select %le3A_1544, %broadcast_in_dim3A_1547, %broadcast_in_dim3A_1548 : vector<1x128xi1>, vector<1x128xi32>
    %add3A_1550 = arith.addi %add3A_1535, %select_n3A_1549 : vector<1x128xi32>
    %sub3A_1551 = arith.constant 1 : i32
    %sub3A_1552 = arith.subi %add3A_1340, %sub3A_1551 : i32
    %le3A_1553 = arith.cmpi sle, %add3A_1088, %sub3A_1552 : i32
    %jit3A_1554 = arith.constant 1 : i32
    %jit3A_1555 = arith.constant 0 : i32
    %select_n3A_1556 = arith.select %le3A_1553, %jit3A_1554, %jit3A_1555 : i32
    %add3A_1557 = arith.addi %add3A_1542, %select_n3A_1556 : i32
    %le3A_1558 = vector.broadcast %add3A_1172 : i32 to vector<1x128xi32>
    %le3A_1559 = arith.cmpi sle, %le3A_1558, %mul3A_1360 : vector<1x128xi32>
    %jit3A_1560 = arith.constant 1 : i32
    %jit3A_1561 = arith.constant 0 : i32
    %broadcast_in_dim3A_1562 = vector.broadcast %jit3A_1560 : i32 to vector<1x128xi32>
    %broadcast_in_dim3A_1563 = vector.broadcast %jit3A_1561 : i32 to vector<1x128xi32>
    %select_n3A_1564 = arith.select %le3A_1559, %broadcast_in_dim3A_1562, %broadcast_in_dim3A_1563 : vector<1x128xi1>, vector<1x128xi32>
    %add3A_1565 = arith.addi %add3A_1550, %select_n3A_1564 : vector<1x128xi32>
    %sub3A_1566 = arith.constant 1 : i32
    %sub3A_1567 = arith.subi %add3A_1340, %sub3A_1566 : i32
    %le3A_1568 = arith.cmpi sle, %add3A_1172, %sub3A_1567 : i32
    %jit3A_1569 = arith.constant 1 : i32
    %jit3A_1570 = arith.constant 0 : i32
    %select_n3A_1571 = arith.select %le3A_1568, %jit3A_1569, %jit3A_1570 : i32
    %add3A_1572 = arith.addi %add3A_1557, %select_n3A_1571 : i32
    %le3A_1573 = vector.broadcast %add3A_1256 : i32 to vector<1x128xi32>
    %le3A_1574 = arith.cmpi sle, %le3A_1573, %mul3A_1360 : vector<1x128xi32>
    %jit3A_1575 = arith.constant 1 : i32
    %jit3A_1576 = arith.constant 0 : i32
    %broadcast_in_dim3A_1577 = vector.broadcast %jit3A_1575 : i32 to vector<1x128xi32>
    %broadcast_in_dim3A_1578 = vector.broadcast %jit3A_1576 : i32 to vector<1x128xi32>
    %select_n3A_1579 = arith.select %le3A_1574, %broadcast_in_dim3A_1577, %broadcast_in_dim3A_1578 : vector<1x128xi1>, vector<1x128xi32>
    %add3A_1580 = arith.addi %add3A_1565, %select_n3A_1579 : vector<1x128xi32>
    %sub3A_1581 = arith.constant 1 : i32
    %sub3A_1582 = arith.subi %add3A_1340, %sub3A_1581 : i32
    %le3A_1583 = arith.cmpi sle, %add3A_1256, %sub3A_1582 : i32
    %jit3A_1584 = arith.constant 1 : i32
    %jit3A_1585 = arith.constant 0 : i32
    %select_n3A_1586 = arith.select %le3A_1583, %jit3A_1584, %jit3A_1585 : i32
    %add3A_1587 = arith.addi %add3A_1572, %select_n3A_1586 : i32
    %le3A_1588 = vector.broadcast %add3A_1340 : i32 to vector<1x128xi32>
    %le3A_1589 = arith.cmpi sle, %le3A_1588, %mul3A_1360 : vector<1x128xi32>
    %jit3A_1590 = arith.constant 1 : i32
    %jit3A_1591 = arith.constant 0 : i32
    %broadcast_in_dim3A_1592 = vector.broadcast %jit3A_1590 : i32 to vector<1x128xi32>
    %broadcast_in_dim3A_1593 = vector.broadcast %jit3A_1591 : i32 to vector<1x128xi32>
    %select_n3A_1594 = arith.select %le3A_1589, %broadcast_in_dim3A_1592, %broadcast_in_dim3A_1593 : vector<1x128xi1>, vector<1x128xi32>
    %add3A_1595 = arith.addi %add3A_1580, %select_n3A_1594 : vector<1x128xi32>
    %sub3A_1596 = arith.constant 1 : i32
    %sub3A_1597 = arith.subi %add3A_1340, %sub3A_1596 : i32
    %le3A_1598 = arith.cmpi sle, %add3A_1340, %sub3A_1597 : i32
    %jit3A_1599 = arith.constant 1 : i32
    %jit3A_1600 = arith.constant 0 : i32
    %select_n3A_1601 = arith.select %le3A_1598, %jit3A_1599, %jit3A_1600 : i32
    %add3A_1602 = arith.addi %add3A_1587, %select_n3A_1601 : i32
    %min3A = vector.broadcast %add3A_1602 : i32 to vector<1x128xi32>
    %min3A_1603 = arith.minsi %add3A_1595, %min3A : vector<1x128xi32>
    %jit3A_1604 = arith.constant 512 : i32
    %div3A_1605 = arith.divsi %add3A_1340, %jit3A_1604 : i32
    %sign3A_1606 = arith.constant 0 : i32
    %sign3A_1607 = arith.cmpi sgt, %add3A_1340, %sign3A_1606 : i32
    %sign3A_1608 = arith.extui %sign3A_1607 : i1 to i32
    %sign3A_1609 = arith.constant 0 : i32
    %sign3A_1610 = arith.cmpi slt, %add3A_1340, %sign3A_1609 : i32
    %sign3A_1611 = arith.extui %sign3A_1610 : i1 to i32
    %sign3A_1612 = arith.subi %sign3A_1608, %sign3A_1611 : i32
    %sign3A_1613 = arith.constant 0 : i32
    %sign3A_1614 = arith.cmpi sgt, %jit3A_1604, %sign3A_1613 : i32
    %sign3A_1615 = arith.extui %sign3A_1614 : i1 to i32
    %sign3A_1616 = arith.constant 0 : i32
    %sign3A_1617 = arith.cmpi slt, %jit3A_1604, %sign3A_1616 : i32
    %sign3A_1618 = arith.extui %sign3A_1617 : i1 to i32
    %sign3A_1619 = arith.subi %sign3A_1615, %sign3A_1618 : i32
    %ne3A_1620 = arith.cmpi ne, %sign3A_1612, %sign3A_1619 : i32
    %rem3A_1621 = arith.remsi %add3A_1340, %jit3A_1604 : i32
    %ne3A_1622 = arith.constant 0 : i32
    %ne3A_1623 = arith.cmpi ne, %rem3A_1621, %ne3A_1622 : i32
    %and3A_1624 = arith.andi %ne3A_1620, %ne3A_1623 : i1
    %sub3A_1625 = arith.constant 1 : i32
    %sub3A_1626 = arith.subi %div3A_1605, %sub3A_1625 : i32
    %select_n3A_1627 = arith.select %and3A_1624, %sub3A_1626, %div3A_1605 : i32
    %iota3A_1628 = tpu.iota {dimensions = array<i32: 1>} : vector<1x128xi32>
    %eq3A_1629 = arith.constant 24 : i32
    %eq3A_1630 = vector.broadcast %eq3A_1629 : i32 to vector<1x128xi32>
    %eq3A_1631 = arith.cmpi eq, %iota3A_1628, %eq3A_1630 : vector<1x128xi32>
    %broadcast_in_dim3A_1632 = vector.broadcast %select_n3A_1627 : i32 to vector<1x128xi32>
    %select_n3A_1633 = arith.select %eq3A_1631, %broadcast_in_dim3A_1632, %min3A_1603 : vector<1x128xi1>, vector<1x128xi32>
    %swap3A_1634 = arith.constant 0 : index
    %swap3A_1635 = arith.constant 0 : index
    %swap3A_1636 = vector.load %arg3[%swap3A_1634, %swap3A_1635] : memref<1x128xi32, #tpu.memory_space<vmem>>, vector<1x128xi32>
    tpu.vector_store %arg3[%swap3A_1634, %swap3A_1635], %select_n3A_1633 {strides = array<i32>} : memref<1x128xi32, #tpu.memory_space<vmem>>, vector<1x128xi32>,
    return
  }
}

</mosaic_0001>

<sc_bundles>
// kernel: kernel.10.cloned.1.call-start
scs
__scs_entry_jumppad:
0x0: {  	(pc) =	sbr.rel $0x88, $3  }
0x1: {  	(tag) =	ssettag $0x0;
	lr =	simm.s32 $0x1  }
0x2: {  	[smem:$0x3F9B] =	sst lr;
	_ =	strace $0xD0000000  }
0x3: {  	_ = 	snop  }
0x4: {  	_ = 	snop  }
0x5: {  	_ = 	snop  }
0x6: {  	_ = 	snop  }
0x7: {  	_ = 	snop  }
__scs_overlays_trampoline_lowered:
0x8: {  	[smem:$0x3FAA] =	sst s0  }
0x9: {  	[smem:$0x3FAB] =	sst s1  }
0xa: {  	[smem:$0x3FAC] =	sst s2  }
0xb: {  	[smem:$0x3FAD] =	sst s3  }
0xc: {  	[smem:$0x3FAE] =	sst s4  }
0xd: {  	[smem:$0x3FAF] =	sst s5  }
0xe: {  	[smem:$0x3FB0] =	sst s6  }
0xf: {  	[smem:$0x3FB1] =	sst s7  }
0x10: {  	[smem:$0x3FB2] =	sst s8  }
0x11: {  	[smem:$0x3FB3] =	sst s9;
	s0 =	simm.s32 @!p0 $0x0  }
0x12: {  	s1 =	sld [smem:$0x3F99];
	s0 =	simm.s32 @p0 $0x1  }
0x13: {  	[smem:$0x3FB4] =	sst s0;
	s0 =	simm.s32 @!p1 $0x0  }
0x14: {  	s2 =	sld [smem:$0x3F98];
	s0 =	simm.s32 @p1 $0x1  }
0x15: {  	[smem:$0x3FB5] =	sst s0;
	s0 =	simm.s32 @!p2 $0x0  }
0x16: {  	s3 =	sld [smem:$0x3FDB];
	s0 =	simm.s32 @p2 $0x1  }
0x17: {  	s4 =	simm.s32 $0x1BF5;
	[smem:$0x3FB7] =	sst s0  }
0x18: {  	s0 =	sld [smem:$0x3F9A];
	_ =	swait.ge [sflag:s4], $0x0  }
0x19: {  	s7 =	sld [smem:$0x3F9B]  }
0x1a: {  	s8 =	sadd.s32 $0xFFFFE003, lr  }
0x1b: {  	s9 =	sadd.s32 $0xFFFFFEF7, lr;
	s5 =	simm.s32 $0xFFFFFFFF;
	p2 =	slt.u32 s8, $0xFFFFF086  }
0x1c: {  	p1 =	slt.u32 s9, $0xF7A;
	s5 =	simm.s32 @!p2 $0x0  }
0x1d: {  	s5 =	simm.s32 @p1 $0x1;
	p0 =	seq.s32 s7, s2  }
0x1e: {  	s7 =	smul.u32 @!p0 $0xF7A, s2;
	p2 =	seq.s32 @!p0 s5, $0x0  }
0x1f: {  	s9 =	smul.u32 $0xF7A, s1;
	s8 =	simm.s32 @!p0 $0x1BF5;
	p2 =	por !p2, p0  }
0x20: {  	[sflag:s8] =	ssyncset.s32 @!p0 $0xFFFFF086;
	s6 =	sadd.s32 @!p0 s3, s7;
	s7 =	simm.s32 @!p0 $0x108  }
0x21: {  	s3 =	sadd.s32 s3, s9;
	s6 =	sadd.s32 @!p0 $0x88, s6;
	s7 =	simm.s32 @p2 $0x1082  }
0x22: {  	[simem:s7], [sflag:s8] =	dma.local @!p0 [hbm:s6], $0xF7A  }
0x23: {  	s9 =	sor.u32 $0xD0000000, s2;
	s6 =	simm.s32 $0x108;
	_ =	swait.ge @!p0 [sflag:s8], $0x0  }
0x24: {  	s3 =	sadd.s32 $0x88, s3;
	s6 =	simm.s32 @!p1 $0x1082;
	[sflag:s4] =	ssyncset.s32 $0xFFFFF086  }
0x25: {  	[simem:s6], [sflag:s4] =	dma.local [hbm:s3], $0xF7A  }
0x26: {  	[smem:$0x3F9B] =	sst s1;
	(tag) =	ssettag s2;
	_ =	strace s9  }
0x27: {  	s1 =	sld [smem:$0x3FAB]  }
0x28: {  	s2 =	sld [smem:$0x3FAC]  }
0x29: {  	s4 =	sld [smem:$0x3FAE]  }
0x2a: {  	p0 =	seq.s32 s5, $0x0;
	s5 =	sld [smem:$0x3FAF]  }
0x2b: {  	s6 =	sld [smem:$0x3FB0]  }
0x2c: {  	s7 =	sld [smem:$0x3FB1]  }
0x2d: {  	s3 =	simm.s32 $0x108;
	s8 =	sld [smem:$0x3FB2]  }
0x2e: {  	s3 =	simm.s32 @!p0 $0x1082;
	s9 =	sld [smem:$0x3FB3]  }
0x2f: {  	lr =	sadd.s32 s0, s3;
	s0 =	sld [smem:$0x3FAA]  }
0x30: {  	s3 =	sld [smem:$0x3FAD]  }
0x31: {  	[smem:$0x3FB6] =	sst s10  }
0x32: {  	s10 =	sld [smem:$0x3FB4];
	_ =	sdelay $0x3  }
0x33: {  	p0 =	seq.s32 s10, $0x1;
	s10 =	sld [smem:$0x3FB6];
	_ =	sdelay $0x3  }
0x34: {  	[smem:$0x3FB6] =	sst s10  }
0x35: {  	s10 =	sld [smem:$0x3FB5];
	_ =	sdelay $0x3  }
0x36: {  	p1 =	seq.s32 s10, $0x1;
	s10 =	sld [smem:$0x3FB6];
	_ =	sdelay $0x3  }
0x37: {  	[smem:$0x3FB6] =	sst s10  }
0x38: {  	s10 =	sld [smem:$0x3FB7]  }
0x39: {  	_ = 	snop;
	(pc) =	sbr.ind lr, $3  }
0x3a: {  	_ = 	snop  }
0x3b: {  	_ = 	snop  }
0x3c: {  	p2 =	seq.s32 s10, $0x1;
	s10 =	sld [smem:$0x3FB6]  }
0x3d: {  	_ =	shalt  }
0x3e: {  	_ =	shalt  }
0x3f: {  	_ =	shalt  }
0x40: {  	_ =	shalt  }
0x41: {  	_ =	shalt  }
0x42: {  	_ =	shalt  }
0x43: {  	_ =	shalt  }
0x44: {  	_ =	shalt  }
0x45: {  	_ =	shalt  }
0x46: {  	_ =	shalt  }
0x47: {  	_ =	shalt  }
0x48: {  	_ =	shalt  }
0x49: {  	_ =	shalt  }
0x4a: {  	_ =	shalt  }
0x4b: {  	_ =	shalt  }
0x4c: {  	_ =	shalt  }
0x4d: {  	_ =	shalt  }
0x4e: {  	_ =	shalt  }
0x4f: {  	_ =	shalt  }
0x50: {  	_ =	shalt  }
0x51: {  	_ =	shalt  }
0x52: {  	_ =	shalt  }
0x53: {  	_ =	shalt  }
0x54: {  	_ =	shalt  }
0x55: {  	_ =	shalt  }
0x56: {  	_ =	shalt  }
0x57: {  	_ =	shalt  }
0x58: {  	_ =	shalt  }
0x59: {  	_ =	shalt  }
0x5a: {  	_ =	shalt  }
0x5b: {  	_ =	shalt  }
0x5c: {  	_ =	shalt  }
0x5d: {  	_ =	shalt  }
0x5e: {  	_ =	shalt  }
0x5f: {  	_ =	shalt  }
0x60: {  	_ =	shalt  }
0x61: {  	_ =	shalt  }
0x62: {  	_ =	shalt  }
0x63: {  	_ =	shalt  }
0x64: {  	_ =	shalt  }
0x65: {  	_ =	shalt  }
0x66: {  	_ =	shalt  }
0x67: {  	_ =	shalt  }
0x68: {  	_ =	shalt  }
0x69: {  	_ =	shalt  }
0x6a: {  	_ =	shalt  }
0x6b: {  	_ =	shalt  }
0x6c: {  	_ =	shalt  }
0x6d: {  	_ =	shalt  }
0x6e: {  	_ =	shalt  }
0x6f: {  	_ =	shalt  }
0x70: {  	_ =	shalt  }
0x71: {  	_ =	shalt  }
0x72: {  	_ =	shalt  }
0x73: {  	_ =	shalt  }
0x74: {  	_ =	shalt  }
0x75: {  	_ =	shalt  }
0x76: {  	_ =	shalt  }
0x77: {  	_ =	shalt  }
0x78: {  	_ =	shalt  }
0x79: {  	_ =	shalt  }
0x7a: {  	_ =	shalt  }
0x7b: {  	_ =	shalt  }
0x7c: {  	_ =	shalt  }
0x7d: {  	_ =	shalt  }
0x7e: {  	_ =	shalt  }
0x7f: {  	_ =	shalt  }
0x80: {  	_ =	shalt  }
0x81: {  	_ =	shalt  }
0x82: {  	_ =	shalt  }
0x83: {  	_ =	shalt  }
0x84: {  	_ =	shalt  }
0x85: {  	_ =	shalt  }
0x86: {  	_ =	shalt  }
0x87: {  	_ =	shalt  }
.Lfunc_end0:
.L_simem_size_0:
called_computation.1_lowered:
.L_overlay_start_0:
0x88: {  	s2 =	sld [smem:$0x3FD9]  }
0x89: {  	s3 =	sld [smem:$0x3FFE];
	_ =	sdelay $0x1  }
0x8a: {  	s1 =	srdreg.scid  }
0x8b: {  	s0 =	sand.u32 $0x1, s1  }
0x8c: {  	s17 =	sshll.u32 s0, $0xA;
	s2 =	sadd.s32 s3, s2  }
0x8d: {  	s2 =	sadd.s32 s2, s17  }
0x8e: {  	[smem:$0x3FC2] =	sst s2  }
0x8f: {  	_ = 	snop  }
0x90: {  	s2 =	sld [smem:$0x3FD0];
	(tm) =	ssettm $0x1  }
0x91: {  	s18 =	sld [smem:$0x3FFB];
	_ =	sdelay $0x3  }
0x92: {  	_ =	strace s18  }
0x93: {  	s3 =	sld [smem:$0x3FFC];
	_ =	sdelay $0x3  }
0x94: {  	_ =	strace s3  }
0x95: {  	s3 =	sld [smem:$0x3FFD];
	_ =	sdelay $0x3  }
0x96: {  	_ =	strace s3  }
0x97: {  	_ =	strace $0x8FFFFFFF  }
0x98: {  	s19 =	sld [smem:$0x3FDB];
	_ =	sdelay $0x1  }
0x99: {  	s4 =	simm.s32 $_scs_section_size  }
0x9a: {  	s5 =	simm.s32 $_size__tile_overlayer_lowered;
	s6 =	simm.s32 $_tile_overlayer_lowered  }
0x9b: {  	s22 =	simm.s32 $0x1BFF;
	s21 =	sshll.u32 s6, $0x1;
	s3 =	sadd.s32 s4, s19  }
0x9c: {  	s7 =	simm.s32 $0x0;
	s20 =	sshll.u32 s5, $0x1;
	s5 =	sadd.s32 s21, s3  }
0x9d: {  	[timem:s7], [sflag:s22] =	dma.local [hbm:s5], s20  }
0x9e: {  	_ =	swait.ge [sflag:s22], s20  }
0x9f: {  	s4 =	ssub.s32 $0x0, s20;
	[sflag:s22] =	ssyncset.done $0x0  }
0xa0: {  	[sflag:s22] =	ssyncadd.s32 s4;
	_ =	sdelay $0x1  }
0xa1: {  	s23 =	simm.s32 $0x1B8B  }
0xa2: {  	_ =	swait.ge [sflag:s23], $0x1  }
0xa3: {  	[sflag:s23] =	ssyncset.done $0x0  }
0xa4: {  	s25 =	simm.s32 $0x1B8E;
	s24 =	sld [smem:$0x3FFE];
	[sflag:s23] =	ssyncadd.s32 $0xFFFFFFFF  }
0xa5: {  	s26 =	simm.s32 $execute0_lowered;
	[smem:$0x3FD2] =	sst s25  }
0xa6: {  	s5 =	sshll.u32 s26, $0x1;
	_ =	strace $0x80000049;
	[dreg:$0x1] =	wrdreg $0xFFFFFFFF  }
0xa7: {  	s28 =	simm.s32 $_size_execute0_lowered;
	s3 =	sadd.s32 s3, s5;
	[dreg:$0x0] =	wrdreg $0x0  }
0xa8: {  	s5 =	sshll.u32 s28, $0x1;
	[dreg:$0x2] =	wrdreg s3  }
0xa9: {  	[dreg:$0x3] =	wrdreg s5  }
0xaa: {  	[dreg:$0x4] =	wrdreg $0xC0  }
0xab: {  	_ =	task [dreg:s7], $0x5FFFF  }
0xac: {  	[dreg:$0x1] =	wrdreg $0xFFFFFFFF  }
0xad: {  	[dreg:$0x0] =	wrdreg $0x60  }
0xae: {  	[dreg:$0x2] =	wrdreg s24  }
0xaf: {  	[dreg:$0x3] =	wrdreg s2  }
0xb0: {  	[dreg:$0x4] =	wrdreg $0x9  }
0xb1: {  	_ =	task.clear_ibuf [dreg:s7], $0x5FFFF;
	_ =	strace $0x90000049  }
0xb2: {  	s29 =	simm.s32 $0x9;
	_ =	strace $0x8000004B  }
0xb3: {  	_ =	swait.ge [sflag:s29], $0x1  }
0xb4: {  	[sflag:s29] =	ssyncadd.s32 $0xFFFFFFFF  }
0xb5: {  	_ =	strace $0x9000004B  }
0xb6: {  	_ =	sfence  }
0xb7: {  	s30 =	sld [smem:$0x0];
	_ =	sdelay $0x2  }
0xb8: {  	s31 =	sshll.u32 s1, $0xD;
	s1 =	sshrl.u32 s1, $0x2  }
0xb9: {  	s3 =	sand.u32 $0x4000, s31;
	s1 =	sadd.s32 s1, s30  }
0xba: {  	s0 =	sor.u32 s3, s0;
	s1 =	sshll.u32 s1, $0x11  }
0xbb: {  	s0 =	sor.u32 s1, s0  }
0xbc: {  	s0 =	sadd.s32 $0x8F2B, s0  }
0xbd: {  	[sflag:s0] =	ssyncadd.remote.s32 $0x1  }
0xbe: {  	_ =	sfence.sel $0xFFFF  }
0xbf: {  	[dreg:$0x0] =	wrdreg $0xFFFFFFFF;
	(pc) =	sbr.abs _section_cstart, $3  }
0xc0: {  	[dreg:$0x1] =	wrdreg $0xFFFFFFFF  }
0xc1: {  	_ =	task.clear_ibuf [dreg:s7], $0x2FFFF;
	_ =	strace $0x9FFFFFFF  }
0xc2: {  	(tm) =	ssettm $0x7FFFFFFF  }
0xc3: {  	_ =	shalt  }
tec
execute0_lowered:
.L_overlay_start_1:
0x0: {  	(tag) =	ssettag $0x1  }
0x1: {  	s0 =	rddreg [dreg:$0x0]  }
0x2: {  	s1 =	rddreg [dreg:$0x1]  }
0x3: {  	s2 =	simm.s32 $0x0;
	s3 =	srdreg.scid;
	s5 =	stileid.u32  }
0x4: {  	s18 =	simm.s32 $0x1;
	s20 =	simm.s32 $0x880;
	s21 =	simm.s32 $0x1080  }
0x5: {  	s22 =	simm.s32 $0x1880;
	s28 =	simm.s32 $0x4080;
	s29 =	simm.s32 $0x4880  }
0x6: {  	s30 =	simm.s32 $0x5080;
	s31 =	simm.s32 $0x5880;
	s10 =	simm.s32 $0x7080  }
0x7: {  	s11 =	simm.s32 $0x7880;
	s12 =	simm.s32 $0x8080;
	s13 =	simm.s32 $0x8880  }
0x8: {  	s14 =	simm.s32 $0x9080;
	s15 =	simm.s32 $0x9880;
	s16 =	simm.s32 $0xA080  }
0x9: {  	s17 =	simm.s32 $0xA880;
	s9 =	simm.s32 $0xB080;
	[smem:$0x7FF] =	sst s2  }
0xa: {  	s4 =	sand.u32 $0x1, s3;
	s23 =	sshll.u32 s5, $0x1;
	s3 =	sadd.s32 $0x181200, s0  }
0xb: {  	_ =	strace $0x8000004A;
	s5 =	sor.u32 s4, s23;
	s4 =	ssub.s32 $0x2, s4  }
0xc: {  	s23 =	simm.s32 $0x2080;
	s6 =	sshll.u32 s5, $0xE;
	s24 =	sshrl.u32 s4, $0x1  }
0xd: {  	s5 =	sshll.u32 s5, $0x4;
	s7 =	sadd.s32 s6, s0;
	s8 =	ssub.s32 s4, s24  }
0xe: {  	s1 =	sadd.s32 s1, s5;
	s4 =	sadd.s32 $0x181300, s0;
	s5 =	sadd.s32 $0x181400, s0  }
0xf: {  	s6 =	sadd.s32 $0x181500, s0;
	s0 =	simm.s32 $0x80;
	s24 =	simm.s32 $0x2880  }
0x10: {  	v2 =	vlaneseq.u32;
	[dreg:$0x3] =	wrdreg s1;
	s25 =	sadd.s32 $0x1200, s7;
	s26 =	sadd.s32 $0x3200, s7  }
0x11: {  	vm0 =	vmmov $0xffff;
	v1 =	vshrl.u32 v2, $0x3;
	s7 =	smax.u32 s8, $0x1;
	s8 =	simm.s32 $0x2;
	[dreg:$0x4] =	wrdreg s25  }
0x12: {  	v0 =	vand.u32 $0x7, v2;
	v2 =	vor.u32 $0x8, v2;
	v1 =	vmul.u32 $0x8, v1;
	[dreg:$0x5] =	wrdreg s26;
	s25 =	simm.s32 $0x3080;
	s26 =	simm.s32 $0x3880  }
.LBB2_1:
0x13: {  	s19 =	rddreg [dreg:$0x3]  }
0x14: {  	[tilespmem:s2], [sflag:$0x2] =	stream.linear.gather [hbm4b:s19+s2], $0x80, $0x38;
	[tilespmem:$0x10080] =	vst v63  }
0x15: {  	_ =	swait.ge [sflag:s8], $0x80  }
0x16: {  	[sflag:s8] =	ssyncset.done $0x0  }
0x17: {  	[sflag:s8] =	ssyncadd.s32 $0xFFFFFF80  }
0x18: {  	v3 =	vld [tilespmem:$0x0];
	_ =	sdelay $0x4  }
0x19: {  	v4 =	vshll.u32 v3, $0x3  }
0x1a: {  	v3 =	vand.u32 $0x7, v3;
	v4 =	vand.u32 $0xFFFFFFC0, v4  }
0x1b: {  	v3 =	vor.u32 v3, v4  }
0x1c: {  	v4 =	vperm.xlane v3, v0;
	_ =	sdelay $0x1  }
0x1d: {  	v4 =	vadd.s32 v1, v4;
	_ =	sdelay $0x4  }
0x1e: {  	[tilespmem:s0], [sflag:$0x1] =	stream.indirect_vreg.gather [hbm4b:s3+s2], $0x80, v4, vm0, $0xb8;
	[tilespmem:$0x10080] =	vst v63  }
0x1f: {  	v3 =	vperm.xlane v3, v2  }
0x20: {  	[tilespmem:s20], [sflag:$0x1] =	stream.indirect_vreg.gather [hbm4b:s4+s2], $0x80, v4, vm0, $0xb8;
	[tilespmem:$0x10080] =	vst v63  }
0x21: {  	v3 =	vadd.s32 v1, v3  }
0x22: {  	[tilespmem:s21], [sflag:$0x1] =	stream.indirect_vreg.gather [hbm4b:s5+s2], $0x80, v4, vm0, $0xb8;
	[tilespmem:$0x10080] =	vst v63  }
0x23: {  	_ = 	snop  }
0x24: {  	[tilespmem:s22], [sflag:$0x1] =	stream.indirect_vreg.gather [hbm4b:s6+s2], $0x80, v4, vm0, $0xb8;
	[tilespmem:$0x10080] =	vst v63  }
0x25: {  	_ = 	snop  }
0x26: {  	[tilespmem:s23], [sflag:$0x1] =	stream.indirect_vreg.gather [hbm4b:s3+s2], $0x80, v3, vm0, $0xb8;
	[tilespmem:$0x10080] =	vst v63  }
0x27: {  	_ = 	snop  }
0x28: {  	[tilespmem:s24], [sflag:$0x1] =	stream.indirect_vreg.gather [hbm4b:s4+s2], $0x80, v3, vm0, $0xb8;
	[tilespmem:$0x10080] =	vst v63  }
0x29: {  	_ = 	snop  }
0x2a: {  	[tilespmem:s25], [sflag:$0x1] =	stream.indirect_vreg.gather [hbm4b:s5+s2], $0x80, v3, vm0, $0xb8;
	[tilespmem:$0x10080] =	vst v63  }
0x2b: {  	_ = 	snop  }
0x2c: {  	[tilespmem:s26], [sflag:$0x1] =	stream.indirect_vreg.gather [hbm4b:s6+s2], $0x80, v3, vm0, $0xb8;
	[tilespmem:$0x10080] =	vst v63  }
0x2d: {  	v3 =	vld [tilespmem:$0x10];
	_ =	sdelay $0x4  }
0x2e: {  	v57 =	vshll.u32 v3, $0x3  }
0x2f: {  	v3 =	vand.u32 $0x7, v3;
	v4 =	vand.u32 $0xFFFFFFC0, v57  }
0x30: {  	v3 =	vor.u32 v3, v4  }
0x31: {  	v4 =	vperm.xlane v3, v0;
	_ =	sdelay $0x1  }
0x32: {  	v4 =	vadd.s32 v1, v4;
	_ =	sdelay $0x4  }
0x33: {  	[tilespmem:s28], [sflag:$0x1] =	stream.indirect_vreg.gather [hbm4b:s3+s2], $0x80, v4, vm0, $0xb8;
	[tilespmem:$0x10080] =	vst v63  }
0x34: {  	v3 =	vperm.xlane v3, v2  }
0x35: {  	[tilespmem:s29], [sflag:$0x1] =	stream.indirect_vreg.gather [hbm4b:s4+s2], $0x80, v4, vm0, $0xb8;
	[tilespmem:$0x10080] =	vst v63  }
0x36: {  	v3 =	vadd.s32 v1, v3  }
0x37: {  	[tilespmem:s30], [sflag:$0x1] =	stream.indirect_vreg.gather [hbm4b:s5+s2], $0x80, v4, vm0, $0xb8;
	[tilespmem:$0x10080] =	vst v63  }
0x38: {  	_ = 	snop  }
0x39: {  	[tilespmem:s31], [sflag:$0x1] =	stream.indirect_vreg.gather [hbm4b:s6+s2], $0x80, v4, vm0, $0xb8;
	[tilespmem:$0x10080] =	vst v63  }
0x3a: {  	s1 =	simm.s32 $0x6080  }
0x3b: {  	[tilespmem:s1], [sflag:$0x1] =	stream.indirect_vreg.gather [hbm4b:s3+s2], $0x80, v3, vm0, $0xb8;
	[tilespmem:$0x10080] =	vst v63  }
0x3c: {  	s1 =	simm.s32 $0x6880  }
0x3d: {  	[tilespmem:s1], [sflag:$0x1] =	stream.indirect_vreg.gather [hbm4b:s4+s2], $0x80, v3, vm0, $0xb8;
	[tilespmem:$0x10080] =	vst v63  }
0x3e: {  	_ = 	snop  }
0x3f: {  	[tilespmem:s10], [sflag:$0x1] =	stream.indirect_vreg.gather [hbm4b:s5+s2], $0x80, v3, vm0, $0xb8;
	[tilespmem:$0x10080] =	vst v63  }
0x40: {  	_ = 	snop  }
0x41: {  	[tilespmem:s11], [sflag:$0x1] =	stream.indirect_vreg.gather [hbm4b:s6+s2], $0x80, v3, vm0, $0xb8;
	[tilespmem:$0x10080] =	vst v63  }
0x42: {  	v3 =	vld [tilespmem:$0x20];
	_ =	sdelay $0x4  }
0x43: {  	v58 =	vshll.u32 v3, $0x3  }
0x44: {  	v3 =	vand.u32 $0x7, v3;
	v4 =	vand.u32 $0xFFFFFFC0, v58  }
0x45: {  	v3 =	vor.u32 v3, v4  }
0x46: {  	v4 =	vperm.xlane v3, v0;
	_ =	sdelay $0x1  }
0x47: {  	v4 =	vadd.s32 v1, v4;
	_ =	sdelay $0x4  }
0x48: {  	[tilespmem:s12], [sflag:$0x1] =	stream.indirect_vreg.gather [hbm4b:s3+s2], $0x80, v4, vm0, $0xb8;
	[tilespmem:$0x10080] =	vst v63  }
0x49: {  	v3 =	vperm.xlane v3, v2  }
0x4a: {  	[tilespmem:s13], [sflag:$0x1] =	stream.indirect_vreg.gather [hbm4b:s4+s2], $0x80, v4, vm0, $0xb8;
	[tilespmem:$0x10080] =	vst v63  }
0x4b: {  	v3 =	vadd.s32 v1, v3  }
0x4c: {  	[tilespmem:s14], [sflag:$0x1] =	stream.indirect_vreg.gather [hbm4b:s5+s2], $0x80, v4, vm0, $0xb8;
	[tilespmem:$0x10080] =	vst v63  }
0x4d: {  	_ = 	snop  }
0x4e: {  	[tilespmem:s15], [sflag:$0x1] =	stream.indirect_vreg.gather [hbm4b:s6+s2], $0x80, v4, vm0, $0xb8;
	[tilespmem:$0x10080] =	vst v63  }
0x4f: {  	_ = 	snop  }
0x50: {  	[tilespmem:s16], [sflag:$0x1] =	stream.indirect_vreg.gather [hbm4b:s3+s2], $0x80, v3, vm0, $0xb8;
	[tilespmem:$0x10080] =	vst v63  }
0x51: {  	_ = 	snop  }
0x52: {  	[tilespmem:s17], [sflag:$0x1] =	stream.indirect_vreg.gather [hbm4b:s4+s2], $0x80, v3, vm0, $0xb8;
	[tilespmem:$0x10080] =	vst v63  }
0x53: {  	_ = 	snop  }
0x54: {  	[tilespmem:s9], [sflag:$0x1] =	stream.indirect_vreg.gather [hbm4b:s5+s2], $0x80, v3, vm0, $0xb8;
	[tilespmem:$0x10080] =	vst v63  }
0x55: {  	s19 =	simm.s32 $0xB880  }
0x56: {  	[tilespmem:s19], [sflag:$0x1] =	stream.indirect_vreg.gather [hbm4b:s6+s2], $0x80, v3, vm0, $0xb8;
	[tilespmem:$0x10080] =	vst v63  }
0x57: {  	v3 =	vld [tilespmem:$0x30];
	_ =	sdelay $0x4  }
0x58: {  	v59 =	vshll.u32 v3, $0x3  }
0x59: {  	v3 =	vand.u32 $0x7, v3;
	v4 =	vand.u32 $0xFFFFFFC0, v59  }
0x5a: {  	v3 =	vor.u32 v3, v4  }
0x5b: {  	v4 =	vperm.xlane v3, v0;
	_ =	sdelay $0x1  }
0x5c: {  	v4 =	vadd.s32 v1, v4;
	_ =	sdelay $0x3  }
0x5d: {  	s19 =	simm.s32 $0xC080  }
0x5e: {  	[tilespmem:s19], [sflag:$0x1] =	stream.indirect_vreg.gather [hbm4b:s3+s2], $0x80, v4, vm0, $0xb8;
	[tilespmem:$0x10080] =	vst v63  }
0x5f: {  	v3 =	vperm.xlane v3, v2;
	s19 =	simm.s32 $0xC880  }
0x60: {  	[tilespmem:s19], [sflag:$0x1] =	stream.indirect_vreg.gather [hbm4b:s4+s2], $0x80, v4, vm0, $0xb8;
	[tilespmem:$0x10080] =	vst v63  }
0x61: {  	v3 =	vadd.s32 v1, v3;
	s19 =	simm.s32 $0xD080  }
0x62: {  	[tilespmem:s19], [sflag:$0x1] =	stream.indirect_vreg.gather [hbm4b:s5+s2], $0x80, v4, vm0, $0xb8;
	[tilespmem:$0x10080] =	vst v63  }
0x63: {  	s19 =	simm.s32 $0xD880  }
0x64: {  	[tilespmem:s19], [sflag:$0x1] =	stream.indirect_vreg.gather [hbm4b:s6+s2], $0x80, v4, vm0, $0xb8;
	[tilespmem:$0x10080] =	vst v63  }
0x65: {  	s19 =	simm.s32 $0xE080  }
0x66: {  	[tilespmem:s19], [sflag:$0x1] =	stream.indirect_vreg.gather [hbm4b:s3+s2], $0x80, v3, vm0, $0xb8;
	[tilespmem:$0x10080] =	vst v63  }
0x67: {  	s19 =	simm.s32 $0xE880  }
0x68: {  	[tilespmem:s19], [sflag:$0x1] =	stream.indirect_vreg.gather [hbm4b:s4+s2], $0x80, v3, vm0, $0xb8;
	[tilespmem:$0x10080] =	vst v63  }
0x69: {  	s19 =	simm.s32 $0xF080  }
0x6a: {  	[tilespmem:s19], [sflag:$0x1] =	stream.indirect_vreg.gather [hbm4b:s5+s2], $0x80, v3, vm0, $0xb8;
	[tilespmem:$0x10080] =	vst v63  }
0x6b: {  	s19 =	simm.s32 $0xF880  }
0x6c: {  	[tilespmem:s19], [sflag:$0x1] =	stream.indirect_vreg.gather [hbm4b:s6+s2], $0x80, v3, vm0, $0xb8;
	[tilespmem:$0x10080] =	vst v63  }
0x6d: {  	_ =	swait.ge [sflag:s18], $0x10000  }
0x6e: {  	[sflag:s18] =	ssyncset.done $0x0  }
0x6f: {  	s19 =	rddreg [dreg:$0x4];
	[sflag:s18] =	ssyncadd.s32 $0xFFFF0000  }
0x70: {  	[hbm4b:s19+s2] =	stream.linear.scatter [tilespmem:s0], [sflag:$0x2], $0x10000, $0x38;
	[tilespmem:$0x10080] =	vst v63  }
0x71: {  	_ =	swait.ge [sflag:s8], $0x10000  }
0x72: {  	[sflag:s8] =	ssyncset.done $0x0  }
0x73: {  	[sflag:s8] =	ssyncadd.s32 $0xFFFF0000  }
0x74: {  	v3 =	vld [tilespmem:$0x40];
	_ =	sdelay $0x4  }
0x75: {  	v60 =	vshll.u32 v3, $0x3  }
0x76: {  	v3 =	vand.u32 $0x7, v3;
	v4 =	vand.u32 $0xFFFFFFC0, v60  }
0x77: {  	v3 =	vor.u32 v3, v4  }
0x78: {  	v4 =	vperm.xlane v3, v0;
	_ =	sdelay $0x1  }
0x79: {  	v4 =	vadd.s32 v1, v4;
	_ =	sdelay $0x4  }
0x7a: {  	[tilespmem:s0], [sflag:$0x1] =	stream.indirect_vreg.gather [hbm4b:s3+s2], $0x80, v4, vm0, $0xb8;
	[tilespmem:$0x10080] =	vst v63  }
0x7b: {  	v3 =	vperm.xlane v3, v2  }
0x7c: {  	[tilespmem:s20], [sflag:$0x1] =	stream.indirect_vreg.gather [hbm4b:s4+s2], $0x80, v4, vm0, $0xb8;
	[tilespmem:$0x10080] =	vst v63  }
0x7d: {  	v3 =	vadd.s32 v1, v3  }
0x7e: {  	[tilespmem:s21], [sflag:$0x1] =	stream.indirect_vreg.gather [hbm4b:s5+s2], $0x80, v4, vm0, $0xb8;
	[tilespmem:$0x10080] =	vst v63  }
0x7f: {  	_ = 	snop  }
0x80: {  	[tilespmem:s22], [sflag:$0x1] =	stream.indirect_vreg.gather [hbm4b:s6+s2], $0x80, v4, vm0, $0xb8;
	[tilespmem:$0x10080] =	vst v63  }
0x81: {  	_ = 	snop  }
0x82: {  	[tilespmem:s23], [sflag:$0x1] =	stream.indirect_vreg.gather [hbm4b:s3+s2], $0x80, v3, vm0, $0xb8;
	[tilespmem:$0x10080] =	vst v63  }
0x83: {  	_ = 	snop  }
0x84: {  	[tilespmem:s24], [sflag:$0x1] =	stream.indirect_vreg.gather [hbm4b:s4+s2], $0x80, v3, vm0, $0xb8;
	[tilespmem:$0x10080] =	vst v63  }
0x85: {  	_ = 	snop  }
0x86: {  	[tilespmem:s25], [sflag:$0x1] =	stream.indirect_vreg.gather [hbm4b:s5+s2], $0x80, v3, vm0, $0xb8;
	[tilespmem:$0x10080] =	vst v63  }
0x87: {  	_ = 	snop  }
0x88: {  	[tilespmem:s26], [sflag:$0x1] =	stream.indirect_vreg.gather [hbm4b:s6+s2], $0x80, v3, vm0, $0xb8;
	[tilespmem:$0x10080] =	vst v63  }
0x89: {  	v3 =	vld [tilespmem:$0x50];
	_ =	sdelay $0x4  }
0x8a: {  	v61 =	vshll.u32 v3, $0x3  }
0x8b: {  	v3 =	vand.u32 $0x7, v3;
	v4 =	vand.u32 $0xFFFFFFC0, v61  }
0x8c: {  	v3 =	vor.u32 v3, v4  }
0x8d: {  	v4 =	vperm.xlane v3, v0;
	_ =	sdelay $0x1  }
0x8e: {  	v4 =	vadd.s32 v1, v4;
	_ =	sdelay $0x4  }
0x8f: {  	[tilespmem:s28], [sflag:$0x1] =	stream.indirect_vreg.gather [hbm4b:s3+s2], $0x80, v4, vm0, $0xb8;
	[tilespmem:$0x10080] =	vst v63  }
0x90: {  	v3 =	vperm.xlane v3, v2  }
0x91: {  	[tilespmem:s29], [sflag:$0x1] =	stream.indirect_vreg.gather [hbm4b:s4+s2], $0x80, v4, vm0, $0xb8;
	[tilespmem:$0x10080] =	vst v63  }
0x92: {  	v3 =	vadd.s32 v1, v3  }
0x93: {  	[tilespmem:s30], [sflag:$0x1] =	stream.indirect_vreg.gather [hbm4b:s5+s2], $0x80, v4, vm0, $0xb8;
	[tilespmem:$0x10080] =	vst v63  }
0x94: {  	_ = 	snop  }
0x95: {  	[tilespmem:s31], [sflag:$0x1] =	stream.indirect_vreg.gather [hbm4b:s6+s2], $0x80, v4, vm0, $0xb8;
	[tilespmem:$0x10080] =	vst v63  }
0x96: {  	s19 =	simm.s32 $0x6080  }
0x97: {  	[tilespmem:s19], [sflag:$0x1] =	stream.indirect_vreg.gather [hbm4b:s3+s2], $0x80, v3, vm0, $0xb8;
	[tilespmem:$0x10080] =	vst v63  }
0x98: {  	_ = 	snop  }
0x99: {  	[tilespmem:s1], [sflag:$0x1] =	stream.indirect_vreg.gather [hbm4b:s4+s2], $0x80, v3, vm0, $0xb8;
	[tilespmem:$0x10080] =	vst v63  }
0x9a: {  	_ = 	snop  }
0x9b: {  	[tilespmem:s10], [sflag:$0x1] =	stream.indirect_vreg.gather [hbm4b:s5+s2], $0x80, v3, vm0, $0xb8;
	[tilespmem:$0x10080] =	vst v63  }
0x9c: {  	_ = 	snop  }
0x9d: {  	[tilespmem:s11], [sflag:$0x1] =	stream.indirect_vreg.gather [hbm4b:s6+s2], $0x80, v3, vm0, $0xb8;
	[tilespmem:$0x10080] =	vst v63  }
0x9e: {  	v3 =	vld [tilespmem:$0x60];
	_ =	sdelay $0x4  }
0x9f: {  	v62 =	vshll.u32 v3, $0x3  }
0xa0: {  	v3 =	vand.u32 $0x7, v3;
	v4 =	vand.u32 $0xFFFFFFC0, v62  }
0xa1: {  	v3 =	vor.u32 v3, v4  }
0xa2: {  	v4 =	vperm.xlane v3, v0;
	_ =	sdelay $0x1  }
0xa3: {  	v4 =	vadd.s32 v1, v4;
	_ =	sdelay $0x4  }
0xa4: {  	[tilespmem:s12], [sflag:$0x1] =	stream.indirect_vreg.gather [hbm4b:s3+s2], $0x80, v4, vm0, $0xb8;
	[tilespmem:$0x10080] =	vst v63  }
0xa5: {  	v3 =	vperm.xlane v3, v2  }
0xa6: {  	[tilespmem:s13], [sflag:$0x1] =	stream.indirect_vreg.gather [hbm4b:s4+s2], $0x80, v4, vm0, $0xb8;
	[tilespmem:$0x10080] =	vst v63  }
0xa7: {  	v3 =	vadd.s32 v1, v3  }
0xa8: {  	[tilespmem:s14], [sflag:$0x1] =	stream.indirect_vreg.gather [hbm4b:s5+s2], $0x80, v4, vm0, $0xb8;
	[tilespmem:$0x10080] =	vst v63  }
0xa9: {  	_ = 	snop  }
0xaa: {  	[tilespmem:s15], [sflag:$0x1] =	stream.indirect_vreg.gather [hbm4b:s6+s2], $0x80, v4, vm0, $0xb8;
	[tilespmem:$0x10080] =	vst v63  }
0xab: {  	_ = 	snop  }
0xac: {  	[tilespmem:s16], [sflag:$0x1] =	stream.indirect_vreg.gather [hbm4b:s3+s2], $0x80, v3, vm0, $0xb8;
	[tilespmem:$0x10080] =	vst v63  }
0xad: {  	_ = 	snop  }
0xae: {  	[tilespmem:s17], [sflag:$0x1] =	stream.indirect_vreg.gather [hbm4b:s4+s2], $0x80, v3, vm0, $0xb8;
	[tilespmem:$0x10080] =	vst v63  }
0xaf: {  	_ = 	snop  }
0xb0: {  	[tilespmem:s9], [sflag:$0x1] =	stream.indirect_vreg.gather [hbm4b:s5+s2], $0x80, v3, vm0, $0xb8;
	[tilespmem:$0x10080] =	vst v63  }
0xb1: {  	s19 =	simm.s32 $0xB880  }
0xb2: {  	[tilespmem:s19], [sflag:$0x1] =	stream.indirect_vreg.gather [hbm4b:s6+s2], $0x80, v3, vm0, $0xb8;
	[tilespmem:$0x10080] =	vst v63  }
0xb3: {  	v3 =	vld [tilespmem:$0x70];
	_ =	sdelay $0x4  }
0xb4: {  	v63 =	vshll.u32 v3, $0x3  }
0xb5: {  	v3 =	vand.u32 $0x7, v3;
	v4 =	vand.u32 $0xFFFFFFC0, v63  }
0xb6: {  	v3 =	vor.u32 v3, v4  }
0xb7: {  	v4 =	vperm.xlane v3, v0;
	_ =	sdelay $0x1  }
0xb8: {  	v4 =	vadd.s32 v1, v4;
	_ =	sdelay $0x3  }
0xb9: {  	s19 =	simm.s32 $0xC080  }
0xba: {  	[tilespmem:s19], [sflag:$0x1] =	stream.indirect_vreg.gather [hbm4b:s3+s2], $0x80, v4, vm0, $0xb8;
	[tilespmem:$0x10080] =	vst v63  }
0xbb: {  	v3 =	vperm.xlane v3, v2;
	s19 =	simm.s32 $0xC880  }
0xbc: {  	[tilespmem:s19], [sflag:$0x1] =	stream.indirect_vreg.gather [hbm4b:s4+s2], $0x80, v4, vm0, $0xb8;
	[tilespmem:$0x10080] =	vst v63  }
0xbd: {  	v3 =	vadd.s32 v1, v3;
	s19 =	simm.s32 $0xD080  }
0xbe: {  	[tilespmem:s19], [sflag:$0x1] =	stream.indirect_vreg.gather [hbm4b:s5+s2], $0x80, v4, vm0, $0xb8;
	[tilespmem:$0x10080] =	vst v63  }
0xbf: {  	s19 =	simm.s32 $0xD880  }
0xc0: {  	[tilespmem:s19], [sflag:$0x1] =	stream.indirect_vreg.gather [hbm4b:s6+s2], $0x80, v4, vm0, $0xb8;
	[tilespmem:$0x10080] =	vst v63  }
0xc1: {  	s19 =	simm.s32 $0xE080  }
0xc2: {  	[tilespmem:s19], [sflag:$0x1] =	stream.indirect_vreg.gather [hbm4b:s3+s2], $0x80, v3, vm0, $0xb8;
	[tilespmem:$0x10080] =	vst v63  }
0xc3: {  	s19 =	simm.s32 $0xE880  }
0xc4: {  	[tilespmem:s19], [sflag:$0x1] =	stream.indirect_vreg.gather [hbm4b:s4+s2], $0x80, v3, vm0, $0xb8;
	[tilespmem:$0x10080] =	vst v63  }
0xc5: {  	s19 =	simm.s32 $0xF080  }
0xc6: {  	[tilespmem:s19], [sflag:$0x1] =	stream.indirect_vreg.gather [hbm4b:s5+s2], $0x80, v3, vm0, $0xb8;
	[tilespmem:$0x10080] =	vst v63  }
0xc7: {  	s19 =	simm.s32 $0xF880  }
0xc8: {  	[tilespmem:s19], [sflag:$0x1] =	stream.indirect_vreg.gather [hbm4b:s6+s2], $0x80, v3, vm0, $0xb8;
	[tilespmem:$0x10080] =	vst v63  }
0xc9: {  	_ =	swait.ge [sflag:s18], $0x10000  }
0xca: {  	p0 =	sne.s32 s7, $0x1;
	[sflag:s18] =	ssyncset.done $0x0  }
.Ltmp0:
0xcb: {  	s1 =	rddreg [dreg:$0x5];
	[sflag:s18] =	ssyncadd.s32 $0xFFFF0000;
	(pc) =	sbr.rel @p0 .LBB2_1-.Ltmp0, $4  }
0xcc: {  	[hbm4b:s1+s2] =	stream.linear.scatter [tilespmem:s0], [sflag:$0x2], $0x10000, $0x38;
	[tilespmem:$0x10080] =	vst v63  }
0xcd: {  	_ =	swait.ge [sflag:s8], $0x10000  }
0xce: {  	[sflag:s8] =	ssyncset.done $0x0  }
0xcf: {  	s7 =	sadd.s32 $0xFFFFFFFF, s7;
	[sflag:s8] =	ssyncadd.s32 $0xFFFF0000  }
0xd0: {  	_ =	sfence.sel $0x180000  }
0xd1: {  	[bflag:$0x0] =	sbarrier.arrive $0xFFFF  }
0xd2: {  	_ =	strace $0x9000004A  }
0xd3: {  	s0 =	stileid.u32;
	[bflag:$0x2] =	sbarrier.arrive $0xFFFF  }
0xd4: {  	p0 =	sne.s32 s0, $0x0;
	s0 =	rddreg [dreg:$0x2]  }
0xd5: {  	s0 =	sadd.s32 @!p0 $0x100000, s0  }
0xd6: {  	[sflag:s0] =	ssyncadd.tile.s32 @!p0 $0x1;
	_ =	shalt  }
.Lfunc_end2:
_tile_overlayer_lowered:
.L_overlay_start_2:
0xd7: {  	(tag) =	ssettag $0x2  }
0xd8: {  	s0 =	rddreg [dreg:$0x0];
	s2 =	stileid.u32  }
0xd9: {  	s1 =	rddreg [dreg:$0x1];
	p0 =	sne.s32 s2, $0x0  }
0xda: {  	s3 =	rddreg [dreg:$0x2];
	[bflag:$0x3] =	sbarrier.arrive $0xFFFF;
	s2 =	simm.s32 @!p0 $0x1C02  }
0xdb: {  	[timem:s3], [sflag:s2] =	dma.local @!p0 [hbm:s0], s1  }
0xdc: {  	s0 =	simm.s32 @!p0 $0x2  }
0xdd: {  	_ =	swait.ge @!p0 [sflag:s0], s1  }
0xde: {  	s1 =	ssub.s32 @!p0 $0x0, s1;
	[sflag:s0] =	ssyncset.done @!p0 $0x0  }
0xdf: {  	[sflag:s0] =	ssyncadd.s32 @!p0 s1  }
0xe0: {  	[bflag:$0x3] =	sbarrier.arrive $0xFFFF  }
0xe1: {  	_ =	shalt  }

// kernel: kernel.7.cloned.1.call-start
scs
__scs_entry_jumppad:
0x0: {  	(pc) =	sbr.rel $0x88, $3  }
0x1: {  	(tag) =	ssettag $0x0;
	lr =	simm.s32 $0x1  }
0x2: {  	[smem:$0x3F9B] =	sst lr;
	_ =	strace $0xD0000000  }
0x3: {  	_ = 	snop  }
0x4: {  	_ = 	snop  }
0x5: {  	_ = 	snop  }
0x6: {  	_ = 	snop  }
0x7: {  	_ = 	snop  }
__scs_overlays_trampoline_lowered:
0x8: {  	[smem:$0x3FAA] =	sst s0  }
0x9: {  	[smem:$0x3FAB] =	sst s1  }
0xa: {  	[smem:$0x3FAC] =	sst s2  }
0xb: {  	[smem:$0x3FAD] =	sst s3  }
0xc: {  	[smem:$0x3FAE] =	sst s4  }
0xd: {  	[smem:$0x3FAF] =	sst s5  }
0xe: {  	[smem:$0x3FB0] =	sst s6  }
0xf: {  	[smem:$0x3FB1] =	sst s7  }
0x10: {  	[smem:$0x3FB2] =	sst s8  }
0x11: {  	[smem:$0x3FB3] =	sst s9;
	s0 =	simm.s32 @!p0 $0x0  }
0x12: {  	s1 =	sld [smem:$0x3F99];
	s0 =	simm.s32 @p0 $0x1  }
0x13: {  	[smem:$0x3FB4] =	sst s0;
	s0 =	simm.s32 @!p1 $0x0  }
0x14: {  	s2 =	sld [smem:$0x3F98];
	s0 =	simm.s32 @p1 $0x1  }
0x15: {  	[smem:$0x3FB5] =	sst s0;
	s0 =	simm.s32 @!p2 $0x0  }
0x16: {  	s3 =	sld [smem:$0x3FDB];
	s0 =	simm.s32 @p2 $0x1  }
0x17: {  	s4 =	simm.s32 $0x1BF5;
	[smem:$0x3FB7] =	sst s0  }
0x18: {  	s0 =	sld [smem:$0x3F9A];
	_ =	swait.ge [sflag:s4], $0x0  }
0x19: {  	s7 =	sld [smem:$0x3F9B]  }
0x1a: {  	s8 =	sadd.s32 $0xFFFFE003, lr  }
0x1b: {  	s9 =	sadd.s32 $0xFFFFFEF7, lr;
	s5 =	simm.s32 $0xFFFFFFFF;
	p2 =	slt.u32 s8, $0xFFFFF086  }
0x1c: {  	p1 =	slt.u32 s9, $0xF7A;
	s5 =	simm.s32 @!p2 $0x0  }
0x1d: {  	s5 =	simm.s32 @p1 $0x1;
	p0 =	seq.s32 s7, s2  }
0x1e: {  	s7 =	smul.u32 @!p0 $0xF7A, s2;
	p2 =	seq.s32 @!p0 s5, $0x0  }
0x1f: {  	s9 =	smul.u32 $0xF7A, s1;
	s8 =	simm.s32 @!p0 $0x1BF5;
	p2 =	por !p2, p0  }
0x20: {  	[sflag:s8] =	ssyncset.s32 @!p0 $0xFFFFF086;
	s6 =	sadd.s32 @!p0 s3, s7;
	s7 =	simm.s32 @!p0 $0x108  }
0x21: {  	s3 =	sadd.s32 s3, s9;
	s6 =	sadd.s32 @!p0 $0x88, s6;
	s7 =	simm.s32 @p2 $0x1082  }
0x22: {  	[simem:s7], [sflag:s8] =	dma.local @!p0 [hbm:s6], $0xF7A  }
0x23: {  	s9 =	sor.u32 $0xD0000000, s2;
	s6 =	simm.s32 $0x108;
	_ =	swait.ge @!p0 [sflag:s8], $0x0  }
0x24: {  	s3 =	sadd.s32 $0x88, s3;
	s6 =	simm.s32 @!p1 $0x1082;
	[sflag:s4] =	ssyncset.s32 $0xFFFFF086  }
0x25: {  	[simem:s6], [sflag:s4] =	dma.local [hbm:s3], $0xF7A  }
0x26: {  	[smem:$0x3F9B] =	sst s1;
	(tag) =	ssettag s2;
	_ =	strace s9  }
0x27: {  	s1 =	sld [smem:$0x3FAB]  }
0x28: {  	s2 =	sld [smem:$0x3FAC]  }
0x29: {  	s4 =	sld [smem:$0x3FAE]  }
0x2a: {  	p0 =	seq.s32 s5, $0x0;
	s5 =	sld [smem:$0x3FAF]  }
0x2b: {  	s6 =	sld [smem:$0x3FB0]  }
0x2c: {  	s7 =	sld [smem:$0x3FB1]  }
0x2d: {  	s3 =	simm.s32 $0x108;
	s8 =	sld [smem:$0x3FB2]  }
0x2e: {  	s3 =	simm.s32 @!p0 $0x1082;
	s9 =	sld [smem:$0x3FB3]  }
0x2f: {  	lr =	sadd.s32 s0, s3;
	s0 =	sld [smem:$0x3FAA]  }
0x30: {  	s3 =	sld [smem:$0x3FAD]  }
0x31: {  	[smem:$0x3FB6] =	sst s10  }
0x32: {  	s10 =	sld [smem:$0x3FB4];
	_ =	sdelay $0x3  }
0x33: {  	p0 =	seq.s32 s10, $0x1;
	s10 =	sld [smem:$0x3FB6];
	_ =	sdelay $0x3  }
0x34: {  	[smem:$0x3FB6] =	sst s10  }
0x35: {  	s10 =	sld [smem:$0x3FB5];
	_ =	sdelay $0x3  }
0x36: {  	p1 =	seq.s32 s10, $0x1;
	s10 =	sld [smem:$0x3FB6];
	_ =	sdelay $0x3  }
0x37: {  	[smem:$0x3FB6] =	sst s10  }
0x38: {  	s10 =	sld [smem:$0x3FB7]  }
0x39: {  	_ = 	snop;
	(pc) =	sbr.ind lr, $3  }
0x3a: {  	_ = 	snop  }
0x3b: {  	_ = 	snop  }
0x3c: {  	p2 =	seq.s32 s10, $0x1;
	s10 =	sld [smem:$0x3FB6]  }
0x3d: {  	_ =	shalt  }
0x3e: {  	_ =	shalt  }
0x3f: {  	_ =	shalt  }
0x40: {  	_ =	shalt  }
0x41: {  	_ =	shalt  }
0x42: {  	_ =	shalt  }
0x43: {  	_ =	shalt  }
0x44: {  	_ =	shalt  }
0x45: {  	_ =	shalt  }
0x46: {  	_ =	shalt  }
0x47: {  	_ =	shalt  }
0x48: {  	_ =	shalt  }
0x49: {  	_ =	shalt  }
0x4a: {  	_ =	shalt  }
0x4b: {  	_ =	shalt  }
0x4c: {  	_ =	shalt  }
0x4d: {  	_ =	shalt  }
0x4e: {  	_ =	shalt  }
0x4f: {  	_ =	shalt  }
0x50: {  	_ =	shalt  }
0x51: {  	_ =	shalt  }
0x52: {  	_ =	shalt  }
0x53: {  	_ =	shalt  }
0x54: {  	_ =	shalt  }
0x55: {  	_ =	shalt  }
0x56: {  	_ =	shalt  }
0x57: {  	_ =	shalt  }
0x58: {  	_ =	shalt  }
0x59: {  	_ =	shalt  }
0x5a: {  	_ =	shalt  }
0x5b: {  	_ =	shalt  }
0x5c: {  	_ =	shalt  }
0x5d: {  	_ =	shalt  }
0x5e: {  	_ =	shalt  }
0x5f: {  	_ =	shalt  }
0x60: {  	_ =	shalt  }
0x61: {  	_ =	shalt  }
0x62: {  	_ =	shalt  }
0x63: {  	_ =	shalt  }
0x64: {  	_ =	shalt  }
0x65: {  	_ =	shalt  }
0x66: {  	_ =	shalt  }
0x67: {  	_ =	shalt  }
0x68: {  	_ =	shalt  }
0x69: {  	_ =	shalt  }
0x6a: {  	_ =	shalt  }
0x6b: {  	_ =	shalt  }
0x6c: {  	_ =	shalt  }
0x6d: {  	_ =	shalt  }
0x6e: {  	_ =	shalt  }
0x6f: {  	_ =	shalt  }
0x70: {  	_ =	shalt  }
0x71: {  	_ =	shalt  }
0x72: {  	_ =	shalt  }
0x73: {  	_ =	shalt  }
0x74: {  	_ =	shalt  }
0x75: {  	_ =	shalt  }
0x76: {  	_ =	shalt  }
0x77: {  	_ =	shalt  }
0x78: {  	_ =	shalt  }
0x79: {  	_ =	shalt  }
0x7a: {  	_ =	shalt  }
0x7b: {  	_ =	shalt  }
0x7c: {  	_ =	shalt  }
0x7d: {  	_ =	shalt  }
0x7e: {  	_ =	shalt  }
0x7f: {  	_ =	shalt  }
0x80: {  	_ =	shalt  }
0x81: {  	_ =	shalt  }
0x82: {  	_ =	shalt  }
0x83: {  	_ =	shalt  }
0x84: {  	_ =	shalt  }
0x85: {  	_ =	shalt  }
0x86: {  	_ =	shalt  }
0x87: {  	_ =	shalt  }
.Lfunc_end0:
.L_simem_size_0:
called_computation_lowered:
.L_overlay_start_0:
0x88: {  	s2 =	sld [smem:$0x3FD9]  }
0x89: {  	s3 =	sld [smem:$0x3FFE];
	_ =	sdelay $0x1  }
0x8a: {  	s1 =	srdreg.scid  }
0x8b: {  	s0 =	sand.u32 $0x1, s1  }
0x8c: {  	s17 =	sshll.u32 s0, $0xA;
	s2 =	sadd.s32 s3, s2  }
0x8d: {  	s2 =	sadd.s32 s2, s17  }
0x8e: {  	[smem:$0x3FC2] =	sst s2  }
0x8f: {  	_ = 	snop  }
0x90: {  	s2 =	sld [smem:$0x3FC9]  }
0x91: {  	s18 =	sld [smem:$0x3FD0];
	(tm) =	ssettm $0x1  }
0x92: {  	s4 =	sld [smem:$0x3FFB];
	_ =	sdelay $0x3  }
0x93: {  	_ =	strace s4  }
0x94: {  	s4 =	sld [smem:$0x3FFC];
	_ =	sdelay $0x3  }
0x95: {  	_ =	strace s4  }
0x96: {  	s4 =	sld [smem:$0x3FFD];
	_ =	sdelay $0x3  }
0x97: {  	_ =	strace s4  }
0x98: {  	_ =	strace $0x8FFFFFFF  }
0x99: {  	s19 =	sld [smem:$0x3FDB];
	_ =	sdelay $0x1  }
0x9a: {  	s5 =	simm.s32 $_scs_section_size  }
0x9b: {  	s6 =	simm.s32 $_size__tile_overlayer_lowered;
	s7 =	simm.s32 $_tile_overlayer_lowered  }
0x9c: {  	s22 =	simm.s32 $0x1BFF;
	s21 =	sshll.u32 s7, $0x1;
	s4 =	sadd.s32 s5, s19  }
0x9d: {  	s8 =	simm.s32 $0x0;
	s20 =	sshll.u32 s6, $0x1;
	s6 =	sadd.s32 s21, s4  }
0x9e: {  	[timem:s8], [sflag:s22] =	dma.local [hbm:s6], s20  }
0x9f: {  	_ =	swait.ge [sflag:s22], s20  }
0xa0: {  	s5 =	ssub.s32 $0x0, s20;
	[sflag:s22] =	ssyncset.done $0x0  }
0xa1: {  	[sflag:s22] =	ssyncadd.s32 s5;
	_ =	sdelay $0x1  }
0xa2: {  	s23 =	simm.s32 $0x1B8B  }
0xa3: {  	_ =	swait.ge [sflag:s23], $0x1  }
0xa4: {  	[sflag:s23] =	ssyncset.done $0x0  }
0xa5: {  	s25 =	simm.s32 $0x1B8E;
	s24 =	sld [smem:$0x3FFE];
	[sflag:s23] =	ssyncadd.s32 $0xFFFFFFFF  }
0xa6: {  	s26 =	simm.s32 $execute0_lowered;
	[smem:$0x3FD2] =	sst s25  }
0xa7: {  	s6 =	sshll.u32 s26, $0x1;
	_ =	strace $0x80000046;
	[dreg:$0x1] =	wrdreg $0xFFFFFFFF  }
0xa8: {  	s28 =	simm.s32 $_size_execute0_lowered;
	s4 =	sadd.s32 s4, s6;
	[dreg:$0x0] =	wrdreg $0x0  }
0xa9: {  	s6 =	sshll.u32 s28, $0x1;
	[dreg:$0x2] =	wrdreg s4  }
0xaa: {  	[dreg:$0x3] =	wrdreg s6  }
0xab: {  	[dreg:$0x4] =	wrdreg $0xC0  }
0xac: {  	_ =	task [dreg:s8], $0x5FFFF  }
0xad: {  	[dreg:$0x1] =	wrdreg $0xFFFFFFFF  }
0xae: {  	[dreg:$0x0] =	wrdreg $0x60  }
0xaf: {  	[dreg:$0x2] =	wrdreg s2  }
0xb0: {  	[dreg:$0x3] =	wrdreg s18  }
0xb1: {  	[dreg:$0x4] =	wrdreg s24  }
0xb2: {  	[dreg:$0x5] =	wrdreg $0x9  }
0xb3: {  	_ =	task.clear_ibuf [dreg:s8], $0x6FFFF;
	_ =	strace $0x90000046  }
0xb4: {  	s29 =	simm.s32 $0x9;
	_ =	strace $0x80000048  }
0xb5: {  	_ =	swait.ge [sflag:s29], $0x1  }
0xb6: {  	[sflag:s29] =	ssyncadd.s32 $0xFFFFFFFF  }
0xb7: {  	_ =	strace $0x90000048  }
0xb8: {  	_ =	sfence  }
0xb9: {  	s30 =	sld [smem:$0x0];
	_ =	sdelay $0x2  }
0xba: {  	s31 =	sshll.u32 s1, $0xD;
	s1 =	sshrl.u32 s1, $0x2  }
0xbb: {  	s3 =	sand.u32 $0x4000, s31;
	s1 =	sadd.s32 s1, s30  }
0xbc: {  	s0 =	sor.u32 s3, s0;
	s1 =	sshll.u32 s1, $0x11  }
0xbd: {  	s0 =	sor.u32 s1, s0  }
0xbe: {  	s0 =	sadd.s32 $0x8F2B, s0  }
0xbf: {  	[sflag:s0] =	ssyncadd.remote.s32 $0x1  }
0xc0: {  	_ =	sfence.sel $0xFFFF  }
0xc1: {  	[dreg:$0x0] =	wrdreg $0xFFFFFFFF;
	(pc) =	sbr.abs _section_cstart, $3  }
0xc2: {  	[dreg:$0x1] =	wrdreg $0xFFFFFFFF  }
0xc3: {  	_ =	task.clear_ibuf [dreg:s8], $0x2FFFF;
	_ =	strace $0x9FFFFFFF  }
0xc4: {  	(tm) =	ssettm $0x7FFFFFFF  }
0xc5: {  	_ =	shalt  }
tec
execute0_lowered:
.L_overlay_start_1:
0x0: {  	(tag) =	ssettag $0x1  }
0x1: {  	s0 =	srdreg.scid;
	s4 =	rddreg [dreg:$0x0]  }
0x2: {  	s6 =	stileid.u32;
	s5 =	rddreg [dreg:$0x1];
	s3 =	simm.s32 $0x1  }
0x3: {  	s7 =	rddreg [dreg:$0x2];
	s2 =	simm.s32 $0x0;
	s26 =	simm.s32 $0x80  }
0x4: {  	s20 =	simm.s32 $0x100;
	s23 =	simm.s32 $0x1900;
	s24 =	simm.s32 $0x2100  }
0x5: {  	s25 =	simm.s32 $0x2900;
	s28 =	simm.s32 $0x3900;
	s29 =	simm.s32 $0x4100  }
0x6: {  	s30 =	simm.s32 $0x4900;
	s31 =	simm.s32 $0x5100;
	s11 =	simm.s32 $0x6900  }
0x7: {  	s12 =	simm.s32 $0x7100;
	s13 =	simm.s32 $0x7900;
	s14 =	simm.s32 $0x8100  }
0x8: {  	s15 =	simm.s32 $0x8900;
	s0 =	sand.u32 $0x1, s0;
	s1 =	sshll.u32 s6, $0x1  }
0x9: {  	s16 =	simm.s32 $0x9100;
	s17 =	simm.s32 $0x9900;
	s1 =	sor.u32 s0, s1  }
0xa: {  	s18 =	simm.s32 $0xA100;
	p1 =	seq.s32 s0, $0x1;
	p0 =	seq.s32 s1, $0x0  }
0xb: {  	s19 =	simm.s32 $0xA900;
	s10 =	simm.s32 $0xB900;
	p0 =	por !p0, !p1  }
0xc: {  	[smem:$0x7FF] =	sst s2;
	s8 =	sshll.u32 s0, $0x6;
	p0 =	por !p0, !p0  }
0xd: {  	_ =	strace $0x80000047;
	s0 =	ssub.s32 $0x2, s0;
	s3 =	simm.s32 @!p0 $0x0  }
0xe: {  	[dreg:$0x7] =	wrdreg s26;
	s26 =	simm.s32 $0x3100;
	s3 =	ssub.s32 s6, s3  }
0xf: {  	s9 =	sshrl.u32 s0, $0x1;
	s1 =	sshll.u32 s1, $0xD;
	s6 =	sshll.u32 s3, $0x7  }
0x10: {  	s0 =	ssub.s32 s0, s9;
	s1 =	sadd.s32 s4, s1;
	s6 =	sor.u32 s8, s6  }
0x11: {  	s9 =	simm.s32 $0x3;
	s4 =	simm.s32 $0xB100;
	s8 =	sshrl.u32 s6, $0x3  }
0x12: {  	[dreg:$0x6] =	wrdreg s1;
	s6 =	sadd.s32 $0x800, s6;
	s8 =	sadd.s32 s5, s8  }
0x13: {  	v2 =	vlaneseq.u32;
	s3 =	sadd.s32 $0x1200, s7;
	s6 =	sshrl.u32 s6, $0x3;
	[dreg:$0x4] =	wrdreg s8  }
0x14: {  	vm0 =	vmmov $0xffff;
	v1 =	vshrl.u32 v2, $0x3;
	s5 =	sadd.s32 s5, s6;
	s6 =	sadd.s32 $0x1400, s7;
	s8 =	smax.u32 s0, $0x1  }
0x15: {  	v0 =	vand.u32 $0x7, v2;
	v2 =	vor.u32 $0x8, v2;
	v1 =	vmul.u32 $0x8, v1;
	[dreg:$0x5] =	wrdreg s5;
	s5 =	sadd.s32 $0x1300, s7;
	s7 =	sadd.s32 $0x1500, s7  }
.LBB2_1:
0x16: {  	s21 =	rddreg [dreg:$0x4]  }
0x17: {  	[tilespmem:s2], [sflag:$0x3] =	stream.linear.gather [hbm4b:s21+s2], $0x40, $0x38;
	[tilespmem:$0x10100] =	vst v63  }
0x18: {  	_ =	swait.ge [sflag:s9], $0x40  }
0x19: {  	s0 =	rddreg [dreg:$0x5];
	[sflag:s9] =	ssyncset.done $0x0  }
0x1a: {  	s22 =	rddreg [dreg:$0x7];
	[sflag:s9] =	ssyncadd.s32 $0xFFFFFFC0  }
0x1b: {  	[tilespmem:s22], [sflag:$0x3] =	stream.linear.gather [hbm4b:s0+s2], $0x40, $0x38;
	[tilespmem:$0x10100] =	vst v63  }
0x1c: {  	_ =	swait.ge [sflag:s9], $0x40  }
0x1d: {  	[sflag:s9] =	ssyncset.done $0x0  }
0x1e: {  	s1 =	rddreg [dreg:$0x6];
	[sflag:s9] =	ssyncadd.s32 $0xFFFFFFC0  }
0x1f: {  	[tilespmem:s20], [sflag:$0x3] =	stream.linear.gather [hbm4b:s1+s2], $0x10000, $0x38;
	[tilespmem:$0x10100] =	vst v63  }
0x20: {  	_ =	swait.ge [sflag:s9], $0x10000  }
0x21: {  	[sflag:s9] =	ssyncset.done $0x0  }
0x22: {  	[sflag:s9] =	ssyncadd.s32 $0xFFFF0000  }
0x23: {  	v3 =	vld [tilespmem:$0x0];
	_ =	sdelay $0x4  }
0x24: {  	v4 =	vshll.u32 v3, $0x3  }
0x25: {  	v3 =	vand.u32 $0x7, v3;
	v4 =	vand.u32 $0xFFFFFFC0, v4  }
0x26: {  	v3 =	vor.u32 v3, v4  }
0x27: {  	v4 =	vperm.xlane v3, v0;
	_ =	sdelay $0x1  }
0x28: {  	v4 =	vadd.s32 v1, v4;
	_ =	sdelay $0x4  }
0x29: {  	[hbm4b:s3+s2] =	stream.indirect_vreg.scatter [tilespmem:s20], [sflag:$0x1], $0x80, v4, vm0, $0xb8;
	[tilespmem:$0x10100] =	vst v63  }
0x2a: {  	s21 =	simm.s32 $0x900;
	v3 =	vperm.xlane v3, v2  }
0x2b: {  	[hbm4b:s5+s2] =	stream.indirect_vreg.scatter [tilespmem:s21], [sflag:$0x1], $0x80, v4, vm0, $0xb8;
	[tilespmem:$0x10100] =	vst v63  }
0x2c: {  	s22 =	simm.s32 $0x1100;
	v3 =	vadd.s32 v1, v3  }
0x2d: {  	[hbm4b:s6+s2] =	stream.indirect_vreg.scatter [tilespmem:s22], [sflag:$0x1], $0x80, v4, vm0, $0xb8;
	[tilespmem:$0x10100] =	vst v63  }
0x2e: {  	_ = 	snop  }
0x2f: {  	[hbm4b:s7+s2] =	stream.indirect_vreg.scatter [tilespmem:s23], [sflag:$0x1], $0x80, v4, vm0, $0xb8;
	[tilespmem:$0x10100] =	vst v63  }
0x30: {  	_ = 	snop  }
0x31: {  	[hbm4b:s3+s2] =	stream.indirect_vreg.scatter [tilespmem:s24], [sflag:$0x1], $0x80, v3, vm0, $0xb8;
	[tilespmem:$0x10100] =	vst v63  }
0x32: {  	_ = 	snop  }
0x33: {  	[hbm4b:s5+s2] =	stream.indirect_vreg.scatter [tilespmem:s25], [sflag:$0x1], $0x80, v3, vm0, $0xb8;
	[tilespmem:$0x10100] =	vst v63  }
0x34: {  	_ = 	snop  }
0x35: {  	[hbm4b:s6+s2] =	stream.indirect_vreg.scatter [tilespmem:s26], [sflag:$0x1], $0x80, v3, vm0, $0xb8;
	[tilespmem:$0x10100] =	vst v63  }
0x36: {  	_ = 	snop  }
0x37: {  	[hbm4b:s7+s2] =	stream.indirect_vreg.scatter [tilespmem:s28], [sflag:$0x1], $0x80, v3, vm0, $0xb8;
	[tilespmem:$0x10100] =	vst v63  }
0x38: {  	v3 =	vld [tilespmem:$0x10];
	_ =	sdelay $0x4  }
0x39: {  	v57 =	vshll.u32 v3, $0x3  }
0x3a: {  	v3 =	vand.u32 $0x7, v3;
	v4 =	vand.u32 $0xFFFFFFC0, v57  }
0x3b: {  	v3 =	vor.u32 v3, v4  }
0x3c: {  	v4 =	vperm.xlane v3, v0;
	_ =	sdelay $0x1  }
0x3d: {  	v4 =	vadd.s32 v1, v4;
	_ =	sdelay $0x4  }
0x3e: {  	[hbm4b:s3+s2] =	stream.indirect_vreg.scatter [tilespmem:s29], [sflag:$0x1], $0x80, v4, vm0, $0xb8;
	[tilespmem:$0x10100] =	vst v63  }
0x3f: {  	v3 =	vperm.xlane v3, v2  }
0x40: {  	[hbm4b:s5+s2] =	stream.indirect_vreg.scatter [tilespmem:s30], [sflag:$0x1], $0x80, v4, vm0, $0xb8;
	[tilespmem:$0x10100] =	vst v63  }
0x41: {  	v3 =	vadd.s32 v1, v3  }
0x42: {  	[hbm4b:s6+s2] =	stream.indirect_vreg.scatter [tilespmem:s31], [sflag:$0x1], $0x80, v4, vm0, $0xb8;
	[tilespmem:$0x10100] =	vst v63  }
0x43: {  	s1 =	simm.s32 $0x5900  }
0x44: {  	[hbm4b:s7+s2] =	stream.indirect_vreg.scatter [tilespmem:s1], [sflag:$0x1], $0x80, v4, vm0, $0xb8;
	[tilespmem:$0x10100] =	vst v63  }
0x45: {  	s0 =	simm.s32 $0x6100  }
0x46: {  	[hbm4b:s3+s2] =	stream.indirect_vreg.scatter [tilespmem:s0], [sflag:$0x1], $0x80, v3, vm0, $0xb8;
	[tilespmem:$0x10100] =	vst v63  }
0x47: {  	_ = 	snop  }
0x48: {  	[hbm4b:s5+s2] =	stream.indirect_vreg.scatter [tilespmem:s11], [sflag:$0x1], $0x80, v3, vm0, $0xb8;
	[tilespmem:$0x10100] =	vst v63  }
0x49: {  	_ = 	snop  }
0x4a: {  	[hbm4b:s6+s2] =	stream.indirect_vreg.scatter [tilespmem:s12], [sflag:$0x1], $0x80, v3, vm0, $0xb8;
	[tilespmem:$0x10100] =	vst v63  }
0x4b: {  	_ = 	snop  }
0x4c: {  	[hbm4b:s7+s2] =	stream.indirect_vreg.scatter [tilespmem:s13], [sflag:$0x1], $0x80, v3, vm0, $0xb8;
	[tilespmem:$0x10100] =	vst v63  }
0x4d: {  	v3 =	vld [tilespmem:$0x20];
	_ =	sdelay $0x4  }
0x4e: {  	v58 =	vshll.u32 v3, $0x3  }
0x4f: {  	v3 =	vand.u32 $0x7, v3;
	v4 =	vand.u32 $0xFFFFFFC0, v58  }
0x50: {  	v3 =	vor.u32 v3, v4  }
0x51: {  	v4 =	vperm.xlane v3, v0;
	_ =	sdelay $0x1  }
0x52: {  	v4 =	vadd.s32 v1, v4;
	_ =	sdelay $0x4  }
0x53: {  	[hbm4b:s3+s2] =	stream.indirect_vreg.scatter [tilespmem:s14], [sflag:$0x1], $0x80, v4, vm0, $0xb8;
	[tilespmem:$0x10100] =	vst v63  }
0x54: {  	v3 =	vperm.xlane v3, v2  }
0x55: {  	[hbm4b:s5+s2] =	stream.indirect_vreg.scatter [tilespmem:s15], [sflag:$0x1], $0x80, v4, vm0, $0xb8;
	[tilespmem:$0x10100] =	vst v63  }
0x56: {  	v3 =	vadd.s32 v1, v3  }
0x57: {  	[hbm4b:s6+s2] =	stream.indirect_vreg.scatter [tilespmem:s16], [sflag:$0x1], $0x80, v4, vm0, $0xb8;
	[tilespmem:$0x10100] =	vst v63  }
0x58: {  	_ = 	snop  }
0x59: {  	[hbm4b:s7+s2] =	stream.indirect_vreg.scatter [tilespmem:s17], [sflag:$0x1], $0x80, v4, vm0, $0xb8;
	[tilespmem:$0x10100] =	vst v63  }
0x5a: {  	_ = 	snop  }
0x5b: {  	[hbm4b:s3+s2] =	stream.indirect_vreg.scatter [tilespmem:s18], [sflag:$0x1], $0x80, v3, vm0, $0xb8;
	[tilespmem:$0x10100] =	vst v63  }
0x5c: {  	_ = 	snop  }
0x5d: {  	[hbm4b:s5+s2] =	stream.indirect_vreg.scatter [tilespmem:s19], [sflag:$0x1], $0x80, v3, vm0, $0xb8;
	[tilespmem:$0x10100] =	vst v63  }
0x5e: {  	_ = 	snop  }
0x5f: {  	[hbm4b:s6+s2] =	stream.indirect_vreg.scatter [tilespmem:s4], [sflag:$0x1], $0x80, v3, vm0, $0xb8;
	[tilespmem:$0x10100] =	vst v63  }
0x60: {  	_ = 	snop  }
0x61: {  	[hbm4b:s7+s2] =	stream.indirect_vreg.scatter [tilespmem:s10], [sflag:$0x1], $0x80, v3, vm0, $0xb8;
	[tilespmem:$0x10100] =	vst v63  }
0x62: {  	v3 =	vld [tilespmem:$0x30];
	_ =	sdelay $0x4  }
0x63: {  	v59 =	vshll.u32 v3, $0x3  }
0x64: {  	v3 =	vand.u32 $0x7, v3;
	v4 =	vand.u32 $0xFFFFFFC0, v59  }
0x65: {  	v3 =	vor.u32 v3, v4  }
0x66: {  	v4 =	vperm.xlane v3, v0;
	_ =	sdelay $0x1  }
0x67: {  	v4 =	vadd.s32 v1, v4;
	_ =	sdelay $0x3  }
0x68: {  	s0 =	simm.s32 $0xC100  }
0x69: {  	[hbm4b:s3+s2] =	stream.indirect_vreg.scatter [tilespmem:s0], [sflag:$0x1], $0x80, v4, vm0, $0xb8;
	[tilespmem:$0x10100] =	vst v63  }
0x6a: {  	v3 =	vperm.xlane v3, v2;
	s0 =	simm.s32 $0xC900  }
0x6b: {  	[hbm4b:s5+s2] =	stream.indirect_vreg.scatter [tilespmem:s0], [sflag:$0x1], $0x80, v4, vm0, $0xb8;
	[tilespmem:$0x10100] =	vst v63  }
0x6c: {  	v3 =	vadd.s32 v1, v3;
	s0 =	simm.s32 $0xD100  }
0x6d: {  	[hbm4b:s6+s2] =	stream.indirect_vreg.scatter [tilespmem:s0], [sflag:$0x1], $0x80, v4, vm0, $0xb8;
	[tilespmem:$0x10100] =	vst v63  }
0x6e: {  	s0 =	simm.s32 $0xD900  }
0x6f: {  	[hbm4b:s7+s2] =	stream.indirect_vreg.scatter [tilespmem:s0], [sflag:$0x1], $0x80, v4, vm0, $0xb8;
	[tilespmem:$0x10100] =	vst v63  }
0x70: {  	s0 =	simm.s32 $0xE100  }
0x71: {  	[hbm4b:s3+s2] =	stream.indirect_vreg.scatter [tilespmem:s0], [sflag:$0x1], $0x80, v3, vm0, $0xb8;
	[tilespmem:$0x10100] =	vst v63  }
0x72: {  	s0 =	simm.s32 $0xE900  }
0x73: {  	[hbm4b:s5+s2] =	stream.indirect_vreg.scatter [tilespmem:s0], [sflag:$0x1], $0x80, v3, vm0, $0xb8;
	[tilespmem:$0x10100] =	vst v63  }
0x74: {  	s0 =	simm.s32 $0xF100  }
0x75: {  	[hbm4b:s6+s2] =	stream.indirect_vreg.scatter [tilespmem:s0], [sflag:$0x1], $0x80, v3, vm0, $0xb8;
	[tilespmem:$0x10100] =	vst v63  }
0x76: {  	s0 =	simm.s32 $0xF900  }
0x77: {  	[hbm4b:s7+s2] =	stream.indirect_vreg.scatter [tilespmem:s0], [sflag:$0x1], $0x80, v3, vm0, $0xb8;
	[tilespmem:$0x10100] =	vst v63  }
0x78: {  	v3 =	vld [tilespmem:$0x80];
	_ =	sdelay $0x4  }
0x79: {  	v60 =	vshll.u32 v3, $0x3  }
0x7a: {  	v3 =	vand.u32 $0x7, v3;
	v4 =	vand.u32 $0xFFFFFFC0, v60  }
0x7b: {  	v3 =	vor.u32 v3, v4  }
0x7c: {  	v4 =	vperm.xlane v3, v0;
	_ =	sdelay $0x1  }
0x7d: {  	v4 =	vadd.s32 v1, v4;
	_ =	sdelay $0x4  }
0x7e: {  	[hbm4b:s3+s2] =	stream.indirect_vreg.scatter [tilespmem:s20], [sflag:$0x2], $0x80, v4, vm0, $0xb8;
	[tilespmem:$0x10100] =	vst v63  }
0x7f: {  	v3 =	vperm.xlane v3, v2  }
0x80: {  	[hbm4b:s5+s2] =	stream.indirect_vreg.scatter [tilespmem:s21], [sflag:$0x2], $0x80, v4, vm0, $0xb8;
	[tilespmem:$0x10100] =	vst v63  }
0x81: {  	v3 =	vadd.s32 v1, v3  }
0x82: {  	[hbm4b:s6+s2] =	stream.indirect_vreg.scatter [tilespmem:s22], [sflag:$0x2], $0x80, v4, vm0, $0xb8;
	[tilespmem:$0x10100] =	vst v63  }
0x83: {  	_ = 	snop  }
0x84: {  	[hbm4b:s7+s2] =	stream.indirect_vreg.scatter [tilespmem:s23], [sflag:$0x2], $0x80, v4, vm0, $0xb8;
	[tilespmem:$0x10100] =	vst v63  }
0x85: {  	_ = 	snop  }
0x86: {  	[hbm4b:s3+s2] =	stream.indirect_vreg.scatter [tilespmem:s24], [sflag:$0x2], $0x80, v3, vm0, $0xb8;
	[tilespmem:$0x10100] =	vst v63  }
0x87: {  	_ = 	snop  }
0x88: {  	[hbm4b:s5+s2] =	stream.indirect_vreg.scatter [tilespmem:s25], [sflag:$0x2], $0x80, v3, vm0, $0xb8;
	[tilespmem:$0x10100] =	vst v63  }
0x89: {  	_ = 	snop  }
0x8a: {  	[hbm4b:s6+s2] =	stream.indirect_vreg.scatter [tilespmem:s26], [sflag:$0x2], $0x80, v3, vm0, $0xb8;
	[tilespmem:$0x10100] =	vst v63  }
0x8b: {  	_ = 	snop  }
0x8c: {  	[hbm4b:s7+s2] =	stream.indirect_vreg.scatter [tilespmem:s28], [sflag:$0x2], $0x80, v3, vm0, $0xb8;
	[tilespmem:$0x10100] =	vst v63  }
0x8d: {  	v3 =	vld [tilespmem:$0x90];
	_ =	sdelay $0x4  }
0x8e: {  	v61 =	vshll.u32 v3, $0x3  }
0x8f: {  	v3 =	vand.u32 $0x7, v3;
	v4 =	vand.u32 $0xFFFFFFC0, v61  }
0x90: {  	v3 =	vor.u32 v3, v4  }
0x91: {  	v4 =	vperm.xlane v3, v0;
	_ =	sdelay $0x1  }
0x92: {  	v4 =	vadd.s32 v1, v4;
	_ =	sdelay $0x4  }
0x93: {  	[hbm4b:s3+s2] =	stream.indirect_vreg.scatter [tilespmem:s29], [sflag:$0x2], $0x80, v4, vm0, $0xb8;
	[tilespmem:$0x10100] =	vst v63  }
0x94: {  	v3 =	vperm.xlane v3, v2  }
0x95: {  	[hbm4b:s5+s2] =	stream.indirect_vreg.scatter [tilespmem:s30], [sflag:$0x2], $0x80, v4, vm0, $0xb8;
	[tilespmem:$0x10100] =	vst v63  }
0x96: {  	v3 =	vadd.s32 v1, v3  }
0x97: {  	[hbm4b:s6+s2] =	stream.indirect_vreg.scatter [tilespmem:s31], [sflag:$0x2], $0x80, v4, vm0, $0xb8;
	[tilespmem:$0x10100] =	vst v63  }
0x98: {  	_ = 	snop  }
0x99: {  	[hbm4b:s7+s2] =	stream.indirect_vreg.scatter [tilespmem:s1], [sflag:$0x2], $0x80, v4, vm0, $0xb8;
	[tilespmem:$0x10100] =	vst v63  }
0x9a: {  	s21 =	simm.s32 $0x6100  }
0x9b: {  	[hbm4b:s3+s2] =	stream.indirect_vreg.scatter [tilespmem:s21], [sflag:$0x2], $0x80, v3, vm0, $0xb8;
	[tilespmem:$0x10100] =	vst v63  }
0x9c: {  	_ = 	snop  }
0x9d: {  	[hbm4b:s5+s2] =	stream.indirect_vreg.scatter [tilespmem:s11], [sflag:$0x2], $0x80, v3, vm0, $0xb8;
	[tilespmem:$0x10100] =	vst v63  }
0x9e: {  	_ = 	snop  }
0x9f: {  	[hbm4b:s6+s2] =	stream.indirect_vreg.scatter [tilespmem:s12], [sflag:$0x2], $0x80, v3, vm0, $0xb8;
	[tilespmem:$0x10100] =	vst v63  }
0xa0: {  	_ = 	snop  }
0xa1: {  	[hbm4b:s7+s2] =	stream.indirect_vreg.scatter [tilespmem:s13], [sflag:$0x2], $0x80, v3, vm0, $0xb8;
	[tilespmem:$0x10100] =	vst v63  }
0xa2: {  	v3 =	vld [tilespmem:$0xA0];
	_ =	sdelay $0x4  }
0xa3: {  	v62 =	vshll.u32 v3, $0x3  }
0xa4: {  	v3 =	vand.u32 $0x7, v3;
	v4 =	vand.u32 $0xFFFFFFC0, v62  }
0xa5: {  	v3 =	vor.u32 v3, v4  }
0xa6: {  	v4 =	vperm.xlane v3, v0;
	_ =	sdelay $0x1  }
0xa7: {  	v4 =	vadd.s32 v1, v4;
	_ =	sdelay $0x4  }
0xa8: {  	[hbm4b:s3+s2] =	stream.indirect_vreg.scatter [tilespmem:s14], [sflag:$0x2], $0x80, v4, vm0, $0xb8;
	[tilespmem:$0x10100] =	vst v63  }
0xa9: {  	v3 =	vperm.xlane v3, v2  }
0xaa: {  	[hbm4b:s5+s2] =	stream.indirect_vreg.scatter [tilespmem:s15], [sflag:$0x2], $0x80, v4, vm0, $0xb8;
	[tilespmem:$0x10100] =	vst v63  }
0xab: {  	v3 =	vadd.s32 v1, v3  }
0xac: {  	[hbm4b:s6+s2] =	stream.indirect_vreg.scatter [tilespmem:s16], [sflag:$0x2], $0x80, v4, vm0, $0xb8;
	[tilespmem:$0x10100] =	vst v63  }
0xad: {  	_ = 	snop  }
0xae: {  	[hbm4b:s7+s2] =	stream.indirect_vreg.scatter [tilespmem:s17], [sflag:$0x2], $0x80, v4, vm0, $0xb8;
	[tilespmem:$0x10100] =	vst v63  }
0xaf: {  	_ = 	snop  }
0xb0: {  	[hbm4b:s3+s2] =	stream.indirect_vreg.scatter [tilespmem:s18], [sflag:$0x2], $0x80, v3, vm0, $0xb8;
	[tilespmem:$0x10100] =	vst v63  }
0xb1: {  	_ = 	snop  }
0xb2: {  	[hbm4b:s5+s2] =	stream.indirect_vreg.scatter [tilespmem:s19], [sflag:$0x2], $0x80, v3, vm0, $0xb8;
	[tilespmem:$0x10100] =	vst v63  }
0xb3: {  	_ = 	snop  }
0xb4: {  	[hbm4b:s6+s2] =	stream.indirect_vreg.scatter [tilespmem:s4], [sflag:$0x2], $0x80, v3, vm0, $0xb8;
	[tilespmem:$0x10100] =	vst v63  }
0xb5: {  	_ = 	snop  }
0xb6: {  	[hbm4b:s7+s2] =	stream.indirect_vreg.scatter [tilespmem:s10], [sflag:$0x2], $0x80, v3, vm0, $0xb8;
	[tilespmem:$0x10100] =	vst v63  }
0xb7: {  	v3 =	vld [tilespmem:$0xB0];
	_ =	sdelay $0x4  }
0xb8: {  	v63 =	vshll.u32 v3, $0x3  }
0xb9: {  	v3 =	vand.u32 $0x7, v3;
	v4 =	vand.u32 $0xFFFFFFC0, v63  }
0xba: {  	v3 =	vor.u32 v3, v4  }
0xbb: {  	v4 =	vperm.xlane v3, v0;
	_ =	sdelay $0x1  }
0xbc: {  	v4 =	vadd.s32 v1, v4;
	_ =	sdelay $0x3  }
0xbd: {  	s22 =	simm.s32 $0xC100  }
0xbe: {  	[hbm4b:s3+s2] =	stream.indirect_vreg.scatter [tilespmem:s22], [sflag:$0x2], $0x80, v4, vm0, $0xb8;
	[tilespmem:$0x10100] =	vst v63  }
0xbf: {  	s21 =	simm.s32 $0xC900;
	v3 =	vperm.xlane v3, v2  }
0xc0: {  	[hbm4b:s5+s2] =	stream.indirect_vreg.scatter [tilespmem:s21], [sflag:$0x2], $0x80, v4, vm0, $0xb8;
	[tilespmem:$0x10100] =	vst v63  }
0xc1: {  	v3 =	vadd.s32 v1, v3;
	s22 =	simm.s32 $0xD100  }
0xc2: {  	[hbm4b:s6+s2] =	stream.indirect_vreg.scatter [tilespmem:s22], [sflag:$0x2], $0x80, v4, vm0, $0xb8;
	[tilespmem:$0x10100] =	vst v63  }
0xc3: {  	s21 =	simm.s32 $0xD900  }
0xc4: {  	[hbm4b:s7+s2] =	stream.indirect_vreg.scatter [tilespmem:s21], [sflag:$0x2], $0x80, v4, vm0, $0xb8;
	[tilespmem:$0x10100] =	vst v63  }
0xc5: {  	s22 =	simm.s32 $0xE100  }
0xc6: {  	[hbm4b:s3+s2] =	stream.indirect_vreg.scatter [tilespmem:s22], [sflag:$0x2], $0x80, v3, vm0, $0xb8;
	[tilespmem:$0x10100] =	vst v63  }
0xc7: {  	s21 =	simm.s32 $0xE900  }
0xc8: {  	[hbm4b:s5+s2] =	stream.indirect_vreg.scatter [tilespmem:s21], [sflag:$0x2], $0x80, v3, vm0, $0xb8;
	[tilespmem:$0x10100] =	vst v63  }
0xc9: {  	s22 =	simm.s32 $0xF100  }
0xca: {  	[hbm4b:s6+s2] =	stream.indirect_vreg.scatter [tilespmem:s22], [sflag:$0x2], $0x80, v3, vm0, $0xb8;
	[tilespmem:$0x10100] =	vst v63  }
0xcb: {  	s21 =	simm.s32 $0x1  }
0xcc: {  	[hbm4b:s7+s2] =	stream.indirect_vreg.scatter [tilespmem:s0], [sflag:$0x2], $0x80, v3, vm0, $0xb8;
	[tilespmem:$0x10100] =	vst v63  }
0xcd: {  	p0 =	sne.s32 s8, $0x1;
	_ =	swait.ge [sflag:s21], $0x10000  }
.Ltmp0:
0xce: {  	[sflag:s21] =	ssyncset.done $0x0;
	(pc) =	sbr.rel @p0 .LBB2_1-.Ltmp0, $4  }
0xcf: {  	s22 =	simm.s32 $0x2;
	[sflag:s21] =	ssyncadd.s32 $0xFFFF0000  }
0xd0: {  	_ =	swait.ge [sflag:s22], $0x10000  }
0xd1: {  	[sflag:s22] =	ssyncset.done $0x0  }
0xd2: {  	s8 =	sadd.s32 $0xFFFFFFFF, s8;
	[sflag:s22] =	ssyncadd.s32 $0xFFFF0000  }
0xd3: {  	_ =	sfence.sel $0x180000  }
0xd4: {  	[bflag:$0x0] =	sbarrier.arrive $0xFFFF  }
0xd5: {  	_ =	strace $0x90000047  }
0xd6: {  	s0 =	stileid.u32;
	[bflag:$0x2] =	sbarrier.arrive $0xFFFF  }
0xd7: {  	p0 =	sne.s32 s0, $0x0;
	s0 =	rddreg [dreg:$0x3]  }
0xd8: {  	s0 =	sadd.s32 @!p0 $0x100000, s0  }
0xd9: {  	[sflag:s0] =	ssyncadd.tile.s32 @!p0 $0x1;
	_ =	shalt  }
.Lfunc_end2:
_tile_overlayer_lowered:
.L_overlay_start_2:
0xda: {  	(tag) =	ssettag $0x2  }
0xdb: {  	s0 =	rddreg [dreg:$0x0];
	s2 =	stileid.u32  }
0xdc: {  	s1 =	rddreg [dreg:$0x1];
	p0 =	sne.s32 s2, $0x0  }
0xdd: {  	s3 =	rddreg [dreg:$0x2];
	[bflag:$0x3] =	sbarrier.arrive $0xFFFF;
	s2 =	simm.s32 @!p0 $0x1C03  }
0xde: {  	[timem:s3], [sflag:s2] =	dma.local @!p0 [hbm:s0], s1  }
0xdf: {  	s0 =	simm.s32 @!p0 $0x3  }
0xe0: {  	_ =	swait.ge @!p0 [sflag:s0], s1  }
0xe1: {  	s1 =	ssub.s32 @!p0 $0x0, s1;
	[sflag:s0] =	ssyncset.done @!p0 $0x0  }
0xe2: {  	[sflag:s0] =	ssyncadd.s32 @!p0 s1  }
0xe3: {  	[bflag:$0x3] =	sbarrier.arrive $0xFFFF  }
0xe4: {  	_ =	shalt  }

</sc_bundles>
